<compile_context>
chip_gen: v7x
topology: tpu7x:2x2x1
jax: 0.10.2.dev20260603
libtpu: 0.0.44.dev20260713+nightly
codegen_flags: <defaults>
</compile_context>

<pallas_src>
import jax
import jax.numpy as jnp
from jax.experimental import pallas as pl

_EPS = 1e-5
_T = 512


def _rsqrt(v):
    return jax.lax.rsqrt(v + _EPS)


def _slot_sum(ref, cnt):
    return jnp.sum(ref[...], axis=1, keepdims=True) / cnt


def _dot(a, b):
    return jax.lax.dot_general(a.astype(jnp.bfloat16), b.astype(jnp.bfloat16),
                               (((1,), (0,)), ((), ())),
                               preferred_element_type=jnp.float32)


def _dot_exact(a, b):
    return jax.lax.dot_general(a, b, (((1,), (0,)), ((), ())),
                               preferred_element_type=jnp.float32,
                               precision=jax.lax.Precision.HIGHEST)


def _full2(arr):
    return pl.BlockSpec(arr.shape, lambda b, t: (0, 0))


def _norm_from_slots(s_ref, ssc_ref, cnt):
    m = _slot_sum(s_ref, cnt)
    v = _slot_sum(ssc_ref, cnt)
    return m, _rsqrt(v)


def _conv_stage(x, w, bias, s_in=None, ssc_in=None, *, relu_in=False,
                write_y=True, with_max=False, trans=None, nbatch=8):
    cin, cols = x.shape
    cout = w.shape[0]
    norm_in = s_in is not None
    nt = cols // (nbatch * _T)
    nslots = nbatch * nt
    cntc = float(cols)

    def body(*refs):
        i = 0
        x_ref = refs[i]; i += 1
        if norm_in:
            si_ref, ssi_ref = refs[i], refs[i + 1]; i += 2
        w_ref, b_ref = refs[i], refs[i + 1]; i += 2
        if trans is not None:
            t_ref = refs[i]; i += 1
        outs = list(refs[i:])
        y_ref = outs.pop(0) if write_y else None
        so_ref = outs.pop(0)
        mx_ref = outs.pop(0) if with_max else None

        ti = pl.program_id(1)
        xv = x_ref[...]
        if norm_in:
            m, inv = _norm_from_slots(si_ref, ssi_ref, cntc)
            xv = (xv - m) * inv
        if relu_in:
            xv = jnp.maximum(xv, 0.0)
        if trans is not None:
            tr = t_ref[0]
            xyz = jax.lax.dot_general(
                tr.astype(jnp.bfloat16), xv[:3].astype(jnp.bfloat16),
                (((0,), (0,)), ((), ())), preferred_element_type=jnp.float32)
            xv = jnp.concatenate([xyz, xv[3:]], axis=0)
        y = _dot(w_ref[...], xv) + b_ref[...]
        if write_y:
            y_ref[...] = y
        idx = pl.program_id(0) * nt + ti
        oh = (jax.lax.broadcasted_iota(jnp.int32, (1, nslots), 1)
              == idx).astype(jnp.float32)

        @pl.when((pl.program_id(0) == 0) & (ti == 0))
        def _():
            so_ref[...] = jnp.zeros_like(so_ref)

        so_ref[...] += jnp.sum(y, axis=1, keepdims=True) * oh
        if with_max:
            @pl.when(ti == 0)
            def _():
                mx_ref[...] = jnp.full_like(mx_ref, -1e30)
            mx_ref[0] = jnp.maximum(mx_ref[0],
                                    jnp.max(y, axis=1, keepdims=True))

    in_specs = [pl.BlockSpec((cin, _T), lambda b, t: (0, b * nt + t))]
    operands = [x]
    if norm_in:
        in_specs += [_full2(s_in), _full2(ssc_in)]
        operands += [s_in, ssc_in]
    in_specs += [pl.BlockSpec(w.shape, lambda b, t: (0, 0)),
                 pl.BlockSpec((cout, 1), lambda b, t: (0, 0))]
    operands += [w, bias]
    if trans is not None:
        in_specs.append(pl.BlockSpec((1, 3, 3), lambda b, t: (b, 0, 0)))
        operands.append(trans)

    out_shapes, out_specs = [], []
    if write_y:
        out_shapes.append(jax.ShapeDtypeStruct((cout, cols), jnp.float32))
        out_specs.append(pl.BlockSpec((cout, _T), lambda b, t: (0, b * nt + t)))
    out_shapes.append(jax.ShapeDtypeStruct((cout, nslots), jnp.float32))
    out_specs.append(pl.BlockSpec((cout, nslots), lambda b, t: (0, 0)))
    if with_max:
        out_shapes.append(jax.ShapeDtypeStruct((nbatch, cout, 1), jnp.float32))
        out_specs.append(pl.BlockSpec((1, cout, 1), lambda b, t: (b, 0, 0)))

    return pl.pallas_call(
        body, grid=(nbatch, nt), in_specs=in_specs, out_specs=out_specs,
        out_shape=out_shapes)(*operands)


def _centered_ss(y, s_slots, nbatch):
    cout, cols = y.shape
    nt = cols // (nbatch * _T)
    cntc = float(cols)

    nslots = s_slots.shape[1]

    def body(y_ref, s_ref, o_ref):
        m = _slot_sum(s_ref, cntc)
        d = y_ref[...] - m
        idx = pl.program_id(0) * nt + pl.program_id(1)
        oh = (jax.lax.broadcasted_iota(jnp.int32, (1, nslots), 1)
              == idx).astype(jnp.float32)

        @pl.when((pl.program_id(0) == 0) & (pl.program_id(1) == 0))
        def _():
            o_ref[...] = jnp.zeros_like(o_ref)

        o_ref[...] += jnp.sum(d * d, axis=1, keepdims=True) * oh

    return pl.pallas_call(
        body, grid=(nbatch, nt),
        in_specs=[pl.BlockSpec((cout, _T), lambda b, t: (0, b * nt + t)),
                  _full2(s_slots)],
        out_specs=[pl.BlockSpec(s_slots.shape, lambda b, t: (0, 0))],
        out_shape=[jax.ShapeDtypeStruct(s_slots.shape, jnp.float32)],
    )(y, s_slots)[0]


def _centered_ss_conv(x, s_in, ssc_in, w, bias, s_slots, nbatch):
    cin, cols = x.shape
    cout = w.shape[0]
    nt = cols // (nbatch * _T)
    nslots = s_slots.shape[1]
    cntc = float(cols)

    def body(x_ref, si_ref, ssi_ref, w_ref, b_ref, s3_ref, o_ref):
        m2, inv2 = _norm_from_slots(si_ref, ssi_ref, cntc)
        xv = jnp.maximum((x_ref[...] - m2) * inv2, 0.0)
        y = _dot(w_ref[...], xv) + b_ref[...]
        m = _slot_sum(s3_ref, cntc)
        d = y - m
        idx = pl.program_id(0) * nt + pl.program_id(1)
        oh = (jax.lax.broadcasted_iota(jnp.int32, (1, nslots), 1)
              == idx).astype(jnp.float32)

        @pl.when((pl.program_id(0) == 0) & (pl.program_id(1) == 0))
        def _():
            o_ref[...] = jnp.zeros_like(o_ref)

        o_ref[...] += jnp.sum(d * d, axis=1, keepdims=True) * oh

    return pl.pallas_call(
        body, grid=(nbatch, nt),
        in_specs=[pl.BlockSpec((cin, _T), lambda b, t: (0, b * nt + t)),
                  _full2(s_in), _full2(ssc_in),
                  pl.BlockSpec(w.shape, lambda b, t: (0, 0)),
                  pl.BlockSpec((cout, 1), lambda b, t: (0, 0)),
                  _full2(s_slots)],
        out_specs=[pl.BlockSpec(s_slots.shape, lambda b, t: (0, 0))],
        out_shape=[jax.ShapeDtypeStruct(s_slots.shape, jnp.float32)],
    )(x, s_in, ssc_in, w, bias, s_slots)[0]


def _bnf_relu(a):
    m = jnp.mean(a, axis=1, keepdims=True)
    d = a - m
    v = jnp.mean(d * d, axis=1, keepdims=True)
    return jnp.maximum(d * _rsqrt(v), 0.0)


def _apply_tf_g1(h1, s4, ssc4, tf, g1w, g1b, nbatch):
    cols = h1.shape[1]
    nt = cols // (nbatch * _T)
    cntc = float(cols)

    def body(h_ref, s_ref, ss_ref, t_ref, w_ref, b_ref,
             ht_ref, yg_ref, sg_ref, ssg_ref):
        bi = pl.program_id(0)
        ti = pl.program_id(1)
        m, inv = _norm_from_slots(s_ref, ss_ref, cntc)
        h0 = jnp.maximum((h_ref[...] - m) * inv, 0.0)
        ht = jax.lax.dot_general(
            t_ref[0].astype(jnp.bfloat16), h0.astype(jnp.bfloat16),
            (((0,), (0,)), ((), ())), preferred_element_type=jnp.float32)
        ht_ref[...] = ht
        yg = _dot(w_ref[...], ht) + b_ref[...]
        yg_ref[...] = yg

        @pl.when((bi == 0) & (ti == 0))
        def _():
            sg_ref[...] = jnp.zeros_like(sg_ref)
            ssg_ref[...] = jnp.zeros_like(ssg_ref)

        sg_ref[...] += jnp.sum(yg, axis=1, keepdims=True)
        ssg_ref[...] += jnp.sum(yg * yg, axis=1, keepdims=True)

    return pl.pallas_call(
        body, grid=(nbatch, nt),
        in_specs=[pl.BlockSpec((64, _T), lambda b, t: (0, b * nt + t)),
                  _full2(s4), _full2(ssc4),
                  pl.BlockSpec((1, 64, 64), lambda b, t: (b, 0, 0)),
                  pl.BlockSpec((128, 64), lambda b, t: (0, 0)),
                  pl.BlockSpec((128, 1), lambda b, t: (0, 0))],
        out_specs=[pl.BlockSpec((64, _T), lambda b, t: (0, b * nt + t)),
                   pl.BlockSpec((128, _T), lambda b, t: (0, b * nt + t)),
                   pl.BlockSpec((128, 1), lambda b, t: (0, 0)),
                   pl.BlockSpec((128, 1), lambda b, t: (0, 0))],
        out_shape=[jax.ShapeDtypeStruct((64, cols), jnp.float32),
                   jax.ShapeDtypeStruct((128, cols), jnp.float32),
                   jax.ShapeDtypeStruct((128, 1), jnp.float32),
                   jax.ShapeDtypeStruct((128, 1), jnp.float32)])(
        h1, s4, ssc4, tf, g1w, g1b)


def _g2_stage(yg1, sg1, ssg1, w, bias, nbatch):
    cin, cols = yg1.shape
    cout = w.shape[0]
    nt = cols // (nbatch * _T)
    cntc = float(cols)

    def body(x_ref, si_ref, ssi_ref, w_ref, b_ref, so_ref, sso_ref, mx_ref):
        bi = pl.program_id(0)
        ti = pl.program_id(1)
        si = si_ref[...]
        m = si / cntc
        inv = _rsqrt(ssi_ref[...] / cntc - m * m)
        xv = jnp.maximum((x_ref[...] - m) * inv, 0.0)
        y = _dot(w_ref[...], xv) + b_ref[...]

        @pl.when((bi == 0) & (ti == 0))
        def _():
            so_ref[...] = jnp.zeros_like(so_ref)
            sso_ref[...] = jnp.zeros_like(sso_ref)

        so_ref[...] += jnp.sum(y, axis=1, keepdims=True)
        sso_ref[...] += jnp.sum(y * y, axis=1, keepdims=True)

        @pl.when(ti == 0)
        def _():
            mx_ref[...] = jnp.full_like(mx_ref, -1e30)
        mx_ref[0] = jnp.maximum(mx_ref[0], jnp.max(y, axis=1, keepdims=True))

    return pl.pallas_call(
        body, grid=(nbatch, nt),
        in_specs=[pl.BlockSpec((cin, _T), lambda b, t: (0, b * nt + t)),
                  pl.BlockSpec((cin, 1), lambda b, t: (0, 0)),
                  pl.BlockSpec((cin, 1), lambda b, t: (0, 0)),
                  pl.BlockSpec(w.shape, lambda b, t: (0, 0)),
                  pl.BlockSpec((cout, 1), lambda b, t: (0, 0))],
        out_specs=[pl.BlockSpec((cout, 1), lambda b, t: (0, 0)),
                   pl.BlockSpec((cout, 1), lambda b, t: (0, 0)),
                   pl.BlockSpec((1, cout, 1), lambda b, t: (b, 0, 0))],
        out_shape=[jax.ShapeDtypeStruct((cout, 1), jnp.float32),
                   jax.ShapeDtypeStruct((cout, 1), jnp.float32),
                   jax.ShapeDtypeStruct((nbatch, cout, 1), jnp.float32)],
    )(yg1, sg1, ssg1, w, bias)


def _ring_stats(ht, ring3, wstack, bstack, nbatch, nring):
    npts = ring3.shape[2]
    nt = npts // _T

    def body(h_ref, r_ref, w_ref, b_ref, pool_ref, s_ref, ss_ref, cnt_ref):
        bi = pl.program_id(0)
        ti = pl.program_id(1)
        y = _dot(w_ref[...], h_ref[...]) + b_ref[...]
        ringv = r_ref[0]

        @pl.when((bi == 0) & (ti == 0))
        def _():
            s_ref[...] = jnp.zeros_like(s_ref)
            ss_ref[...] = jnp.zeros_like(ss_ref)
            cnt_ref[...] = jnp.zeros_like(cnt_ref)

        @pl.when(ti == 0)
        def _():
            pool_ref[...] = jnp.full_like(pool_ref, -1e30)

        for r in range(nring):
            yb = y[128 * r:128 * (r + 1), :]
            mask = ringv == float(r)
            maskf = mask.astype(jnp.float32)
            ym = yb * maskf
            s_ref[:, r:r + 1] += jnp.sum(ym, axis=1, keepdims=True)
            ss_ref[:, r:r + 1] += jnp.sum(ym * yb, axis=1, keepdims=True)
            cnt_ref[:, r:r + 1] += jnp.sum(maskf) * jnp.ones((8, 1), jnp.float32)
            mx = jnp.max(jnp.where(mask, yb, -1e30), axis=1, keepdims=True)
            pool_ref[0, :, r:r + 1] = jnp.maximum(pool_ref[0, :, r:r + 1], mx)

    return pl.pallas_call(
        body, grid=(nbatch, nt),
        in_specs=[pl.BlockSpec((64, _T), lambda b, t: (0, b * nt + t)),
                  pl.BlockSpec((1, 1, _T), lambda b, t: (b, 0, t)),
                  pl.BlockSpec(wstack.shape, lambda b, t: (0, 0)),
                  pl.BlockSpec((nring * 128, 1), lambda b, t: (0, 0))],
        out_specs=[pl.BlockSpec((1, 128, nring), lambda b, t: (b, 0, 0)),
                   pl.BlockSpec((128, nring), lambda b, t: (0, 0)),
                   pl.BlockSpec((128, nring), lambda b, t: (0, 0)),
                   pl.BlockSpec((8, nring), lambda b, t: (0, 0))],
        out_shape=[jax.ShapeDtypeStruct((nbatch, 128, nring), jnp.float32),
                   jax.ShapeDtypeStruct((128, nring), jnp.float32),
                   jax.ShapeDtypeStruct((128, nring), jnp.float32),
                   jax.ShapeDtypeStruct((8, nring), jnp.float32)])(
        ht, ring3, wstack, bstack)


def _assemble(ht, ring3, pool, rs_, rss, rcnt, mg, sg2, ssg2, nbatch, nring):
    cols = ht.shape[1]
    npts = ring3.shape[2]
    nt = npts // _T
    cntc = float(cols)

    def body(h_ref, r_ref, p_ref, s_ref, ss_ref, c_ref, mg_ref, sg_ref,
             ssg_ref, o_ref):
        o_ref[0, 0:64, :] = h_ref[...]
        cnt = jnp.maximum(c_ref[0:1, :], 1.0)
        m = s_ref[...] / cnt
        inv = _rsqrt(ss_ref[...] / cnt - m * m)
        pooln = (p_ref[0] - m) * inv
        ringv = r_ref[0]
        rows = jax.lax.broadcasted_iota(jnp.int32, (nring, ringv.shape[1]), 0)
        oh = (rows == ringv.astype(jnp.int32)).astype(jnp.float32)
        o_ref[0, 64:192, :] = _dot_exact(pooln, oh)
        mgv = sg_ref[...] / cntc
        invg = _rsqrt(ssg_ref[...] / cntc - mgv * mgv)
        g = (mg_ref[0] - mgv) * invg
        o_ref[0, 192:1216, :] = jnp.broadcast_to(g, (1024, ringv.shape[1]))

    return pl.pallas_call(
        body, grid=(nbatch, nt),
        in_specs=[pl.BlockSpec((64, _T), lambda b, t: (0, b * nt + t)),
                  pl.BlockSpec((1, 1, _T), lambda b, t: (b, 0, t)),
                  pl.BlockSpec((1, 128, nring), lambda b, t: (b, 0, 0)),
                  pl.BlockSpec((128, nring), lambda b, t: (0, 0)),
                  pl.BlockSpec((128, nring), lambda b, t: (0, 0)),
                  pl.BlockSpec((8, nring), lambda b, t: (0, 0)),
                  pl.BlockSpec((1, 1024, 1), lambda b, t: (b, 0, 0)),
                  pl.BlockSpec((1024, 1), lambda b, t: (0, 0)),
                  pl.BlockSpec((1024, 1), lambda b, t: (0, 0))],
        out_specs=[pl.BlockSpec((1, 1216, _T), lambda b, t: (b, 0, t))],
        out_shape=[jax.ShapeDtypeStruct((nbatch, 1216, npts), jnp.float32)],
    )(ht, ring3, pool, rs_, rss, rcnt, mg, sg2, ssg2)[0]


def kernel(x, ring, params):
    p = params
    nb, cin, npts = x.shape
    nring = p['r_w'].shape[0]
    cnt = float(nb * npts)
    xc = x.transpose(1, 0, 2).reshape(cin, nb * npts)
    ring3 = ring.reshape(nb, 1, npts)
    stn, fstn = p['stn'], p['fstn']
    rb = lambda b: b.reshape(-1, 1)

    def xstats(y):
        ch = y.shape[0]
        yr = y.reshape(ch, nb, npts).transpose(1, 0, 2)
        m = jnp.mean(yr, axis=(0, 2), keepdims=True)
        v = jnp.var(yr, axis=(0, 2), keepdims=True)
        return (m * cnt).reshape(-1, 1), (v * cnt).reshape(-1, 1), m, v

    def bnf(a):
        m = jnp.mean(a, axis=0, keepdims=True)
        v = jnp.var(a, axis=0, keepdims=True)
        return (a - m) * jax.lax.rsqrt(v + 1e-5)

    def head(mx_raw, m_kd, v_kd, q, k):
        mx = mx_raw.reshape(nb, -1)
        h = jax.nn.relu((mx - m_kd.reshape(1, -1))
                        * jax.lax.rsqrt(v_kd.reshape(1, -1) + 1e-5))
        h = jax.nn.relu(bnf(h @ q['f1_w'].T + q['f1_b']))
        h = jax.nn.relu(bnf(h @ q['f2_w'].T + q['f2_b']))
        h = h @ q['f3_w'].T + q['f3_b']
        h = h + jnp.eye(k, dtype=h.dtype).reshape(1, k * k)
        return h.reshape(-1, k, k)

    y1, _ = _conv_stage(xc, stn['c1_w'], rb(stn['c1_b']), nbatch=nb)
    s1, ssc1, _, _ = xstats(y1)
    y2, _ = _conv_stage(y1, stn['c2_w'], rb(stn['c2_b']), s1, ssc1,
                        relu_in=True, nbatch=nb)
    s2, ssc2, _, _ = xstats(y2)
    y3, _, mx3 = _conv_stage(y2, stn['c3_w'], rb(stn['c3_b']), s2, ssc2,
                             relu_in=True, with_max=True, nbatch=nb)
    _, _, m3, v3 = xstats(y3)
    trans = head(mx3, m3, v3, stn, 3)

    h1, _ = _conv_stage(xc, p['c1_w'], rb(p['c1_b']), trans=trans, nbatch=nb)
    s4, ssc4, _, _ = xstats(h1)

    z1, _ = _conv_stage(h1, fstn['c1_w'], rb(fstn['c1_b']), s4, ssc4,
                        relu_in=True, nbatch=nb)
    s5, ssc5, _, _ = xstats(z1)
    z2, _ = _conv_stage(z1, fstn['c2_w'], rb(fstn['c2_b']), s5, ssc5,
                        relu_in=True, nbatch=nb)
    s6, ssc6, _, _ = xstats(z2)
    z3, _, mxf = _conv_stage(z2, fstn['c3_w'], rb(fstn['c3_b']), s6, ssc6,
                             relu_in=True, with_max=True, nbatch=nb)
    _, _, m7, v7 = xstats(z3)
    tf = head(mxf, m7, v7, fstn, 64)

    ht, yg1, sg1, ssg1 = _apply_tf_g1(h1, s4, ssc4, tf, p['g1_w'],
                                      rb(p['g1_b']), nb)
    sg2, ssg2, mg = _g2_stage(yg1, sg1, ssg1, p['g2_w'], rb(p['g2_b']), nb)

    wstack = p['r_w'].reshape(nring * 128, 64)
    bstack = p['r_b'].reshape(nring * 128, 1)
    pool, rss, rsss, rcnt = _ring_stats(ht, ring3, wstack, bstack, nb, nring)

    return _assemble(ht, ring3, pool, rss, rsss, rcnt, mg, sg2, ssg2,
                     nb, nring)

# --- scband reference (transcript-rebuilt; emitter-appended) ---
"""Pipeline reference for scband-ring-encoder-51393578664320 (READ-ONLY COPY).

The authoritative reference and input builder live on the scoring server;
editing this copy changes nothing except your own understanding.
"""

import jax, jax.numpy as jnp
import numpy as np

B, C, N, NUM_RING = 8, 5, 8192, 16

def conv1d(x, w, b):
    return jnp.einsum('oi,bin->bon', w, x) + b[None, :, None]

def bn_c(x):
    m = jnp.mean(x, axis=(0, 2), keepdims=True)
    v = jnp.var(x, axis=(0, 2), keepdims=True)
    return (x - m) * jax.lax.rsqrt(v + 1e-5)

def bn_f(x):
    m = jnp.mean(x, axis=0, keepdims=True)
    v = jnp.var(x, axis=0, keepdims=True)
    return (x - m) * jax.lax.rsqrt(v + 1e-5)

def fc(x, w, b):
    return x @ w.T + b

def stn_forward(x, p, k):
    h = jax.nn.relu(bn_c(conv1d(x, p['c1_w'], p['c1_b'])))
    h = jax.nn.relu(bn_c(conv1d(h, p['c2_w'], p['c2_b'])))
    h = jax.nn.relu(bn_c(conv1d(h, p['c3_w'], p['c3_b'])))
    h = jnp.max(h, axis=2)
    h = jax.nn.relu(bn_f(fc(h, p['f1_w'], p['f1_b'])))
    h = jax.nn.relu(bn_f(fc(h, p['f2_w'], p['f2_b'])))
    h = fc(h, p['f3_w'], p['f3_b'])
    h = h + jnp.eye(k, dtype=h.dtype).reshape(1, k * k)
    return h.reshape(-1, k, k)

def _stn_params(key, in_ch, k):
    ks = jax.random.split(key, 12)
    def w(i, shape):
        return jax.random.normal(ks[i], shape, dtype=jnp.float32) * 0.05
    return {'c1_w': w(0, (64, in_ch)), 'c1_b': w(1, (64,)),
            'c2_w': w(2, (128, 64)), 'c2_b': w(3, (128,)),
            'c3_w': w(4, (1024, 128)), 'c3_b': w(5, (1024,)),
            'f1_w': w(6, (512, 1024)), 'f1_b': w(7, (512,)),
            'f2_w': w(8, (256, 512)), 'f2_b': w(9, (256,)),
            'f3_w': w(10, (k * k, 256)), 'f3_b': w(11, (k * k,))}

def setup_inputs(seed: int = 0):
    key = jax.random.key(seed)
    ks = jax.random.split(key, 12)
    x = jax.random.normal(ks[0], (B, C, N), dtype=jnp.float32)
    ring = jax.random.randint(ks[1], (B, N), 0, NUM_RING).astype(jnp.float32)
    def w(i, shape):
        return jax.random.normal(ks[i], shape, dtype=jnp.float32) * 0.05
    params = {
        'stn': _stn_params(ks[2], C, 3),
        'fstn': _stn_params(ks[3], 64, 64),
        'c1_w': w(4, (64, C)), 'c1_b': w(5, (64,)),
        'g1_w': w(6, (128, 64)), 'g1_b': w(7, (128,)),
        'g2_w': w(8, (1024, 128)), 'g2_b': w(9, (1024,)),
        'r_w': w(10, (NUM_RING, 128, 64)), 'r_b': w(11, (NUM_RING, 128)),
    }
    return {'x': x, 'ring': ring, 'params': params}

def _forward(x, ring, params):
    b, d, n = x.shape
    trans = stn_forward(x, params['stn'], 3)
    xt = jnp.transpose(x, (0, 2, 1))
    xyz, feat = xt[:, :, :3], xt[:, :, 3:]
    xyz = jnp.einsum('bnd,bde->bne', xyz, trans)
    xt = jnp.concatenate([xyz, feat], axis=2)
    h = jnp.transpose(xt, (0, 2, 1))
    h = jax.nn.relu(bn_c(conv1d(h, params['c1_w'], params['c1_b'])))
    trans_feat = stn_forward(h, params['fstn'], 64)
    ht = jnp.einsum('bnd,bde->bne', jnp.transpose(h, (0, 2, 1)), trans_feat)
    h = jnp.transpose(ht, (0, 2, 1))  # pointfeat [B,64,N]
    # ring-binned pooling: per-ring conv+BN, then per-(batch,ring) segment max broadcast back
    flat = ht.reshape(b * n, 64)
    ring_i = ring.astype(jnp.int32).reshape(b * n)
    batch_i = jnp.repeat(jnp.arange(b, dtype=jnp.int32), n)
    out = jnp.zeros((b * n, 128), dtype=flat.dtype)
    num_ring = params['r_w'].shape[0]
    for r in range(num_ring):
        y = flat @ params['r_w'][r].T + params['r_b'][r]
        mask = (ring_i == r).astype(flat.dtype)[:, None]
        cnt = jnp.maximum(jnp.sum(mask), 1.0)
        m = jnp.sum(y * mask, axis=0, keepdims=True) / cnt
        v = jnp.sum(((y - m) ** 2) * mask, axis=0, keepdims=True) / cnt
        yn = (y - m) * jax.lax.rsqrt(v + 1e-5)
        out = out + yn * mask
    seg = batch_i * num_ring + ring_i
    pooled = jax.ops.segment_max(out, seg, num_segments=b * num_ring)
    ring_feat = jnp.transpose(pooled[seg].reshape(b, n, 128), (0, 2, 1))
    # global pooling branch
    g = jax.nn.relu(bn_c(conv1d(h, params['g1_w'], params['g1_b'])))
    g = bn_c(conv1d(g, params['g2_w'], params['g2_b']))
    g = jnp.max(g, axis=2)
    g = jnp.broadcast_to(g[:, :, None], (b, 1024, n))
    return jnp.concatenate([h, ring_feat, g], axis=1)

def reference(x, ring, params):
    return _forward(x, ring, params)

if __name__ == "__main__":
    import jax
    _d = setup_inputs()
    print(jax.jit(kernel)(*tuple(_d.values())))

</pallas_src>

<mosaic_0001>
module attributes {stable_mosaic.version = 14 : i64} {
  func.func @body(%arg0: i32, %arg1: i32, %arg2: memref<5x512xf32, #tpu.memory_space<vmem>>, %arg3: memref<64x5xf32, #tpu.memory_space<vmem>>, %arg4: memref<64x1xf32, #tpu.memory_space<vmem>>, %arg5: memref<64x512xf32, #tpu.memory_space<vmem>>, %arg6: memref<64x128xf32, #tpu.memory_space<vmem>>) attributes {dimension_semantics = [#tpu.dimension_semantics<arbitrary>, #tpu.dimension_semantics<arbitrary>], iteration_bounds = array<i64: 8, 16>, scalar_prefetch = 0 : i64, scratch_operands = 0 : i64, tpu.core_type = #tpu.core_type<tc>, window_params = [{transform_indices = @transform_0, window_bounds = array<i64: 5, 512>}, {pipeline_mode = #tpu.pipeline_mode<synchronous>, transform_indices = @transform_1, window_bounds = array<i64: 64, 5>}, {pipeline_mode = #tpu.pipeline_mode<synchronous>, transform_indices = @transform_2, window_bounds = array<i64: 64, 1>}, {transform_indices = @transform_3, window_bounds = array<i64: 64, 512>}, {pipeline_mode = #tpu.pipeline_mode<synchronous>, transform_indices = @transform_4, window_bounds = array<i64: 64, 128>}]} {
    %get3A = arith.constant 0 : index
    %get3A_0 = arith.constant 0 : index
    %get3A_1 = vector.load %arg2[%get3A, %get3A_0] : memref<5x512xf32, #tpu.memory_space<vmem>>, vector<5x512xf32>
    %get3A_2 = arith.constant 0 : index
    %get3A_3 = arith.constant 0 : index
    %get3A_4 = vector.load %arg3[%get3A_2, %get3A_3] : memref<64x5xf32, #tpu.memory_space<vmem>>, vector<64x5xf32>
    %convert_element_type3A = arith.truncf %get3A_4 : vector<64x5xf32> to vector<64x5xbf16>
    %convert_element_type3A_5 = arith.truncf %get3A_1 : vector<5x512xf32> to vector<5x512xbf16>
    %dot_general3A = arith.constant dense<0.000000e+00> : vector<64x512xf32>
    %dot_general3A_6 = tpu.matmul %convert_element_type3A, %convert_element_type3A_5, %dot_general3A {dimension_numbers = #tpu.dot_dimension_numbers<[1], [0], [0], [1], [0, 0, 1, 1], [], []>, transpose_lhs_hint = false} : vector<64x5xbf16>, vector<5x512xbf16>, vector<64x512xf32> -> vector<64x512xf32>
    %get3A_7 = arith.constant 0 : index
    %get3A_8 = arith.constant 0 : index
    %get3A_9 = vector.load %arg4[%get3A_7, %get3A_8] : memref<64x1xf32, #tpu.memory_space<vmem>>, vector<64x1xf32>
    %add3A = vector.broadcast %get3A_9 : vector<64x1xf32> to vector<64x512xf32>
    %add3A_10 = arith.addf %dot_general3A_6, %add3A : vector<64x512xf32>
    %swap3A = arith.constant 0 : index
    %swap3A_11 = arith.constant 0 : index
    %swap3A_12 = vector.load %arg5[%swap3A, %swap3A_11] : memref<64x512xf32, #tpu.memory_space<vmem>>, vector<64x512xf32>
    tpu.vector_store %arg5[%swap3A, %swap3A_11], %add3A_10 {strides = array<i32>} : memref<64x512xf32, #tpu.memory_space<vmem>>, vector<64x512xf32>,
    %mul3A = arith.constant 16 : i32
    %mul3A_13 = arith.muli %arg0, %mul3A : i32
    %add3A_14 = arith.addi %mul3A_13, %arg1 : i32
    %iota3A = tpu.iota {dimensions = array<i32: 1>} : vector<1x128xi32>
    %eq3A = vector.broadcast %add3A_14 : i32 to vector<1x128xi32>
    %eq3A_15 = arith.cmpi eq, %iota3A, %eq3A : vector<1x128xi32>
    %convert_element_type3A_16 = arith.extui %eq3A_15 : vector<1x128xi1> to vector<1x128xi32>
    %convert_element_type3A_17 = arith.sitofp %convert_element_type3A_16 : vector<1x128xi32> to vector<1x128xf32>
    %eq3A_18 = arith.constant 0 : i32
    %eq3A_19 = arith.cmpi eq, %arg0, %eq3A_18 : i32
    %eq3A_20 = arith.constant 0 : i32
    %eq3A_21 = arith.cmpi eq, %arg1, %eq3A_20 : i32
    %and3A = arith.andi %eq3A_19, %eq3A_21 : i1
    %convert_element_type3A_22 = arith.extui %and3A : i1 to i32
    %cond3A = arith.constant 0 : i32
    %cond3A_23 = arith.cmpi ne, %convert_element_type3A_22, %cond3A : i32
    scf.if %cond3A_23 {
      %broadcast_in_dim3A_35 = arith.constant 0.000000e+00 : f32
      %broadcast_in_dim3A_36 = vector.broadcast %broadcast_in_dim3A_35 : f32 to vector<64x128xf32>
      %swap3A_37 = arith.constant 0 : index
      %swap3A_38 = arith.constant 0 : index
      %swap3A_39 = vector.load %arg6[%swap3A_37, %swap3A_38] : memref<64x128xf32, #tpu.memory_space<vmem>>, vector<64x128xf32>
      tpu.vector_store %arg6[%swap3A_37, %swap3A_38], %broadcast_in_dim3A_36 {strides = array<i32>} : memref<64x128xf32, #tpu.memory_space<vmem>>, vector<64x128xf32>,
    } else {
    }
    %get3A_24 = arith.constant 0 : index
    %get3A_25 = arith.constant 0 : index
    %get3A_26 = vector.load %arg6[%get3A_24, %get3A_25] : memref<64x128xf32, #tpu.memory_space<vmem>>, vector<64x128xf32>
    %reduce_sum3A = arith.constant dense<0.000000e+00> : vector<64xf32>
    %reduce_sum3A_27 = vector.multi_reduction <add>, %add3A_10, %reduce_sum3A [1] : vector<64x512xf32> to vector<64xf32>
    %broadcast_in_dim3A = vector.shape_cast %reduce_sum3A_27 : vector<64xf32> to vector<64x1xf32>
    %mul3A_28 = vector.broadcast %broadcast_in_dim3A : vector<64x1xf32> to vector<64x128xf32>
    %mul3A_29 = vector.broadcast %convert_element_type3A_17 : vector<1x128xf32> to vector<64x128xf32>
    %mul3A_30 = arith.mulf %mul3A_28, %mul3A_29 : vector<64x128xf32>
    %add3A_31 = arith.addf %get3A_26, %mul3A_30 : vector<64x128xf32>
    %swap3A_32 = arith.constant 0 : index
    %swap3A_33 = arith.constant 0 : index
    %swap3A_34 = vector.load %arg6[%swap3A_32, %swap3A_33] : memref<64x128xf32, #tpu.memory_space<vmem>>, vector<64x128xf32>
    tpu.vector_store %arg6[%swap3A_32, %swap3A_33], %add3A_31 {strides = array<i32>} : memref<64x128xf32, #tpu.memory_space<vmem>>, vector<64x128xf32>,
    return
  }
  func.func @transform_0(%arg0: i32, %arg1: i32) -> (i32, i32) {
    %mul3A = arith.constant 16 : i32
    %mul3A_0 = arith.muli %arg0, %mul3A : i32
    %add3A = arith.addi %mul3A_0, %arg1 : i32
    %c0_i32 = arith.constant 0 : i32
    %c0_i32_1 = arith.constant 0 : i32
    return %c0_i32, %add3A : i32, i32
  }
  func.func @transform_1(%arg0: i32, %arg1: i32) -> (i32, i32) {
    %c0_i32 = arith.constant 0 : i32
    %c0_i32_0 = arith.constant 0 : i32
    %c0_i32_1 = arith.constant 0 : i32
    return %c0_i32, %c0_i32_0 : i32, i32
  }
  func.func @transform_2(%arg0: i32, %arg1: i32) -> (i32, i32) {
    %c0_i32 = arith.constant 0 : i32
    %c0_i32_0 = arith.constant 0 : i32
    %c0_i32_1 = arith.constant 0 : i32
    return %c0_i32, %c0_i32_0 : i32, i32
  }
  func.func @transform_3(%arg0: i32, %arg1: i32) -> (i32, i32) {
    %mul3A = arith.constant 16 : i32
    %mul3A_0 = arith.muli %arg0, %mul3A : i32
    %add3A = arith.addi %mul3A_0, %arg1 : i32
    %c0_i32 = arith.constant 0 : i32
    %c0_i32_1 = arith.constant 0 : i32
    return %c0_i32, %add3A : i32, i32
  }
  func.func @transform_4(%arg0: i32, %arg1: i32) -> (i32, i32) {
    %c0_i32 = arith.constant 0 : i32
    %c0_i32_0 = arith.constant 0 : i32
    %c0_i32_1 = arith.constant 0 : i32
    return %c0_i32, %c0_i32_0 : i32, i32
  }
}

module attributes {stable_mosaic.version = 14 : i64} {
  func.func @body(%arg0: i32, %arg1: i32, %arg2: memref<64x512xf32, #tpu.memory_space<vmem>>, %arg3: memref<64x1xf32, #tpu.memory_space<vmem>>, %arg4: memref<64x1xf32, #tpu.memory_space<vmem>>, %arg5: memref<128x64xf32, #tpu.memory_space<vmem>>, %arg6: memref<128x1xf32, #tpu.memory_space<vmem>>, %arg7: memref<128x512xf32, #tpu.memory_space<vmem>>, %arg8: memref<128x128xf32, #tpu.memory_space<vmem>>) attributes {dimension_semantics = [#tpu.dimension_semantics<arbitrary>, #tpu.dimension_semantics<arbitrary>], iteration_bounds = array<i64: 8, 16>, scalar_prefetch = 0 : i64, scratch_operands = 0 : i64, tpu.core_type = #tpu.core_type<tc>, window_params = [{transform_indices = @transform_0, window_bounds = array<i64: 64, 512>}, {pipeline_mode = #tpu.pipeline_mode<synchronous>, transform_indices = @transform_1, window_bounds = array<i64: 64, 1>}, {pipeline_mode = #tpu.pipeline_mode<synchronous>, transform_indices = @transform_2, window_bounds = array<i64: 64, 1>}, {pipeline_mode = #tpu.pipeline_mode<synchronous>, transform_indices = @transform_3, window_bounds = array<i64: 128, 64>}, {pipeline_mode = #tpu.pipeline_mode<synchronous>, transform_indices = @transform_4, window_bounds = array<i64: 128, 1>}, {transform_indices = @transform_5, window_bounds = array<i64: 128, 512>}, {pipeline_mode = #tpu.pipeline_mode<synchronous>, transform_indices = @transform_6, window_bounds = array<i64: 128, 128>}]} {
    %get3A = arith.constant 0 : index
    %get3A_0 = arith.constant 0 : index
    %get3A_1 = vector.load %arg2[%get3A, %get3A_0] : memref<64x512xf32, #tpu.memory_space<vmem>>, vector<64x512xf32>
    %get3A_2 = arith.constant 0 : index
    %get3A_3 = arith.constant 0 : index
    %get3A_4 = vector.load %arg3[%get3A_2, %get3A_3] : memref<64x1xf32, #tpu.memory_space<vmem>>, vector<64x1xf32>
    %reduce_sum3A = arith.constant dense<0.000000e+00> : vector<64xf32>
    %reduce_sum3A_5 = vector.multi_reduction <add>, %get3A_4, %reduce_sum3A [1] : vector<64x1xf32> to vector<64xf32>
    %broadcast_in_dim3A = vector.shape_cast %reduce_sum3A_5 : vector<64xf32> to vector<64x1xf32>
    %div3A = arith.constant 6.553600e+04 : f32
    %div3A_6 = vector.broadcast %div3A : f32 to vector<64x1xf32>
    %div3A_7 = arith.divf %broadcast_in_dim3A, %div3A_6 : vector<64x1xf32>
    %get3A_8 = arith.constant 0 : index
    %get3A_9 = arith.constant 0 : index
    %get3A_10 = vector.load %arg4[%get3A_8, %get3A_9] : memref<64x1xf32, #tpu.memory_space<vmem>>, vector<64x1xf32>
    %reduce_sum3A_11 = arith.constant dense<0.000000e+00> : vector<64xf32>
    %reduce_sum3A_12 = vector.multi_reduction <add>, %get3A_10, %reduce_sum3A_11 [1] : vector<64x1xf32> to vector<64xf32>
    %broadcast_in_dim3A_13 = vector.shape_cast %reduce_sum3A_12 : vector<64xf32> to vector<64x1xf32>
    %div3A_14 = arith.constant 6.553600e+04 : f32
    %div3A_15 = vector.broadcast %div3A_14 : f32 to vector<64x1xf32>
    %div3A_16 = arith.divf %broadcast_in_dim3A_13, %div3A_15 : vector<64x1xf32>
    %add3A = arith.constant 9.99999974E-6 : f32
    %add3A_17 = vector.broadcast %add3A : f32 to vector<64x1xf32>
    %add3A_18 = arith.addf %div3A_16, %add3A_17 : vector<64x1xf32>
    %rsqrt3A = math.rsqrt %add3A_18 : vector<64x1xf32>
    %sub3A = vector.broadcast %div3A_7 : vector<64x1xf32> to vector<64x512xf32>
    %sub3A_19 = arith.subf %get3A_1, %sub3A : vector<64x512xf32>
    %mul3A = vector.broadcast %rsqrt3A : vector<64x1xf32> to vector<64x512xf32>
    %mul3A_20 = arith.mulf %sub3A_19, %mul3A : vector<64x512xf32>
    %max3A = arith.constant 0.000000e+00 : f32
    %max3A_21 = vector.broadcast %max3A : f32 to vector<64x512xf32>
    %max3A_22 = arith.maximumf %mul3A_20, %max3A_21 : vector<64x512xf32>
    %get3A_23 = arith.constant 0 : index
    %get3A_24 = arith.constant 0 : index
    %get3A_25 = vector.load %arg5[%get3A_23, %get3A_24] : memref<128x64xf32, #tpu.memory_space<vmem>>, vector<128x64xf32>
    %convert_element_type3A = arith.truncf %get3A_25 : vector<128x64xf32> to vector<128x64xbf16>
    %convert_element_type3A_26 = arith.truncf %max3A_22 : vector<64x512xf32> to vector<64x512xbf16>
    %dot_general3A = arith.constant dense<0.000000e+00> : vector<128x512xf32>
    %dot_general3A_27 = tpu.matmul %convert_element_type3A, %convert_element_type3A_26, %dot_general3A {dimension_numbers = #tpu.dot_dimension_numbers<[1], [0], [0], [1], [0, 0, 1, 1], [], []>, transpose_lhs_hint = false} : vector<128x64xbf16>, vector<64x512xbf16>, vector<128x512xf32> -> vector<128x512xf32>
    %get3A_28 = arith.constant 0 : index
    %get3A_29 = arith.constant 0 : index
    %get3A_30 = vector.load %arg6[%get3A_28, %get3A_29] : memref<128x1xf32, #tpu.memory_space<vmem>>, vector<128x1xf32>
    %add3A_31 = vector.broadcast %get3A_30 : vector<128x1xf32> to vector<128x512xf32>
    %add3A_32 = arith.addf %dot_general3A_27, %add3A_31 : vector<128x512xf32>
    %swap3A = arith.constant 0 : index
    %swap3A_33 = arith.constant 0 : index
    %swap3A_34 = vector.load %arg7[%swap3A, %swap3A_33] : memref<128x512xf32, #tpu.memory_space<vmem>>, vector<128x512xf32>
    tpu.vector_store %arg7[%swap3A, %swap3A_33], %add3A_32 {strides = array<i32>} : memref<128x512xf32, #tpu.memory_space<vmem>>, vector<128x512xf32>,
    %mul3A_35 = arith.constant 16 : i32
    %mul3A_36 = arith.muli %arg0, %mul3A_35 : i32
    %add3A_37 = arith.addi %mul3A_36, %arg1 : i32
    %iota3A = tpu.iota {dimensions = array<i32: 1>} : vector<1x128xi32>
    %eq3A = vector.broadcast %add3A_37 : i32 to vector<1x128xi32>
    %eq3A_38 = arith.cmpi eq, %iota3A, %eq3A : vector<1x128xi32>
    %convert_element_type3A_39 = arith.extui %eq3A_38 : vector<1x128xi1> to vector<1x128xi32>
    %convert_element_type3A_40 = arith.sitofp %convert_element_type3A_39 : vector<1x128xi32> to vector<1x128xf32>
    %eq3A_41 = arith.constant 0 : i32
    %eq3A_42 = arith.cmpi eq, %arg0, %eq3A_41 : i32
    %eq3A_43 = arith.constant 0 : i32
    %eq3A_44 = arith.cmpi eq, %arg1, %eq3A_43 : i32
    %and3A = arith.andi %eq3A_42, %eq3A_44 : i1
    %convert_element_type3A_45 = arith.extui %and3A : i1 to i32
    %cond3A = arith.constant 0 : i32
    %cond3A_46 = arith.cmpi ne, %convert_element_type3A_45, %cond3A : i32
    scf.if %cond3A_46 {
      %broadcast_in_dim3A_60 = arith.constant 0.000000e+00 : f32
      %broadcast_in_dim3A_61 = vector.broadcast %broadcast_in_dim3A_60 : f32 to vector<128x128xf32>
      %swap3A_62 = arith.constant 0 : index
      %swap3A_63 = arith.constant 0 : index
      %swap3A_64 = vector.load %arg8[%swap3A_62, %swap3A_63] : memref<128x128xf32, #tpu.memory_space<vmem>>, vector<128x128xf32>
      tpu.vector_store %arg8[%swap3A_62, %swap3A_63], %broadcast_in_dim3A_61 {strides = array<i32>} : memref<128x128xf32, #tpu.memory_space<vmem>>, vector<128x128xf32>,
    } else {
    }
    %get3A_47 = arith.constant 0 : index
    %get3A_48 = arith.constant 0 : index
    %get3A_49 = vector.load %arg8[%get3A_47, %get3A_48] : memref<128x128xf32, #tpu.memory_space<vmem>>, vector<128x128xf32>
    %reduce_sum3A_50 = arith.constant dense<0.000000e+00> : vector<128xf32>
    %reduce_sum3A_51 = vector.multi_reduction <add>, %add3A_32, %reduce_sum3A_50 [1] : vector<128x512xf32> to vector<128xf32>
    %broadcast_in_dim3A_52 = vector.shape_cast %reduce_sum3A_51 : vector<128xf32> to vector<128x1xf32>
    %mul3A_53 = vector.broadcast %broadcast_in_dim3A_52 : vector<128x1xf32> to vector<128x128xf32>
    %mul3A_54 = vector.broadcast %convert_element_type3A_40 : vector<1x128xf32> to vector<128x128xf32>
    %mul3A_55 = arith.mulf %mul3A_53, %mul3A_54 : vector<128x128xf32>
    %add3A_56 = arith.addf %get3A_49, %mul3A_55 : vector<128x128xf32>
    %swap3A_57 = arith.constant 0 : index
    %swap3A_58 = arith.constant 0 : index
    %swap3A_59 = vector.load %arg8[%swap3A_57, %swap3A_58] : memref<128x128xf32, #tpu.memory_space<vmem>>, vector<128x128xf32>
    tpu.vector_store %arg8[%swap3A_57, %swap3A_58], %add3A_56 {strides = array<i32>} : memref<128x128xf32, #tpu.memory_space<vmem>>, vector<128x128xf32>,
    return
  }
  func.func @transform_0(%arg0: i32, %arg1: i32) -> (i32, i32) {
    %mul3A = arith.constant 16 : i32
    %mul3A_0 = arith.muli %arg0, %mul3A : i32
    %add3A = arith.addi %mul3A_0, %arg1 : i32
    %c0_i32 = arith.constant 0 : i32
    %c0_i32_1 = arith.constant 0 : i32
    return %c0_i32, %add3A : i32, i32
  }
  func.func @transform_1(%arg0: i32, %arg1: i32) -> (i32, i32) {
    %c0_i32 = arith.constant 0 : i32
    %c0_i32_0 = arith.constant 0 : i32
    %c0_i32_1 = arith.constant 0 : i32
    return %c0_i32, %c0_i32_0 : i32, i32
  }
  func.func @transform_2(%arg0: i32, %arg1: i32) -> (i32, i32) {
    %c0_i32 = arith.constant 0 : i32
    %c0_i32_0 = arith.constant 0 : i32
    %c0_i32_1 = arith.constant 0 : i32
    return %c0_i32, %c0_i32_0 : i32, i32
  }
  func.func @transform_3(%arg0: i32, %arg1: i32) -> (i32, i32) {
    %c0_i32 = arith.constant 0 : i32
    %c0_i32_0 = arith.constant 0 : i32
    %c0_i32_1 = arith.constant 0 : i32
    return %c0_i32, %c0_i32_0 : i32, i32
  }
  func.func @transform_4(%arg0: i32, %arg1: i32) -> (i32, i32) {
    %c0_i32 = arith.constant 0 : i32
    %c0_i32_0 = arith.constant 0 : i32
    %c0_i32_1 = arith.constant 0 : i32
    return %c0_i32, %c0_i32_0 : i32, i32
  }
  func.func @transform_5(%arg0: i32, %arg1: i32) -> (i32, i32) {
    %mul3A = arith.constant 16 : i32
    %mul3A_0 = arith.muli %arg0, %mul3A : i32
    %add3A = arith.addi %mul3A_0, %arg1 : i32
    %c0_i32 = arith.constant 0 : i32
    %c0_i32_1 = arith.constant 0 : i32
    return %c0_i32, %add3A : i32, i32
  }
  func.func @transform_6(%arg0: i32, %arg1: i32) -> (i32, i32) {
    %c0_i32 = arith.constant 0 : i32
    %c0_i32_0 = arith.constant 0 : i32
    %c0_i32_1 = arith.constant 0 : i32
    return %c0_i32, %c0_i32_0 : i32, i32
  }
}

module attributes {stable_mosaic.version = 14 : i64} {
  func.func @body(%arg0: i32, %arg1: i32, %arg2: memref<128x512xf32, #tpu.memory_space<vmem>>, %arg3: memref<128x1xf32, #tpu.memory_space<vmem>>, %arg4: memref<128x1xf32, #tpu.memory_space<vmem>>, %arg5: memref<1024x128xf32, #tpu.memory_space<vmem>>, %arg6: memref<1024x1xf32, #tpu.memory_space<vmem>>, %arg7: memref<1024x512xf32, #tpu.memory_space<vmem>>, %arg8: memref<1024x128xf32, #tpu.memory_space<vmem>>, %arg9: memref<1x1024x1xf32, #tpu.memory_space<vmem>>) attributes {dimension_semantics = [#tpu.dimension_semantics<arbitrary>, #tpu.dimension_semantics<arbitrary>], iteration_bounds = array<i64: 8, 16>, scalar_prefetch = 0 : i64, scratch_operands = 0 : i64, tpu.core_type = #tpu.core_type<tc>, window_params = [{transform_indices = @transform_0, window_bounds = array<i64: 128, 512>}, {pipeline_mode = #tpu.pipeline_mode<synchronous>, transform_indices = @transform_1, window_bounds = array<i64: 128, 1>}, {pipeline_mode = #tpu.pipeline_mode<synchronous>, transform_indices = @transform_2, window_bounds = array<i64: 128, 1>}, {pipeline_mode = #tpu.pipeline_mode<synchronous>, transform_indices = @transform_3, window_bounds = array<i64: 1024, 128>}, {pipeline_mode = #tpu.pipeline_mode<synchronous>, transform_indices = @transform_4, window_bounds = array<i64: 1024, 1>}, {transform_indices = @transform_5, window_bounds = array<i64: 1024, 512>}, {pipeline_mode = #tpu.pipeline_mode<synchronous>, transform_indices = @transform_6, window_bounds = array<i64: 1024, 128>}, {transform_indices = @transform_7, window_bounds = array<i64: 1, 1024, 1>}]} {
    %get3A = arith.constant 0 : index
    %get3A_0 = arith.constant 0 : index
    %get3A_1 = vector.load %arg2[%get3A, %get3A_0] : memref<128x512xf32, #tpu.memory_space<vmem>>, vector<128x512xf32>
    %get3A_2 = arith.constant 0 : index
    %get3A_3 = arith.constant 0 : index
    %get3A_4 = vector.load %arg3[%get3A_2, %get3A_3] : memref<128x1xf32, #tpu.memory_space<vmem>>, vector<128x1xf32>
    %reduce_sum3A = arith.constant dense<0.000000e+00> : vector<128xf32>
    %reduce_sum3A_5 = vector.multi_reduction <add>, %get3A_4, %reduce_sum3A [1] : vector<128x1xf32> to vector<128xf32>
    %broadcast_in_dim3A = vector.shape_cast %reduce_sum3A_5 : vector<128xf32> to vector<128x1xf32>
    %div3A = arith.constant 6.553600e+04 : f32
    %div3A_6 = vector.broadcast %div3A : f32 to vector<128x1xf32>
    %div3A_7 = arith.divf %broadcast_in_dim3A, %div3A_6 : vector<128x1xf32>
    %get3A_8 = arith.constant 0 : index
    %get3A_9 = arith.constant 0 : index
    %get3A_10 = vector.load %arg4[%get3A_8, %get3A_9] : memref<128x1xf32, #tpu.memory_space<vmem>>, vector<128x1xf32>
    %reduce_sum3A_11 = arith.constant dense<0.000000e+00> : vector<128xf32>
    %reduce_sum3A_12 = vector.multi_reduction <add>, %get3A_10, %reduce_sum3A_11 [1] : vector<128x1xf32> to vector<128xf32>
    %broadcast_in_dim3A_13 = vector.shape_cast %reduce_sum3A_12 : vector<128xf32> to vector<128x1xf32>
    %div3A_14 = arith.constant 6.553600e+04 : f32
    %div3A_15 = vector.broadcast %div3A_14 : f32 to vector<128x1xf32>
    %div3A_16 = arith.divf %broadcast_in_dim3A_13, %div3A_15 : vector<128x1xf32>
    %add3A = arith.constant 9.99999974E-6 : f32
    %add3A_17 = vector.broadcast %add3A : f32 to vector<128x1xf32>
    %add3A_18 = arith.addf %div3A_16, %add3A_17 : vector<128x1xf32>
    %rsqrt3A = math.rsqrt %add3A_18 : vector<128x1xf32>
    %sub3A = vector.broadcast %div3A_7 : vector<128x1xf32> to vector<128x512xf32>
    %sub3A_19 = arith.subf %get3A_1, %sub3A : vector<128x512xf32>
    %mul3A = vector.broadcast %rsqrt3A : vector<128x1xf32> to vector<128x512xf32>
    %mul3A_20 = arith.mulf %sub3A_19, %mul3A : vector<128x512xf32>
    %max3A = arith.constant 0.000000e+00 : f32
    %max3A_21 = vector.broadcast %max3A : f32 to vector<128x512xf32>
    %max3A_22 = arith.maximumf %mul3A_20, %max3A_21 : vector<128x512xf32>
    %get3A_23 = arith.constant 0 : index
    %get3A_24 = arith.constant 0 : index
    %get3A_25 = vector.load %arg5[%get3A_23, %get3A_24] : memref<1024x128xf32, #tpu.memory_space<vmem>>, vector<1024x128xf32>
    %convert_element_type3A = arith.truncf %get3A_25 : vector<1024x128xf32> to vector<1024x128xbf16>
    %convert_element_type3A_26 = arith.truncf %max3A_22 : vector<128x512xf32> to vector<128x512xbf16>
    %dot_general3A = arith.constant dense<0.000000e+00> : vector<1024x512xf32>
    %dot_general3A_27 = tpu.matmul %convert_element_type3A, %convert_element_type3A_26, %dot_general3A {dimension_numbers = #tpu.dot_dimension_numbers<[1], [0], [0], [1], [0, 0, 1, 1], [], []>, transpose_lhs_hint = false} : vector<1024x128xbf16>, vector<128x512xbf16>, vector<1024x512xf32> -> vector<1024x512xf32>
    %get3A_28 = arith.constant 0 : index
    %get3A_29 = arith.constant 0 : index
    %get3A_30 = vector.load %arg6[%get3A_28, %get3A_29] : memref<1024x1xf32, #tpu.memory_space<vmem>>, vector<1024x1xf32>
    %add3A_31 = vector.broadcast %get3A_30 : vector<1024x1xf32> to vector<1024x512xf32>
    %add3A_32 = arith.addf %dot_general3A_27, %add3A_31 : vector<1024x512xf32>
    %swap3A = arith.constant 0 : index
    %swap3A_33 = arith.constant 0 : index
    %swap3A_34 = vector.load %arg7[%swap3A, %swap3A_33] : memref<1024x512xf32, #tpu.memory_space<vmem>>, vector<1024x512xf32>
    tpu.vector_store %arg7[%swap3A, %swap3A_33], %add3A_32 {strides = array<i32>} : memref<1024x512xf32, #tpu.memory_space<vmem>>, vector<1024x512xf32>,
    %mul3A_35 = arith.constant 16 : i32
    %mul3A_36 = arith.muli %arg0, %mul3A_35 : i32
    %add3A_37 = arith.addi %mul3A_36, %arg1 : i32
    %iota3A = tpu.iota {dimensions = array<i32: 1>} : vector<1x128xi32>
    %eq3A = vector.broadcast %add3A_37 : i32 to vector<1x128xi32>
    %eq3A_38 = arith.cmpi eq, %iota3A, %eq3A : vector<1x128xi32>
    %convert_element_type3A_39 = arith.extui %eq3A_38 : vector<1x128xi1> to vector<1x128xi32>
    %convert_element_type3A_40 = arith.sitofp %convert_element_type3A_39 : vector<1x128xi32> to vector<1x128xf32>
    %eq3A_41 = arith.constant 0 : i32
    %eq3A_42 = arith.cmpi eq, %arg0, %eq3A_41 : i32
    %eq3A_43 = arith.constant 0 : i32
    %eq3A_44 = arith.cmpi eq, %arg1, %eq3A_43 : i32
    %and3A = arith.andi %eq3A_42, %eq3A_44 : i1
    %convert_element_type3A_45 = arith.extui %and3A : i1 to i32
    %cond3A = arith.constant 0 : i32
    %cond3A_46 = arith.cmpi ne, %convert_element_type3A_45, %cond3A : i32
    scf.if %cond3A_46 {
      %broadcast_in_dim3A_79 = arith.constant 0.000000e+00 : f32
      %broadcast_in_dim3A_80 = vector.broadcast %broadcast_in_dim3A_79 : f32 to vector<1024x128xf32>
      %swap3A_81 = arith.constant 0 : index
      %swap3A_82 = arith.constant 0 : index
      %swap3A_83 = vector.load %arg8[%swap3A_81, %swap3A_82] : memref<1024x128xf32, #tpu.memory_space<vmem>>, vector<1024x128xf32>
      tpu.vector_store %arg8[%swap3A_81, %swap3A_82], %broadcast_in_dim3A_80 {strides = array<i32>} : memref<1024x128xf32, #tpu.memory_space<vmem>>, vector<1024x128xf32>,
    } else {
    }
    %get3A_47 = arith.constant 0 : index
    %get3A_48 = arith.constant 0 : index
    %get3A_49 = vector.load %arg8[%get3A_47, %get3A_48] : memref<1024x128xf32, #tpu.memory_space<vmem>>, vector<1024x128xf32>
    %reduce_sum3A_50 = arith.constant dense<0.000000e+00> : vector<1024xf32>
    %reduce_sum3A_51 = vector.multi_reduction <add>, %add3A_32, %reduce_sum3A_50 [1] : vector<1024x512xf32> to vector<1024xf32>
    %broadcast_in_dim3A_52 = vector.shape_cast %reduce_sum3A_51 : vector<1024xf32> to vector<1024x1xf32>
    %mul3A_53 = vector.broadcast %broadcast_in_dim3A_52 : vector<1024x1xf32> to vector<1024x128xf32>
    %mul3A_54 = vector.broadcast %convert_element_type3A_40 : vector<1x128xf32> to vector<1024x128xf32>
    %mul3A_55 = arith.mulf %mul3A_53, %mul3A_54 : vector<1024x128xf32>
    %add3A_56 = arith.addf %get3A_49, %mul3A_55 : vector<1024x128xf32>
    %swap3A_57 = arith.constant 0 : index
    %swap3A_58 = arith.constant 0 : index
    %swap3A_59 = vector.load %arg8[%swap3A_57, %swap3A_58] : memref<1024x128xf32, #tpu.memory_space<vmem>>, vector<1024x128xf32>
    tpu.vector_store %arg8[%swap3A_57, %swap3A_58], %add3A_56 {strides = array<i32>} : memref<1024x128xf32, #tpu.memory_space<vmem>>, vector<1024x128xf32>,
    %eq3A_60 = arith.constant 0 : i32
    %eq3A_61 = arith.cmpi eq, %arg1, %eq3A_60 : i32
    %convert_element_type3A_62 = arith.extui %eq3A_61 : i1 to i32
    %cond3A_63 = arith.constant 0 : i32
    %cond3A_64 = arith.cmpi ne, %convert_element_type3A_62, %cond3A_63 : i32
    scf.if %cond3A_64 {
      %broadcast_in_dim3A_79 = arith.constant -1.000000e+30 : f32
      %broadcast_in_dim3A_80 = vector.broadcast %broadcast_in_dim3A_79 : f32 to vector<1x1024x1xf32>
      %swap3A_81 = arith.constant 0 : index
      %swap3A_82 = arith.constant 0 : index
      %swap3A_83 = arith.constant 0 : index
      %swap3A_84 = vector.load %arg9[%swap3A_81, %swap3A_82, %swap3A_83] : memref<1x1024x1xf32, #tpu.memory_space<vmem>>, vector<1x1024x1xf32>
      tpu.vector_store %arg9[%swap3A_81, %swap3A_82, %swap3A_83], %broadcast_in_dim3A_80 {strides = array<i32>} : memref<1x1024x1xf32, #tpu.memory_space<vmem>>, vector<1x1024x1xf32>,
    } else {
    }
    %get3A_65 = arith.constant 0 : index
    %get3A_66 = arith.constant 0 : index
    %get3A_67 = arith.constant 0 : index
    %get3A_68 = vector.load %arg9[%get3A_65, %get3A_66, %get3A_67] : memref<1x1024x1xf32, #tpu.memory_space<vmem>>, vector<1x1024x1xf32>
    %get3A_69 = vector.shape_cast %get3A_68 : vector<1x1024x1xf32> to vector<1024x1xf32>
    %reduce_max3A = arith.constant dense<0xFF800000> : vector<1024xf32>
    %reduce_max3A_70 = vector.multi_reduction <maximumf>, %add3A_32, %reduce_max3A [1] : vector<1024x512xf32> to vector<1024xf32>
    %broadcast_in_dim3A_71 = vector.shape_cast %reduce_max3A_70 : vector<1024xf32> to vector<1024x1xf32>
    %max3A_72 = arith.maximumf %get3A_69, %broadcast_in_dim3A_71 : vector<1024x1xf32>
    %swap3A_73 = arith.constant 0 : index
    %swap3A_74 = arith.constant 0 : index
    %swap3A_75 = arith.constant 0 : index
    %swap3A_76 = vector.load %arg9[%swap3A_73, %swap3A_74, %swap3A_75] : memref<1x1024x1xf32, #tpu.memory_space<vmem>>, vector<1x1024x1xf32>
    %swap3A_77 = vector.shape_cast %swap3A_76 : vector<1x1024x1xf32> to vector<1024x1xf32>
    %swap3A_78 = vector.shape_cast %max3A_72 : vector<1024x1xf32> to vector<1x1024x1xf32>
    tpu.vector_store %arg9[%swap3A_73, %swap3A_74, %swap3A_75], %swap3A_78 {strides = array<i32>} : memref<1x1024x1xf32, #tpu.memory_space<vmem>>, vector<1x1024x1xf32>,
    return
  }
  func.func @transform_0(%arg0: i32, %arg1: i32) -> (i32, i32) {
    %mul3A = arith.constant 16 : i32
    %mul3A_0 = arith.muli %arg0, %mul3A : i32
    %add3A = arith.addi %mul3A_0, %arg1 : i32
    %c0_i32 = arith.constant 0 : i32
    %c0_i32_1 = arith.constant 0 : i32
    return %c0_i32, %add3A : i32, i32
  }
  func.func @transform_1(%arg0: i32, %arg1: i32) -> (i32, i32) {
    %c0_i32 = arith.constant 0 : i32
    %c0_i32_0 = arith.constant 0 : i32
    %c0_i32_1 = arith.constant 0 : i32
    return %c0_i32, %c0_i32_0 : i32, i32
  }
  func.func @transform_2(%arg0: i32, %arg1: i32) -> (i32, i32) {
    %c0_i32 = arith.constant 0 : i32
    %c0_i32_0 = arith.constant 0 : i32
    %c0_i32_1 = arith.constant 0 : i32
    return %c0_i32, %c0_i32_0 : i32, i32
  }
  func.func @transform_3(%arg0: i32, %arg1: i32) -> (i32, i32) {
    %c0_i32 = arith.constant 0 : i32
    %c0_i32_0 = arith.constant 0 : i32
    %c0_i32_1 = arith.constant 0 : i32
    return %c0_i32, %c0_i32_0 : i32, i32
  }
  func.func @transform_4(%arg0: i32, %arg1: i32) -> (i32, i32) {
    %c0_i32 = arith.constant 0 : i32
    %c0_i32_0 = arith.constant 0 : i32
    %c0_i32_1 = arith.constant 0 : i32
    return %c0_i32, %c0_i32_0 : i32, i32
  }
  func.func @transform_5(%arg0: i32, %arg1: i32) -> (i32, i32) {
    %mul3A = arith.constant 16 : i32
    %mul3A_0 = arith.muli %arg0, %mul3A : i32
    %add3A = arith.addi %mul3A_0, %arg1 : i32
    %c0_i32 = arith.constant 0 : i32
    %c0_i32_1 = arith.constant 0 : i32
    return %c0_i32, %add3A : i32, i32
  }
  func.func @transform_6(%arg0: i32, %arg1: i32) -> (i32, i32) {
    %c0_i32 = arith.constant 0 : i32
    %c0_i32_0 = arith.constant 0 : i32
    %c0_i32_1 = arith.constant 0 : i32
    return %c0_i32, %c0_i32_0 : i32, i32
  }
  func.func @transform_7(%arg0: i32, %arg1: i32) -> (i32, i32, i32) {
    %c0_i32 = arith.constant 0 : i32
    %c0_i32_0 = arith.constant 0 : i32
    %c0_i32_1 = arith.constant 0 : i32
    return %arg0, %c0_i32, %c0_i32_0 : i32, i32, i32
  }
}

module attributes {stable_mosaic.version = 14 : i64} {
  func.func @body(%arg0: i32, %arg1: i32, %arg2: memref<5x512xf32, #tpu.memory_space<vmem>>, %arg3: memref<64x5xf32, #tpu.memory_space<vmem>>, %arg4: memref<64x1xf32, #tpu.memory_space<vmem>>, %arg5: memref<1x3x3xf32, #tpu.memory_space<vmem>>, %arg6: memref<64x512xf32, #tpu.memory_space<vmem>>, %arg7: memref<64x128xf32, #tpu.memory_space<vmem>>) attributes {dimension_semantics = [#tpu.dimension_semantics<arbitrary>, #tpu.dimension_semantics<arbitrary>], iteration_bounds = array<i64: 8, 16>, scalar_prefetch = 0 : i64, scratch_operands = 0 : i64, tpu.core_type = #tpu.core_type<tc>, window_params = [{transform_indices = @transform_0, window_bounds = array<i64: 5, 512>}, {pipeline_mode = #tpu.pipeline_mode<synchronous>, transform_indices = @transform_1, window_bounds = array<i64: 64, 5>}, {pipeline_mode = #tpu.pipeline_mode<synchronous>, transform_indices = @transform_2, window_bounds = array<i64: 64, 1>}, {transform_indices = @transform_3, window_bounds = array<i64: 1, 3, 3>}, {transform_indices = @transform_4, window_bounds = array<i64: 64, 512>}, {pipeline_mode = #tpu.pipeline_mode<synchronous>, transform_indices = @transform_5, window_bounds = array<i64: 64, 128>}]} {
    %get3A = arith.constant 0 : index
    %get3A_0 = arith.constant 0 : index
    %get3A_1 = vector.load %arg2[%get3A, %get3A_0] : memref<5x512xf32, #tpu.memory_space<vmem>>, vector<5x512xf32>
    %get3A_2 = arith.constant 0 : index
    %get3A_3 = arith.constant 0 : index
    %get3A_4 = arith.constant 0 : index
    %get3A_5 = vector.load %arg5[%get3A_2, %get3A_3, %get3A_4] : memref<1x3x3xf32, #tpu.memory_space<vmem>>, vector<1x3x3xf32>
    %get3A_6 = vector.shape_cast %get3A_5 : vector<1x3x3xf32> to vector<3x3xf32>
    %convert_element_type3A = arith.truncf %get3A_6 : vector<3x3xf32> to vector<3x3xbf16>
    %slice3A = vector.extract_strided_slice %get3A_1 {offsets = [0, 0], sizes = [3, 512], strides = [1, 1]} : vector<5x512xf32> to vector<3x512xf32>
    %convert_element_type3A_7 = arith.truncf %slice3A : vector<3x512xf32> to vector<3x512xbf16>
    %dot_general3A = arith.constant dense<0.000000e+00> : vector<3x512xf32>
    %dot_general3A_8 = tpu.matmul %convert_element_type3A, %convert_element_type3A_7, %dot_general3A {dimension_numbers = #tpu.dot_dimension_numbers<[0], [0], [1], [1], [0, 1, 1, 1], [], []>, transpose_lhs_hint = false} : vector<3x3xbf16>, vector<3x512xbf16>, vector<3x512xf32> -> vector<3x512xf32>
    %slice3A_9 = vector.extract_strided_slice %get3A_1 {offsets = [3, 0], sizes = [2, 512], strides = [1, 1]} : vector<5x512xf32> to vector<2x512xf32>
    %concatenate3A = tpu.concatenate %dot_general3A_8, %slice3A_9 in 0 : vector<3x512xf32>, vector<2x512xf32> -> vector<5x512xf32>
    %get3A_10 = arith.constant 0 : index
    %get3A_11 = arith.constant 0 : index
    %get3A_12 = vector.load %arg3[%get3A_10, %get3A_11] : memref<64x5xf32, #tpu.memory_space<vmem>>, vector<64x5xf32>
    %convert_element_type3A_13 = arith.truncf %get3A_12 : vector<64x5xf32> to vector<64x5xbf16>
    %convert_element_type3A_14 = arith.truncf %concatenate3A : vector<5x512xf32> to vector<5x512xbf16>
    %dot_general3A_15 = arith.constant dense<0.000000e+00> : vector<64x512xf32>
    %dot_general3A_16 = tpu.matmul %convert_element_type3A_13, %convert_element_type3A_14, %dot_general3A_15 {dimension_numbers = #tpu.dot_dimension_numbers<[1], [0], [0], [1], [0, 0, 1, 1], [], []>, transpose_lhs_hint = false} : vector<64x5xbf16>, vector<5x512xbf16>, vector<64x512xf32> -> vector<64x512xf32>
    %get3A_17 = arith.constant 0 : index
    %get3A_18 = arith.constant 0 : index
    %get3A_19 = vector.load %arg4[%get3A_17, %get3A_18] : memref<64x1xf32, #tpu.memory_space<vmem>>, vector<64x1xf32>
    %add3A = vector.broadcast %get3A_19 : vector<64x1xf32> to vector<64x512xf32>
    %add3A_20 = arith.addf %dot_general3A_16, %add3A : vector<64x512xf32>
    %swap3A = arith.constant 0 : index
    %swap3A_21 = arith.constant 0 : index
    %swap3A_22 = vector.load %arg6[%swap3A, %swap3A_21] : memref<64x512xf32, #tpu.memory_space<vmem>>, vector<64x512xf32>
    tpu.vector_store %arg6[%swap3A, %swap3A_21], %add3A_20 {strides = array<i32>} : memref<64x512xf32, #tpu.memory_space<vmem>>, vector<64x512xf32>,
    %mul3A = arith.constant 16 : i32
    %mul3A_23 = arith.muli %arg0, %mul3A : i32
    %add3A_24 = arith.addi %mul3A_23, %arg1 : i32
    %iota3A = tpu.iota {dimensions = array<i32: 1>} : vector<1x128xi32>
    %eq3A = vector.broadcast %add3A_24 : i32 to vector<1x128xi32>
    %eq3A_25 = arith.cmpi eq, %iota3A, %eq3A : vector<1x128xi32>
    %convert_element_type3A_26 = arith.extui %eq3A_25 : vector<1x128xi1> to vector<1x128xi32>
    %convert_element_type3A_27 = arith.sitofp %convert_element_type3A_26 : vector<1x128xi32> to vector<1x128xf32>
    %eq3A_28 = arith.constant 0 : i32
    %eq3A_29 = arith.cmpi eq, %arg0, %eq3A_28 : i32
    %eq3A_30 = arith.constant 0 : i32
    %eq3A_31 = arith.cmpi eq, %arg1, %eq3A_30 : i32
    %and3A = arith.andi %eq3A_29, %eq3A_31 : i1
    %convert_element_type3A_32 = arith.extui %and3A : i1 to i32
    %cond3A = arith.constant 0 : i32
    %cond3A_33 = arith.cmpi ne, %convert_element_type3A_32, %cond3A : i32
    scf.if %cond3A_33 {
      %broadcast_in_dim3A_45 = arith.constant 0.000000e+00 : f32
      %broadcast_in_dim3A_46 = vector.broadcast %broadcast_in_dim3A_45 : f32 to vector<64x128xf32>
      %swap3A_47 = arith.constant 0 : index
      %swap3A_48 = arith.constant 0 : index
      %swap3A_49 = vector.load %arg7[%swap3A_47, %swap3A_48] : memref<64x128xf32, #tpu.memory_space<vmem>>, vector<64x128xf32>
      tpu.vector_store %arg7[%swap3A_47, %swap3A_48], %broadcast_in_dim3A_46 {strides = array<i32>} : memref<64x128xf32, #tpu.memory_space<vmem>>, vector<64x128xf32>,
    } else {
    }
    %get3A_34 = arith.constant 0 : index
    %get3A_35 = arith.constant 0 : index
    %get3A_36 = vector.load %arg7[%get3A_34, %get3A_35] : memref<64x128xf32, #tpu.memory_space<vmem>>, vector<64x128xf32>
    %reduce_sum3A = arith.constant dense<0.000000e+00> : vector<64xf32>
    %reduce_sum3A_37 = vector.multi_reduction <add>, %add3A_20, %reduce_sum3A [1] : vector<64x512xf32> to vector<64xf32>
    %broadcast_in_dim3A = vector.shape_cast %reduce_sum3A_37 : vector<64xf32> to vector<64x1xf32>
    %mul3A_38 = vector.broadcast %broadcast_in_dim3A : vector<64x1xf32> to vector<64x128xf32>
    %mul3A_39 = vector.broadcast %convert_element_type3A_27 : vector<1x128xf32> to vector<64x128xf32>
    %mul3A_40 = arith.mulf %mul3A_38, %mul3A_39 : vector<64x128xf32>
    %add3A_41 = arith.addf %get3A_36, %mul3A_40 : vector<64x128xf32>
    %swap3A_42 = arith.constant 0 : index
    %swap3A_43 = arith.constant 0 : index
    %swap3A_44 = vector.load %arg7[%swap3A_42, %swap3A_43] : memref<64x128xf32, #tpu.memory_space<vmem>>, vector<64x128xf32>
    tpu.vector_store %arg7[%swap3A_42, %swap3A_43], %add3A_41 {strides = array<i32>} : memref<64x128xf32, #tpu.memory_space<vmem>>, vector<64x128xf32>,
    return
  }
  func.func @transform_0(%arg0: i32, %arg1: i32) -> (i32, i32) {
    %mul3A = arith.constant 16 : i32
    %mul3A_0 = arith.muli %arg0, %mul3A : i32
    %add3A = arith.addi %mul3A_0, %arg1 : i32
    %c0_i32 = arith.constant 0 : i32
    %c0_i32_1 = arith.constant 0 : i32
    return %c0_i32, %add3A : i32, i32
  }
  func.func @transform_1(%arg0: i32, %arg1: i32) -> (i32, i32) {
    %c0_i32 = arith.constant 0 : i32
    %c0_i32_0 = arith.constant 0 : i32
    %c0_i32_1 = arith.constant 0 : i32
    return %c0_i32, %c0_i32_0 : i32, i32
  }
  func.func @transform_2(%arg0: i32, %arg1: i32) -> (i32, i32) {
    %c0_i32 = arith.constant 0 : i32
    %c0_i32_0 = arith.constant 0 : i32
    %c0_i32_1 = arith.constant 0 : i32
    return %c0_i32, %c0_i32_0 : i32, i32
  }
  func.func @transform_3(%arg0: i32, %arg1: i32) -> (i32, i32, i32) {
    %c0_i32 = arith.constant 0 : i32
    %c0_i32_0 = arith.constant 0 : i32
    %c0_i32_1 = arith.constant 0 : i32
    return %arg0, %c0_i32, %c0_i32_0 : i32, i32, i32
  }
  func.func @transform_4(%arg0: i32, %arg1: i32) -> (i32, i32) {
    %mul3A = arith.constant 16 : i32
    %mul3A_0 = arith.muli %arg0, %mul3A : i32
    %add3A = arith.addi %mul3A_0, %arg1 : i32
    %c0_i32 = arith.constant 0 : i32
    %c0_i32_1 = arith.constant 0 : i32
    return %c0_i32, %add3A : i32, i32
  }
  func.func @transform_5(%arg0: i32, %arg1: i32) -> (i32, i32) {
    %c0_i32 = arith.constant 0 : i32
    %c0_i32_0 = arith.constant 0 : i32
    %c0_i32_1 = arith.constant 0 : i32
    return %c0_i32, %c0_i32_0 : i32, i32
  }
}

module attributes {stable_mosaic.version = 14 : i64} {
  func.func @body(%arg0: i32, %arg1: i32, %arg2: memref<64x512xf32, #tpu.memory_space<vmem>>, %arg3: memref<64x1xf32, #tpu.memory_space<vmem>>, %arg4: memref<64x1xf32, #tpu.memory_space<vmem>>, %arg5: memref<64x64xf32, #tpu.memory_space<vmem>>, %arg6: memref<64x1xf32, #tpu.memory_space<vmem>>, %arg7: memref<64x512xf32, #tpu.memory_space<vmem>>, %arg8: memref<64x128xf32, #tpu.memory_space<vmem>>) attributes {dimension_semantics = [#tpu.dimension_semantics<arbitrary>, #tpu.dimension_semantics<arbitrary>], iteration_bounds = array<i64: 8, 16>, scalar_prefetch = 0 : i64, scratch_operands = 0 : i64, tpu.core_type = #tpu.core_type<tc>, window_params = [{transform_indices = @transform_0, window_bounds = array<i64: 64, 512>}, {pipeline_mode = #tpu.pipeline_mode<synchronous>, transform_indices = @transform_1, window_bounds = array<i64: 64, 1>}, {pipeline_mode = #tpu.pipeline_mode<synchronous>, transform_indices = @transform_2, window_bounds = array<i64: 64, 1>}, {pipeline_mode = #tpu.pipeline_mode<synchronous>, transform_indices = @transform_3, window_bounds = array<i64: 64, 64>}, {pipeline_mode = #tpu.pipeline_mode<synchronous>, transform_indices = @transform_4, window_bounds = array<i64: 64, 1>}, {transform_indices = @transform_5, window_bounds = array<i64: 64, 512>}, {pipeline_mode = #tpu.pipeline_mode<synchronous>, transform_indices = @transform_6, window_bounds = array<i64: 64, 128>}]} {
    %get3A = arith.constant 0 : index
    %get3A_0 = arith.constant 0 : index
    %get3A_1 = vector.load %arg2[%get3A, %get3A_0] : memref<64x512xf32, #tpu.memory_space<vmem>>, vector<64x512xf32>
    %get3A_2 = arith.constant 0 : index
    %get3A_3 = arith.constant 0 : index
    %get3A_4 = vector.load %arg3[%get3A_2, %get3A_3] : memref<64x1xf32, #tpu.memory_space<vmem>>, vector<64x1xf32>
    %reduce_sum3A = arith.constant dense<0.000000e+00> : vector<64xf32>
    %reduce_sum3A_5 = vector.multi_reduction <add>, %get3A_4, %reduce_sum3A [1] : vector<64x1xf32> to vector<64xf32>
    %broadcast_in_dim3A = vector.shape_cast %reduce_sum3A_5 : vector<64xf32> to vector<64x1xf32>
    %div3A = arith.constant 6.553600e+04 : f32
    %div3A_6 = vector.broadcast %div3A : f32 to vector<64x1xf32>
    %div3A_7 = arith.divf %broadcast_in_dim3A, %div3A_6 : vector<64x1xf32>
    %get3A_8 = arith.constant 0 : index
    %get3A_9 = arith.constant 0 : index
    %get3A_10 = vector.load %arg4[%get3A_8, %get3A_9] : memref<64x1xf32, #tpu.memory_space<vmem>>, vector<64x1xf32>
    %reduce_sum3A_11 = arith.constant dense<0.000000e+00> : vector<64xf32>
    %reduce_sum3A_12 = vector.multi_reduction <add>, %get3A_10, %reduce_sum3A_11 [1] : vector<64x1xf32> to vector<64xf32>
    %broadcast_in_dim3A_13 = vector.shape_cast %reduce_sum3A_12 : vector<64xf32> to vector<64x1xf32>
    %div3A_14 = arith.constant 6.553600e+04 : f32
    %div3A_15 = vector.broadcast %div3A_14 : f32 to vector<64x1xf32>
    %div3A_16 = arith.divf %broadcast_in_dim3A_13, %div3A_15 : vector<64x1xf32>
    %add3A = arith.constant 9.99999974E-6 : f32
    %add3A_17 = vector.broadcast %add3A : f32 to vector<64x1xf32>
    %add3A_18 = arith.addf %div3A_16, %add3A_17 : vector<64x1xf32>
    %rsqrt3A = math.rsqrt %add3A_18 : vector<64x1xf32>
    %sub3A = vector.broadcast %div3A_7 : vector<64x1xf32> to vector<64x512xf32>
    %sub3A_19 = arith.subf %get3A_1, %sub3A : vector<64x512xf32>
    %mul3A = vector.broadcast %rsqrt3A : vector<64x1xf32> to vector<64x512xf32>
    %mul3A_20 = arith.mulf %sub3A_19, %mul3A : vector<64x512xf32>
    %max3A = arith.constant 0.000000e+00 : f32
    %max3A_21 = vector.broadcast %max3A : f32 to vector<64x512xf32>
    %max3A_22 = arith.maximumf %mul3A_20, %max3A_21 : vector<64x512xf32>
    %get3A_23 = arith.constant 0 : index
    %get3A_24 = arith.constant 0 : index
    %get3A_25 = vector.load %arg5[%get3A_23, %get3A_24] : memref<64x64xf32, #tpu.memory_space<vmem>>, vector<64x64xf32>
    %convert_element_type3A = arith.truncf %get3A_25 : vector<64x64xf32> to vector<64x64xbf16>
    %convert_element_type3A_26 = arith.truncf %max3A_22 : vector<64x512xf32> to vector<64x512xbf16>
    %dot_general3A = arith.constant dense<0.000000e+00> : vector<64x512xf32>
    %dot_general3A_27 = tpu.matmul %convert_element_type3A, %convert_element_type3A_26, %dot_general3A {dimension_numbers = #tpu.dot_dimension_numbers<[1], [0], [0], [1], [0, 0, 1, 1], [], []>, transpose_lhs_hint = false} : vector<64x64xbf16>, vector<64x512xbf16>, vector<64x512xf32> -> vector<64x512xf32>
    %get3A_28 = arith.constant 0 : index
    %get3A_29 = arith.constant 0 : index
    %get3A_30 = vector.load %arg6[%get3A_28, %get3A_29] : memref<64x1xf32, #tpu.memory_space<vmem>>, vector<64x1xf32>
    %add3A_31 = vector.broadcast %get3A_30 : vector<64x1xf32> to vector<64x512xf32>
    %add3A_32 = arith.addf %dot_general3A_27, %add3A_31 : vector<64x512xf32>
    %swap3A = arith.constant 0 : index
    %swap3A_33 = arith.constant 0 : index
    %swap3A_34 = vector.load %arg7[%swap3A, %swap3A_33] : memref<64x512xf32, #tpu.memory_space<vmem>>, vector<64x512xf32>
    tpu.vector_store %arg7[%swap3A, %swap3A_33], %add3A_32 {strides = array<i32>} : memref<64x512xf32, #tpu.memory_space<vmem>>, vector<64x512xf32>,
    %mul3A_35 = arith.constant 16 : i32
    %mul3A_36 = arith.muli %arg0, %mul3A_35 : i32
    %add3A_37 = arith.addi %mul3A_36, %arg1 : i32
    %iota3A = tpu.iota {dimensions = array<i32: 1>} : vector<1x128xi32>
    %eq3A = vector.broadcast %add3A_37 : i32 to vector<1x128xi32>
    %eq3A_38 = arith.cmpi eq, %iota3A, %eq3A : vector<1x128xi32>
    %convert_element_type3A_39 = arith.extui %eq3A_38 : vector<1x128xi1> to vector<1x128xi32>
    %convert_element_type3A_40 = arith.sitofp %convert_element_type3A_39 : vector<1x128xi32> to vector<1x128xf32>
    %eq3A_41 = arith.constant 0 : i32
    %eq3A_42 = arith.cmpi eq, %arg0, %eq3A_41 : i32
    %eq3A_43 = arith.constant 0 : i32
    %eq3A_44 = arith.cmpi eq, %arg1, %eq3A_43 : i32
    %and3A = arith.andi %eq3A_42, %eq3A_44 : i1
    %convert_element_type3A_45 = arith.extui %and3A : i1 to i32
    %cond3A = arith.constant 0 : i32
    %cond3A_46 = arith.cmpi ne, %convert_element_type3A_45, %cond3A : i32
    scf.if %cond3A_46 {
      %broadcast_in_dim3A_60 = arith.constant 0.000000e+00 : f32
      %broadcast_in_dim3A_61 = vector.broadcast %broadcast_in_dim3A_60 : f32 to vector<64x128xf32>
      %swap3A_62 = arith.constant 0 : index
      %swap3A_63 = arith.constant 0 : index
      %swap3A_64 = vector.load %arg8[%swap3A_62, %swap3A_63] : memref<64x128xf32, #tpu.memory_space<vmem>>, vector<64x128xf32>
      tpu.vector_store %arg8[%swap3A_62, %swap3A_63], %broadcast_in_dim3A_61 {strides = array<i32>} : memref<64x128xf32, #tpu.memory_space<vmem>>, vector<64x128xf32>,
    } else {
    }
    %get3A_47 = arith.constant 0 : index
    %get3A_48 = arith.constant 0 : index
    %get3A_49 = vector.load %arg8[%get3A_47, %get3A_48] : memref<64x128xf32, #tpu.memory_space<vmem>>, vector<64x128xf32>
    %reduce_sum3A_50 = arith.constant dense<0.000000e+00> : vector<64xf32>
    %reduce_sum3A_51 = vector.multi_reduction <add>, %add3A_32, %reduce_sum3A_50 [1] : vector<64x512xf32> to vector<64xf32>
    %broadcast_in_dim3A_52 = vector.shape_cast %reduce_sum3A_51 : vector<64xf32> to vector<64x1xf32>
    %mul3A_53 = vector.broadcast %broadcast_in_dim3A_52 : vector<64x1xf32> to vector<64x128xf32>
    %mul3A_54 = vector.broadcast %convert_element_type3A_40 : vector<1x128xf32> to vector<64x128xf32>
    %mul3A_55 = arith.mulf %mul3A_53, %mul3A_54 : vector<64x128xf32>
    %add3A_56 = arith.addf %get3A_49, %mul3A_55 : vector<64x128xf32>
    %swap3A_57 = arith.constant 0 : index
    %swap3A_58 = arith.constant 0 : index
    %swap3A_59 = vector.load %arg8[%swap3A_57, %swap3A_58] : memref<64x128xf32, #tpu.memory_space<vmem>>, vector<64x128xf32>
    tpu.vector_store %arg8[%swap3A_57, %swap3A_58], %add3A_56 {strides = array<i32>} : memref<64x128xf32, #tpu.memory_space<vmem>>, vector<64x128xf32>,
    return
  }
  func.func @transform_0(%arg0: i32, %arg1: i32) -> (i32, i32) {
    %mul3A = arith.constant 16 : i32
    %mul3A_0 = arith.muli %arg0, %mul3A : i32
    %add3A = arith.addi %mul3A_0, %arg1 : i32
    %c0_i32 = arith.constant 0 : i32
    %c0_i32_1 = arith.constant 0 : i32
    return %c0_i32, %add3A : i32, i32
  }
  func.func @transform_1(%arg0: i32, %arg1: i32) -> (i32, i32) {
    %c0_i32 = arith.constant 0 : i32
    %c0_i32_0 = arith.constant 0 : i32
    %c0_i32_1 = arith.constant 0 : i32
    return %c0_i32, %c0_i32_0 : i32, i32
  }
  func.func @transform_2(%arg0: i32, %arg1: i32) -> (i32, i32) {
    %c0_i32 = arith.constant 0 : i32
    %c0_i32_0 = arith.constant 0 : i32
    %c0_i32_1 = arith.constant 0 : i32
    return %c0_i32, %c0_i32_0 : i32, i32
  }
  func.func @transform_3(%arg0: i32, %arg1: i32) -> (i32, i32) {
    %c0_i32 = arith.constant 0 : i32
    %c0_i32_0 = arith.constant 0 : i32
    %c0_i32_1 = arith.constant 0 : i32
    return %c0_i32, %c0_i32_0 : i32, i32
  }
  func.func @transform_4(%arg0: i32, %arg1: i32) -> (i32, i32) {
    %c0_i32 = arith.constant 0 : i32
    %c0_i32_0 = arith.constant 0 : i32
    %c0_i32_1 = arith.constant 0 : i32
    return %c0_i32, %c0_i32_0 : i32, i32
  }
  func.func @transform_5(%arg0: i32, %arg1: i32) -> (i32, i32) {
    %mul3A = arith.constant 16 : i32
    %mul3A_0 = arith.muli %arg0, %mul3A : i32
    %add3A = arith.addi %mul3A_0, %arg1 : i32
    %c0_i32 = arith.constant 0 : i32
    %c0_i32_1 = arith.constant 0 : i32
    return %c0_i32, %add3A : i32, i32
  }
  func.func @transform_6(%arg0: i32, %arg1: i32) -> (i32, i32) {
    %c0_i32 = arith.constant 0 : i32
    %c0_i32_0 = arith.constant 0 : i32
    %c0_i32_1 = arith.constant 0 : i32
    return %c0_i32, %c0_i32_0 : i32, i32
  }
}

module attributes {stable_mosaic.version = 14 : i64} {
  func.func @body(%arg0: i32, %arg1: i32, %arg2: memref<64x512xf32, #tpu.memory_space<vmem>>, %arg3: memref<64x1xf32, #tpu.memory_space<vmem>>, %arg4: memref<64x1xf32, #tpu.memory_space<vmem>>, %arg5: memref<1x64x64xf32, #tpu.memory_space<vmem>>, %arg6: memref<128x64xf32, #tpu.memory_space<vmem>>, %arg7: memref<128x1xf32, #tpu.memory_space<vmem>>, %arg8: memref<64x512xf32, #tpu.memory_space<vmem>>, %arg9: memref<128x512xf32, #tpu.memory_space<vmem>>, %arg10: memref<128x1xf32, #tpu.memory_space<vmem>>, %arg11: memref<128x1xf32, #tpu.memory_space<vmem>>) attributes {dimension_semantics = [#tpu.dimension_semantics<arbitrary>, #tpu.dimension_semantics<arbitrary>], iteration_bounds = array<i64: 8, 16>, scalar_prefetch = 0 : i64, scratch_operands = 0 : i64, tpu.core_type = #tpu.core_type<tc>, window_params = [{transform_indices = @transform_0, window_bounds = array<i64: 64, 512>}, {pipeline_mode = #tpu.pipeline_mode<synchronous>, transform_indices = @transform_1, window_bounds = array<i64: 64, 1>}, {pipeline_mode = #tpu.pipeline_mode<synchronous>, transform_indices = @transform_2, window_bounds = array<i64: 64, 1>}, {transform_indices = @transform_3, window_bounds = array<i64: 1, 64, 64>}, {pipeline_mode = #tpu.pipeline_mode<synchronous>, transform_indices = @transform_4, window_bounds = array<i64: 128, 64>}, {pipeline_mode = #tpu.pipeline_mode<synchronous>, transform_indices = @transform_5, window_bounds = array<i64: 128, 1>}, {transform_indices = @transform_6, window_bounds = array<i64: 64, 512>}, {transform_indices = @transform_7, window_bounds = array<i64: 128, 512>}, {pipeline_mode = #tpu.pipeline_mode<synchronous>, transform_indices = @transform_8, window_bounds = array<i64: 128, 1>}, {pipeline_mode = #tpu.pipeline_mode<synchronous>, transform_indices = @transform_9, window_bounds = array<i64: 128, 1>}]} {
    %get3A = arith.constant 0 : index
    %get3A_0 = arith.constant 0 : index
    %get3A_1 = vector.load %arg3[%get3A, %get3A_0] : memref<64x1xf32, #tpu.memory_space<vmem>>, vector<64x1xf32>
    %reduce_sum3A = arith.constant dense<0.000000e+00> : vector<64xf32>
    %reduce_sum3A_2 = vector.multi_reduction <add>, %get3A_1, %reduce_sum3A [1] : vector<64x1xf32> to vector<64xf32>
    %broadcast_in_dim3A = vector.shape_cast %reduce_sum3A_2 : vector<64xf32> to vector<64x1xf32>
    %div3A = arith.constant 6.553600e+04 : f32
    %div3A_3 = vector.broadcast %div3A : f32 to vector<64x1xf32>
    %div3A_4 = arith.divf %broadcast_in_dim3A, %div3A_3 : vector<64x1xf32>
    %get3A_5 = arith.constant 0 : index
    %get3A_6 = arith.constant 0 : index
    %get3A_7 = vector.load %arg4[%get3A_5, %get3A_6] : memref<64x1xf32, #tpu.memory_space<vmem>>, vector<64x1xf32>
    %reduce_sum3A_8 = arith.constant dense<0.000000e+00> : vector<64xf32>
    %reduce_sum3A_9 = vector.multi_reduction <add>, %get3A_7, %reduce_sum3A_8 [1] : vector<64x1xf32> to vector<64xf32>
    %broadcast_in_dim3A_10 = vector.shape_cast %reduce_sum3A_9 : vector<64xf32> to vector<64x1xf32>
    %div3A_11 = arith.constant 6.553600e+04 : f32
    %div3A_12 = vector.broadcast %div3A_11 : f32 to vector<64x1xf32>
    %div3A_13 = arith.divf %broadcast_in_dim3A_10, %div3A_12 : vector<64x1xf32>
    %add3A = arith.constant 9.99999974E-6 : f32
    %add3A_14 = vector.broadcast %add3A : f32 to vector<64x1xf32>
    %add3A_15 = arith.addf %div3A_13, %add3A_14 : vector<64x1xf32>
    %rsqrt3A = math.rsqrt %add3A_15 : vector<64x1xf32>
    %get3A_16 = arith.constant 0 : index
    %get3A_17 = arith.constant 0 : index
    %get3A_18 = vector.load %arg2[%get3A_16, %get3A_17] : memref<64x512xf32, #tpu.memory_space<vmem>>, vector<64x512xf32>
    %sub3A = vector.broadcast %div3A_4 : vector<64x1xf32> to vector<64x512xf32>
    %sub3A_19 = arith.subf %get3A_18, %sub3A : vector<64x512xf32>
    %mul3A = vector.broadcast %rsqrt3A : vector<64x1xf32> to vector<64x512xf32>
    %mul3A_20 = arith.mulf %sub3A_19, %mul3A : vector<64x512xf32>
    %max3A = arith.constant 0.000000e+00 : f32
    %max3A_21 = vector.broadcast %max3A : f32 to vector<64x512xf32>
    %max3A_22 = arith.maximumf %mul3A_20, %max3A_21 : vector<64x512xf32>
    %get3A_23 = arith.constant 0 : index
    %get3A_24 = arith.constant 0 : index
    %get3A_25 = arith.constant 0 : index
    %get3A_26 = vector.load %arg5[%get3A_23, %get3A_24, %get3A_25] : memref<1x64x64xf32, #tpu.memory_space<vmem>>, vector<1x64x64xf32>
    %get3A_27 = vector.shape_cast %get3A_26 : vector<1x64x64xf32> to vector<64x64xf32>
    %convert_element_type3A = arith.truncf %get3A_27 : vector<64x64xf32> to vector<64x64xbf16>
    %convert_element_type3A_28 = arith.truncf %max3A_22 : vector<64x512xf32> to vector<64x512xbf16>
    %dot_general3A = arith.constant dense<0.000000e+00> : vector<64x512xf32>
    %dot_general3A_29 = tpu.matmul %convert_element_type3A, %convert_element_type3A_28, %dot_general3A {dimension_numbers = #tpu.dot_dimension_numbers<[0], [0], [1], [1], [0, 1, 1, 1], [], []>, transpose_lhs_hint = false} : vector<64x64xbf16>, vector<64x512xbf16>, vector<64x512xf32> -> vector<64x512xf32>
    %swap3A = arith.constant 0 : index
    %swap3A_30 = arith.constant 0 : index
    %swap3A_31 = vector.load %arg8[%swap3A, %swap3A_30] : memref<64x512xf32, #tpu.memory_space<vmem>>, vector<64x512xf32>
    tpu.vector_store %arg8[%swap3A, %swap3A_30], %dot_general3A_29 {strides = array<i32>} : memref<64x512xf32, #tpu.memory_space<vmem>>, vector<64x512xf32>,
    %get3A_32 = arith.constant 0 : index
    %get3A_33 = arith.constant 0 : index
    %get3A_34 = vector.load %arg6[%get3A_32, %get3A_33] : memref<128x64xf32, #tpu.memory_space<vmem>>, vector<128x64xf32>
    %convert_element_type3A_35 = arith.truncf %get3A_34 : vector<128x64xf32> to vector<128x64xbf16>
    %convert_element_type3A_36 = arith.truncf %dot_general3A_29 : vector<64x512xf32> to vector<64x512xbf16>
    %dot_general3A_37 = arith.constant dense<0.000000e+00> : vector<128x512xf32>
    %dot_general3A_38 = tpu.matmul %convert_element_type3A_35, %convert_element_type3A_36, %dot_general3A_37 {dimension_numbers = #tpu.dot_dimension_numbers<[1], [0], [0], [1], [0, 0, 1, 1], [], []>, transpose_lhs_hint = false} : vector<128x64xbf16>, vector<64x512xbf16>, vector<128x512xf32> -> vector<128x512xf32>
    %get3A_39 = arith.constant 0 : index
    %get3A_40 = arith.constant 0 : index
    %get3A_41 = vector.load %arg7[%get3A_39, %get3A_40] : memref<128x1xf32, #tpu.memory_space<vmem>>, vector<128x1xf32>
    %add3A_42 = vector.broadcast %get3A_41 : vector<128x1xf32> to vector<128x512xf32>
    %add3A_43 = arith.addf %dot_general3A_38, %add3A_42 : vector<128x512xf32>
    %swap3A_44 = arith.constant 0 : index
    %swap3A_45 = arith.constant 0 : index
    %swap3A_46 = vector.load %arg9[%swap3A_44, %swap3A_45] : memref<128x512xf32, #tpu.memory_space<vmem>>, vector<128x512xf32>
    tpu.vector_store %arg9[%swap3A_44, %swap3A_45], %add3A_43 {strides = array<i32>} : memref<128x512xf32, #tpu.memory_space<vmem>>, vector<128x512xf32>,
    %eq3A = arith.constant 0 : i32
    %eq3A_47 = arith.cmpi eq, %arg0, %eq3A : i32
    %eq3A_48 = arith.constant 0 : i32
    %eq3A_49 = arith.cmpi eq, %arg1, %eq3A_48 : i32
    %and3A = arith.andi %eq3A_47, %eq3A_49 : i1
    %convert_element_type3A_50 = arith.extui %and3A : i1 to i32
    %cond3A = arith.constant 0 : i32
    %cond3A_51 = arith.cmpi ne, %convert_element_type3A_50, %cond3A : i32
    scf.if %cond3A_51 {
      %broadcast_in_dim3A_73 = arith.constant 0.000000e+00 : f32
      %broadcast_in_dim3A_74 = vector.broadcast %broadcast_in_dim3A_73 : f32 to vector<128x1xf32>
      %swap3A_75 = arith.constant 0 : index
      %swap3A_76 = arith.constant 0 : index
      %swap3A_77 = vector.load %arg10[%swap3A_75, %swap3A_76] : memref<128x1xf32, #tpu.memory_space<vmem>>, vector<128x1xf32>
      tpu.vector_store %arg10[%swap3A_75, %swap3A_76], %broadcast_in_dim3A_74 {strides = array<i32>} : memref<128x1xf32, #tpu.memory_space<vmem>>, vector<128x1xf32>,
      %broadcast_in_dim3A_78 = arith.constant 0.000000e+00 : f32
      %broadcast_in_dim3A_79 = vector.broadcast %broadcast_in_dim3A_78 : f32 to vector<128x1xf32>
      %swap3A_80 = arith.constant 0 : index
      %swap3A_81 = arith.constant 0 : index
      %swap3A_82 = vector.load %arg11[%swap3A_80, %swap3A_81] : memref<128x1xf32, #tpu.memory_space<vmem>>, vector<128x1xf32>
      tpu.vector_store %arg11[%swap3A_80, %swap3A_81], %broadcast_in_dim3A_79 {strides = array<i32>} : memref<128x1xf32, #tpu.memory_space<vmem>>, vector<128x1xf32>,
    } else {
    }
    %get3A_52 = arith.constant 0 : index
    %get3A_53 = arith.constant 0 : index
    %get3A_54 = vector.load %arg10[%get3A_52, %get3A_53] : memref<128x1xf32, #tpu.memory_space<vmem>>, vector<128x1xf32>
    %reduce_sum3A_55 = arith.constant dense<0.000000e+00> : vector<128xf32>
    %reduce_sum3A_56 = vector.multi_reduction <add>, %add3A_43, %reduce_sum3A_55 [1] : vector<128x512xf32> to vector<128xf32>
    %broadcast_in_dim3A_57 = vector.shape_cast %reduce_sum3A_56 : vector<128xf32> to vector<128x1xf32>
    %add3A_58 = arith.addf %get3A_54, %broadcast_in_dim3A_57 : vector<128x1xf32>
    %swap3A_59 = arith.constant 0 : index
    %swap3A_60 = arith.constant 0 : index
    %swap3A_61 = vector.load %arg10[%swap3A_59, %swap3A_60] : memref<128x1xf32, #tpu.memory_space<vmem>>, vector<128x1xf32>
    tpu.vector_store %arg10[%swap3A_59, %swap3A_60], %add3A_58 {strides = array<i32>} : memref<128x1xf32, #tpu.memory_space<vmem>>, vector<128x1xf32>,
    %get3A_62 = arith.constant 0 : index
    %get3A_63 = arith.constant 0 : index
    %get3A_64 = vector.load %arg11[%get3A_62, %get3A_63] : memref<128x1xf32, #tpu.memory_space<vmem>>, vector<128x1xf32>
    %mul3A_65 = arith.mulf %add3A_43, %add3A_43 : vector<128x512xf32>
    %reduce_sum3A_66 = arith.constant dense<0.000000e+00> : vector<128xf32>
    %reduce_sum3A_67 = vector.multi_reduction <add>, %mul3A_65, %reduce_sum3A_66 [1] : vector<128x512xf32> to vector<128xf32>
    %broadcast_in_dim3A_68 = vector.shape_cast %reduce_sum3A_67 : vector<128xf32> to vector<128x1xf32>
    %add3A_69 = arith.addf %get3A_64, %broadcast_in_dim3A_68 : vector<128x1xf32>
    %swap3A_70 = arith.constant 0 : index
    %swap3A_71 = arith.constant 0 : index
    %swap3A_72 = vector.load %arg11[%swap3A_70, %swap3A_71] : memref<128x1xf32, #tpu.memory_space<vmem>>, vector<128x1xf32>
    tpu.vector_store %arg11[%swap3A_70, %swap3A_71], %add3A_69 {strides = array<i32>} : memref<128x1xf32, #tpu.memory_space<vmem>>, vector<128x1xf32>,
    return
  }
  func.func @transform_0(%arg0: i32, %arg1: i32) -> (i32, i32) {
    %mul3A = arith.constant 16 : i32
    %mul3A_0 = arith.muli %arg0, %mul3A : i32
    %add3A = arith.addi %mul3A_0, %arg1 : i32
    %c0_i32 = arith.constant 0 : i32
    %c0_i32_1 = arith.constant 0 : i32
    return %c0_i32, %add3A : i32, i32
  }
  func.func @transform_1(%arg0: i32, %arg1: i32) -> (i32, i32) {
    %c0_i32 = arith.constant 0 : i32
    %c0_i32_0 = arith.constant 0 : i32
    %c0_i32_1 = arith.constant 0 : i32
    return %c0_i32, %c0_i32_0 : i32, i32
  }
  func.func @transform_2(%arg0: i32, %arg1: i32) -> (i32, i32) {
    %c0_i32 = arith.constant 0 : i32
    %c0_i32_0 = arith.constant 0 : i32
    %c0_i32_1 = arith.constant 0 : i32
    return %c0_i32, %c0_i32_0 : i32, i32
  }
  func.func @transform_3(%arg0: i32, %arg1: i32) -> (i32, i32, i32) {
    %c0_i32 = arith.constant 0 : i32
    %c0_i32_0 = arith.constant 0 : i32
    %c0_i32_1 = arith.constant 0 : i32
    return %arg0, %c0_i32, %c0_i32_0 : i32, i32, i32
  }
  func.func @transform_4(%arg0: i32, %arg1: i32) -> (i32, i32) {
    %c0_i32 = arith.constant 0 : i32
    %c0_i32_0 = arith.constant 0 : i32
    %c0_i32_1 = arith.constant 0 : i32
    return %c0_i32, %c0_i32_0 : i32, i32
  }
  func.func @transform_5(%arg0: i32, %arg1: i32) -> (i32, i32) {
    %c0_i32 = arith.constant 0 : i32
    %c0_i32_0 = arith.constant 0 : i32
    %c0_i32_1 = arith.constant 0 : i32
    return %c0_i32, %c0_i32_0 : i32, i32
  }
  func.func @transform_6(%arg0: i32, %arg1: i32) -> (i32, i32) {
    %mul3A = arith.constant 16 : i32
    %mul3A_0 = arith.muli %arg0, %mul3A : i32
    %add3A = arith.addi %mul3A_0, %arg1 : i32
    %c0_i32 = arith.constant 0 : i32
    %c0_i32_1 = arith.constant 0 : i32
    return %c0_i32, %add3A : i32, i32
  }
  func.func @transform_7(%arg0: i32, %arg1: i32) -> (i32, i32) {
    %mul3A = arith.constant 16 : i32
    %mul3A_0 = arith.muli %arg0, %mul3A : i32
    %add3A = arith.addi %mul3A_0, %arg1 : i32
    %c0_i32 = arith.constant 0 : i32
    %c0_i32_1 = arith.constant 0 : i32
    return %c0_i32, %add3A : i32, i32
  }
  func.func @transform_8(%arg0: i32, %arg1: i32) -> (i32, i32) {
    %c0_i32 = arith.constant 0 : i32
    %c0_i32_0 = arith.constant 0 : i32
    %c0_i32_1 = arith.constant 0 : i32
    return %c0_i32, %c0_i32_0 : i32, i32
  }
  func.func @transform_9(%arg0: i32, %arg1: i32) -> (i32, i32) {
    %c0_i32 = arith.constant 0 : i32
    %c0_i32_0 = arith.constant 0 : i32
    %c0_i32_1 = arith.constant 0 : i32
    return %c0_i32, %c0_i32_0 : i32, i32
  }
}

module attributes {stable_mosaic.version = 14 : i64} {
  func.func @body(%arg0: i32, %arg1: i32, %arg2: memref<64x512xf32, #tpu.memory_space<vmem>>, %arg3: memref<1x1x512xf32, #tpu.memory_space<vmem>>, %arg4: memref<2048x64xf32, #tpu.memory_space<vmem>>, %arg5: memref<2048x1xf32, #tpu.memory_space<vmem>>, %arg6: memref<1x128x16xf32, #tpu.memory_space<vmem>>, %arg7: memref<128x16xf32, #tpu.memory_space<vmem>>, %arg8: memref<128x16xf32, #tpu.memory_space<vmem>>, %arg9: memref<8x16xf32, #tpu.memory_space<vmem>>) attributes {dimension_semantics = [#tpu.dimension_semantics<arbitrary>, #tpu.dimension_semantics<arbitrary>], iteration_bounds = array<i64: 8, 16>, scalar_prefetch = 0 : i64, scratch_operands = 0 : i64, tpu.core_type = #tpu.core_type<tc>, window_params = [{transform_indices = @transform_0, window_bounds = array<i64: 64, 512>}, {transform_indices = @transform_1, window_bounds = array<i64: 1, 1, 512>}, {pipeline_mode = #tpu.pipeline_mode<synchronous>, transform_indices = @transform_2, window_bounds = array<i64: 2048, 64>}, {pipeline_mode = #tpu.pipeline_mode<synchronous>, transform_indices = @transform_3, window_bounds = array<i64: 2048, 1>}, {transform_indices = @transform_4, window_bounds = array<i64: 1, 128, 16>}, {pipeline_mode = #tpu.pipeline_mode<synchronous>, transform_indices = @transform_5, window_bounds = array<i64: 128, 16>}, {pipeline_mode = #tpu.pipeline_mode<synchronous>, transform_indices = @transform_6, window_bounds = array<i64: 128, 16>}, {pipeline_mode = #tpu.pipeline_mode<synchronous>, transform_indices = @transform_7, window_bounds = array<i64: 8, 16>}]} {
    %get3A = arith.constant 0 : index
    %get3A_0 = arith.constant 0 : index
    %get3A_1 = vector.load %arg4[%get3A, %get3A_0] : memref<2048x64xf32, #tpu.memory_space<vmem>>, vector<2048x64xf32>
    %get3A_2 = arith.constant 0 : index
    %get3A_3 = arith.constant 0 : index
    %get3A_4 = vector.load %arg2[%get3A_2, %get3A_3] : memref<64x512xf32, #tpu.memory_space<vmem>>, vector<64x512xf32>
    %convert_element_type3A = arith.truncf %get3A_1 : vector<2048x64xf32> to vector<2048x64xbf16>
    %convert_element_type3A_5 = arith.truncf %get3A_4 : vector<64x512xf32> to vector<64x512xbf16>
    %dot_general3A = arith.constant dense<0.000000e+00> : vector<2048x512xf32>
    %dot_general3A_6 = tpu.matmul %convert_element_type3A, %convert_element_type3A_5, %dot_general3A {dimension_numbers = #tpu.dot_dimension_numbers<[1], [0], [0], [1], [0, 0, 1, 1], [], []>, transpose_lhs_hint = false} : vector<2048x64xbf16>, vector<64x512xbf16>, vector<2048x512xf32> -> vector<2048x512xf32>
    %get3A_7 = arith.constant 0 : index
    %get3A_8 = arith.constant 0 : index
    %get3A_9 = vector.load %arg5[%get3A_7, %get3A_8] : memref<2048x1xf32, #tpu.memory_space<vmem>>, vector<2048x1xf32>
    %add3A = vector.broadcast %get3A_9 : vector<2048x1xf32> to vector<2048x512xf32>
    %add3A_10 = arith.addf %dot_general3A_6, %add3A : vector<2048x512xf32>
    %get3A_11 = arith.constant 0 : index
    %get3A_12 = arith.constant 0 : index
    %get3A_13 = arith.constant 0 : index
    %get3A_14 = vector.load %arg3[%get3A_11, %get3A_12, %get3A_13] : memref<1x1x512xf32, #tpu.memory_space<vmem>>, vector<1x1x512xf32>
    %get3A_15 = vector.shape_cast %get3A_14 : vector<1x1x512xf32> to vector<1x512xf32>
    %eq3A = arith.constant 0 : i32
    %eq3A_16 = arith.cmpi eq, %arg0, %eq3A : i32
    %eq3A_17 = arith.constant 0 : i32
    %eq3A_18 = arith.cmpi eq, %arg1, %eq3A_17 : i32
    %and3A = arith.andi %eq3A_16, %eq3A_18 : i1
    %convert_element_type3A_19 = arith.extui %and3A : i1 to i32
    %cond3A = arith.constant 0 : i32
    %cond3A_20 = arith.cmpi ne, %convert_element_type3A_19, %cond3A : i32
    scf.if %cond3A_20 {
      %broadcast_in_dim3A_1057 = arith.constant 0.000000e+00 : f32
      %broadcast_in_dim3A_1058 = vector.broadcast %broadcast_in_dim3A_1057 : f32 to vector<128x16xf32>
      %swap3A_1059 = arith.constant 0 : index
      %swap3A_1060 = arith.constant 0 : index
      %swap3A_1061 = vector.load %arg7[%swap3A_1059, %swap3A_1060] : memref<128x16xf32, #tpu.memory_space<vmem>>, vector<128x16xf32>
      tpu.vector_store %arg7[%swap3A_1059, %swap3A_1060], %broadcast_in_dim3A_1058 {strides = array<i32>} : memref<128x16xf32, #tpu.memory_space<vmem>>, vector<128x16xf32>,
      %broadcast_in_dim3A_1062 = arith.constant 0.000000e+00 : f32
      %broadcast_in_dim3A_1063 = vector.broadcast %broadcast_in_dim3A_1062 : f32 to vector<128x16xf32>
      %swap3A_1064 = arith.constant 0 : index
      %swap3A_1065 = arith.constant 0 : index
      %swap3A_1066 = vector.load %arg8[%swap3A_1064, %swap3A_1065] : memref<128x16xf32, #tpu.memory_space<vmem>>, vector<128x16xf32>
      tpu.vector_store %arg8[%swap3A_1064, %swap3A_1065], %broadcast_in_dim3A_1063 {strides = array<i32>} : memref<128x16xf32, #tpu.memory_space<vmem>>, vector<128x16xf32>,
      %broadcast_in_dim3A_1067 = arith.constant 0.000000e+00 : f32
      %broadcast_in_dim3A_1068 = vector.broadcast %broadcast_in_dim3A_1067 : f32 to vector<8x16xf32>
      %swap3A_1069 = arith.constant 0 : index
      %swap3A_1070 = arith.constant 0 : index
      %swap3A_1071 = vector.load %arg9[%swap3A_1069, %swap3A_1070] : memref<8x16xf32, #tpu.memory_space<vmem>>, vector<8x16xf32>
      tpu.vector_store %arg9[%swap3A_1069, %swap3A_1070], %broadcast_in_dim3A_1068 {strides = array<i32>} : memref<8x16xf32, #tpu.memory_space<vmem>>, vector<8x16xf32>,
    } else {
    }
    %eq3A_21 = arith.constant 0 : i32
    %eq3A_22 = arith.cmpi eq, %arg1, %eq3A_21 : i32
    %convert_element_type3A_23 = arith.extui %eq3A_22 : i1 to i32
    %cond3A_24 = arith.constant 0 : i32
    %cond3A_25 = arith.cmpi ne, %convert_element_type3A_23, %cond3A_24 : i32
    scf.if %cond3A_25 {
      %broadcast_in_dim3A_1057 = arith.constant -1.000000e+30 : f32
      %broadcast_in_dim3A_1058 = vector.broadcast %broadcast_in_dim3A_1057 : f32 to vector<1x128x16xf32>
      %swap3A_1059 = arith.constant 0 : index
      %swap3A_1060 = arith.constant 0 : index
      %swap3A_1061 = arith.constant 0 : index
      %swap3A_1062 = vector.load %arg6[%swap3A_1059, %swap3A_1060, %swap3A_1061] : memref<1x128x16xf32, #tpu.memory_space<vmem>>, vector<1x128x16xf32>
      tpu.vector_store %arg6[%swap3A_1059, %swap3A_1060, %swap3A_1061], %broadcast_in_dim3A_1058 {strides = array<i32>} : memref<1x128x16xf32, #tpu.memory_space<vmem>>, vector<1x128x16xf32>,
    } else {
    }
    %slice3A = vector.extract_strided_slice %add3A_10 {offsets = [0, 0], sizes = [128, 512], strides = [1, 1]} : vector<2048x512xf32> to vector<128x512xf32>
    %eq3A_26 = arith.constant 0.000000e+00 : f32
    %eq3A_27 = vector.broadcast %eq3A_26 : f32 to vector<1x512xf32>
    %eq3A_28 = arith.cmpf oeq, %get3A_15, %eq3A_27 : vector<1x512xf32>
    %convert_element_type3A_29 = arith.extui %eq3A_28 : vector<1x512xi1> to vector<1x512xi32>
    %convert_element_type3A_30 = arith.sitofp %convert_element_type3A_29 : vector<1x512xi32> to vector<1x512xf32>
    %mul3A = vector.broadcast %convert_element_type3A_30 : vector<1x512xf32> to vector<128x512xf32>
    %mul3A_31 = arith.mulf %slice3A, %mul3A : vector<128x512xf32>
    %get3A_32 = arith.constant 0 : index
    %get3A_33 = arith.constant 0 : index
    %get3A_34 = vector.load %arg7[%get3A_32, %get3A_33] : memref<128x16xf32, #tpu.memory_space<vmem>>, vector<128x1xf32>
    %reduce_sum3A = arith.constant dense<0.000000e+00> : vector<128xf32>
    %reduce_sum3A_35 = vector.multi_reduction <add>, %mul3A_31, %reduce_sum3A [1] : vector<128x512xf32> to vector<128xf32>
    %broadcast_in_dim3A = vector.shape_cast %reduce_sum3A_35 : vector<128xf32> to vector<128x1xf32>
    %add3A_36 = arith.addf %get3A_34, %broadcast_in_dim3A : vector<128x1xf32>
    %swap3A = arith.constant 0 : index
    %swap3A_37 = arith.constant 0 : index
    %swap3A_38 = vector.load %arg7[%swap3A, %swap3A_37] : memref<128x16xf32, #tpu.memory_space<vmem>>, vector<128x1xf32>
    tpu.vector_store %arg7[%swap3A, %swap3A_37], %add3A_36 {strides = array<i32>} : memref<128x16xf32, #tpu.memory_space<vmem>>, vector<128x1xf32>,
    %get3A_39 = arith.constant 0 : index
    %get3A_40 = arith.constant 0 : index
    %get3A_41 = vector.load %arg8[%get3A_39, %get3A_40] : memref<128x16xf32, #tpu.memory_space<vmem>>, vector<128x1xf32>
    %mul3A_42 = arith.mulf %mul3A_31, %slice3A : vector<128x512xf32>
    %reduce_sum3A_43 = arith.constant dense<0.000000e+00> : vector<128xf32>
    %reduce_sum3A_44 = vector.multi_reduction <add>, %mul3A_42, %reduce_sum3A_43 [1] : vector<128x512xf32> to vector<128xf32>
    %broadcast_in_dim3A_45 = vector.shape_cast %reduce_sum3A_44 : vector<128xf32> to vector<128x1xf32>
    %add3A_46 = arith.addf %get3A_41, %broadcast_in_dim3A_45 : vector<128x1xf32>
    %swap3A_47 = arith.constant 0 : index
    %swap3A_48 = arith.constant 0 : index
    %swap3A_49 = vector.load %arg8[%swap3A_47, %swap3A_48] : memref<128x16xf32, #tpu.memory_space<vmem>>, vector<128x1xf32>
    tpu.vector_store %arg8[%swap3A_47, %swap3A_48], %add3A_46 {strides = array<i32>} : memref<128x16xf32, #tpu.memory_space<vmem>>, vector<128x1xf32>,
    %get3A_50 = arith.constant 0 : index
    %get3A_51 = arith.constant 0 : index
    %get3A_52 = vector.load %arg9[%get3A_50, %get3A_51] : memref<8x16xf32, #tpu.memory_space<vmem>>, vector<8x1xf32>
    %reduce_sum3A_53 = vector.shape_cast %convert_element_type3A_30 : vector<1x512xf32> to vector<1x1x512xf32>
    %reduce_sum3A_54 = arith.constant dense<0.000000e+00> : vector<1xf32>
    %reduce_sum3A_55 = vector.multi_reduction <add>, %reduce_sum3A_53, %reduce_sum3A_54 [1, 2] : vector<1x1x512xf32> to vector<1xf32>
    %reduce_sum3A_56 = vector.shape_cast %reduce_sum3A_55 : vector<1xf32> to vector<1x1x1xf32>
    %reduce_sum3A_57 = vector.extract %reduce_sum3A_56[0, 0, 0] : f32 from vector<1x1x1xf32>
    %broadcast_in_dim3A_58 = arith.constant 1.000000e+00 : f32
    %broadcast_in_dim3A_59 = vector.broadcast %broadcast_in_dim3A_58 : f32 to vector<8x1xf32>
    %mul3A_60 = vector.broadcast %reduce_sum3A_57 : f32 to vector<8x1xf32>
    %mul3A_61 = arith.mulf %mul3A_60, %broadcast_in_dim3A_59 : vector<8x1xf32>
    %add3A_62 = arith.addf %get3A_52, %mul3A_61 : vector<8x1xf32>
    %swap3A_63 = arith.constant 0 : index
    %swap3A_64 = arith.constant 0 : index
    %swap3A_65 = vector.load %arg9[%swap3A_63, %swap3A_64] : memref<8x16xf32, #tpu.memory_space<vmem>>, vector<8x1xf32>
    tpu.vector_store %arg9[%swap3A_63, %swap3A_64], %add3A_62 {strides = array<i32>} : memref<8x16xf32, #tpu.memory_space<vmem>>, vector<8x1xf32>,
    %jit3A = arith.constant -1.000000e+30 : f32
    %broadcast_in_dim3A_66 = vector.shape_cast %eq3A_28 : vector<1x512xi1> to vector<1x512xi1>
    %broadcast_in_dim3A_67 = vector.broadcast %broadcast_in_dim3A_66 : vector<1x512xi1> to vector<128x512xi1>
    %broadcast_in_dim3A_68 = vector.broadcast %jit3A : f32 to vector<128x512xf32>
    %select_n3A = arith.select %broadcast_in_dim3A_67, %slice3A, %broadcast_in_dim3A_68 : vector<128x512xi1>, vector<128x512xf32>
    %reduce_max3A = arith.constant dense<0xFF800000> : vector<128xf32>
    %reduce_max3A_69 = vector.multi_reduction <maximumf>, %select_n3A, %reduce_max3A [1] : vector<128x512xf32> to vector<128xf32>
    %broadcast_in_dim3A_70 = vector.shape_cast %reduce_max3A_69 : vector<128xf32> to vector<128x1xf32>
    %get3A_71 = arith.constant 0 : index
    %get3A_72 = arith.constant 0 : index
    %get3A_73 = arith.constant 0 : index
    %get3A_74 = vector.load %arg6[%get3A_71, %get3A_72, %get3A_73] : memref<1x128x16xf32, #tpu.memory_space<vmem>>, vector<1x128x1xf32>
    %get3A_75 = vector.shape_cast %get3A_74 : vector<1x128x1xf32> to vector<128x1xf32>
    %max3A = arith.maximumf %get3A_75, %broadcast_in_dim3A_70 : vector<128x1xf32>
    %swap3A_76 = arith.constant 0 : index
    %swap3A_77 = arith.constant 0 : index
    %swap3A_78 = arith.constant 0 : index
    %swap3A_79 = vector.load %arg6[%swap3A_76, %swap3A_77, %swap3A_78] : memref<1x128x16xf32, #tpu.memory_space<vmem>>, vector<1x128x1xf32>
    %swap3A_80 = vector.shape_cast %swap3A_79 : vector<1x128x1xf32> to vector<128x1xf32>
    %swap3A_81 = vector.shape_cast %max3A : vector<128x1xf32> to vector<1x128x1xf32>
    tpu.vector_store %arg6[%swap3A_76, %swap3A_77, %swap3A_78], %swap3A_81 {strides = array<i32>} : memref<1x128x16xf32, #tpu.memory_space<vmem>>, vector<1x128x1xf32>,
    %slice3A_82 = vector.extract_strided_slice %add3A_10 {offsets = [128, 0], sizes = [128, 512], strides = [1, 1]} : vector<2048x512xf32> to vector<128x512xf32>
    %eq3A_83 = arith.constant 1.000000e+00 : f32
    %eq3A_84 = vector.broadcast %eq3A_83 : f32 to vector<1x512xf32>
    %eq3A_85 = arith.cmpf oeq, %get3A_15, %eq3A_84 : vector<1x512xf32>
    %convert_element_type3A_86 = arith.extui %eq3A_85 : vector<1x512xi1> to vector<1x512xi32>
    %convert_element_type3A_87 = arith.sitofp %convert_element_type3A_86 : vector<1x512xi32> to vector<1x512xf32>
    %mul3A_88 = vector.broadcast %convert_element_type3A_87 : vector<1x512xf32> to vector<128x512xf32>
    %mul3A_89 = arith.mulf %slice3A_82, %mul3A_88 : vector<128x512xf32>
    %get3A_90 = arith.constant 0 : index
    %get3A_91 = arith.constant 1 : index
    %get3A_92 = vector.load %arg7[%get3A_90, %get3A_91] : memref<128x16xf32, #tpu.memory_space<vmem>>, vector<128x1xf32>
    %reduce_sum3A_93 = arith.constant dense<0.000000e+00> : vector<128xf32>
    %reduce_sum3A_94 = vector.multi_reduction <add>, %mul3A_89, %reduce_sum3A_93 [1] : vector<128x512xf32> to vector<128xf32>
    %broadcast_in_dim3A_95 = vector.shape_cast %reduce_sum3A_94 : vector<128xf32> to vector<128x1xf32>
    %add3A_96 = arith.addf %get3A_92, %broadcast_in_dim3A_95 : vector<128x1xf32>
    %swap3A_97 = arith.constant 0 : index
    %swap3A_98 = arith.constant 1 : index
    %swap3A_99 = vector.load %arg7[%swap3A_97, %swap3A_98] : memref<128x16xf32, #tpu.memory_space<vmem>>, vector<128x1xf32>
    tpu.vector_store %arg7[%swap3A_97, %swap3A_98], %add3A_96 {strides = array<i32>} : memref<128x16xf32, #tpu.memory_space<vmem>>, vector<128x1xf32>,
    %get3A_100 = arith.constant 0 : index
    %get3A_101 = arith.constant 1 : index
    %get3A_102 = vector.load %arg8[%get3A_100, %get3A_101] : memref<128x16xf32, #tpu.memory_space<vmem>>, vector<128x1xf32>
    %mul3A_103 = arith.mulf %mul3A_89, %slice3A_82 : vector<128x512xf32>
    %reduce_sum3A_104 = arith.constant dense<0.000000e+00> : vector<128xf32>
    %reduce_sum3A_105 = vector.multi_reduction <add>, %mul3A_103, %reduce_sum3A_104 [1] : vector<128x512xf32> to vector<128xf32>
    %broadcast_in_dim3A_106 = vector.shape_cast %reduce_sum3A_105 : vector<128xf32> to vector<128x1xf32>
    %add3A_107 = arith.addf %get3A_102, %broadcast_in_dim3A_106 : vector<128x1xf32>
    %swap3A_108 = arith.constant 0 : index
    %swap3A_109 = arith.constant 1 : index
    %swap3A_110 = vector.load %arg8[%swap3A_108, %swap3A_109] : memref<128x16xf32, #tpu.memory_space<vmem>>, vector<128x1xf32>
    tpu.vector_store %arg8[%swap3A_108, %swap3A_109], %add3A_107 {strides = array<i32>} : memref<128x16xf32, #tpu.memory_space<vmem>>, vector<128x1xf32>,
    %get3A_111 = arith.constant 0 : index
    %get3A_112 = arith.constant 1 : index
    %get3A_113 = vector.load %arg9[%get3A_111, %get3A_112] : memref<8x16xf32, #tpu.memory_space<vmem>>, vector<8x1xf32>
    %reduce_sum3A_114 = vector.shape_cast %convert_element_type3A_87 : vector<1x512xf32> to vector<1x1x512xf32>
    %reduce_sum3A_115 = arith.constant dense<0.000000e+00> : vector<1xf32>
    %reduce_sum3A_116 = vector.multi_reduction <add>, %reduce_sum3A_114, %reduce_sum3A_115 [1, 2] : vector<1x1x512xf32> to vector<1xf32>
    %reduce_sum3A_117 = vector.shape_cast %reduce_sum3A_116 : vector<1xf32> to vector<1x1x1xf32>
    %reduce_sum3A_118 = vector.extract %reduce_sum3A_117[0, 0, 0] : f32 from vector<1x1x1xf32>
    %broadcast_in_dim3A_119 = arith.constant 1.000000e+00 : f32
    %broadcast_in_dim3A_120 = vector.broadcast %broadcast_in_dim3A_119 : f32 to vector<8x1xf32>
    %mul3A_121 = vector.broadcast %reduce_sum3A_118 : f32 to vector<8x1xf32>
    %mul3A_122 = arith.mulf %mul3A_121, %broadcast_in_dim3A_120 : vector<8x1xf32>
    %add3A_123 = arith.addf %get3A_113, %mul3A_122 : vector<8x1xf32>
    %swap3A_124 = arith.constant 0 : index
    %swap3A_125 = arith.constant 1 : index
    %swap3A_126 = vector.load %arg9[%swap3A_124, %swap3A_125] : memref<8x16xf32, #tpu.memory_space<vmem>>, vector<8x1xf32>
    tpu.vector_store %arg9[%swap3A_124, %swap3A_125], %add3A_123 {strides = array<i32>} : memref<8x16xf32, #tpu.memory_space<vmem>>, vector<8x1xf32>,
    %jit3A_127 = arith.constant -1.000000e+30 : f32
    %broadcast_in_dim3A_128 = vector.shape_cast %eq3A_85 : vector<1x512xi1> to vector<1x512xi1>
    %broadcast_in_dim3A_129 = vector.broadcast %broadcast_in_dim3A_128 : vector<1x512xi1> to vector<128x512xi1>
    %broadcast_in_dim3A_130 = vector.broadcast %jit3A_127 : f32 to vector<128x512xf32>
    %select_n3A_131 = arith.select %broadcast_in_dim3A_129, %slice3A_82, %broadcast_in_dim3A_130 : vector<128x512xi1>, vector<128x512xf32>
    %reduce_max3A_132 = arith.constant dense<0xFF800000> : vector<128xf32>
    %reduce_max3A_133 = vector.multi_reduction <maximumf>, %select_n3A_131, %reduce_max3A_132 [1] : vector<128x512xf32> to vector<128xf32>
    %broadcast_in_dim3A_134 = vector.shape_cast %reduce_max3A_133 : vector<128xf32> to vector<128x1xf32>
    %get3A_135 = arith.constant 0 : index
    %get3A_136 = arith.constant 0 : index
    %get3A_137 = arith.constant 1 : index
    %get3A_138 = vector.load %arg6[%get3A_135, %get3A_136, %get3A_137] : memref<1x128x16xf32, #tpu.memory_space<vmem>>, vector<1x128x1xf32>
    %get3A_139 = vector.shape_cast %get3A_138 : vector<1x128x1xf32> to vector<128x1xf32>
    %max3A_140 = arith.maximumf %get3A_139, %broadcast_in_dim3A_134 : vector<128x1xf32>
    %swap3A_141 = arith.constant 0 : index
    %swap3A_142 = arith.constant 0 : index
    %swap3A_143 = arith.constant 1 : index
    %swap3A_144 = vector.load %arg6[%swap3A_141, %swap3A_142, %swap3A_143] : memref<1x128x16xf32, #tpu.memory_space<vmem>>, vector<1x128x1xf32>
    %swap3A_145 = vector.shape_cast %swap3A_144 : vector<1x128x1xf32> to vector<128x1xf32>
    %swap3A_146 = vector.shape_cast %max3A_140 : vector<128x1xf32> to vector<1x128x1xf32>
    tpu.vector_store %arg6[%swap3A_141, %swap3A_142, %swap3A_143], %swap3A_146 {strides = array<i32>} : memref<1x128x16xf32, #tpu.memory_space<vmem>>, vector<1x128x1xf32>,
    %slice3A_147 = vector.extract_strided_slice %add3A_10 {offsets = [256, 0], sizes = [128, 512], strides = [1, 1]} : vector<2048x512xf32> to vector<128x512xf32>
    %eq3A_148 = arith.constant 2.000000e+00 : f32
    %eq3A_149 = vector.broadcast %eq3A_148 : f32 to vector<1x512xf32>
    %eq3A_150 = arith.cmpf oeq, %get3A_15, %eq3A_149 : vector<1x512xf32>
    %convert_element_type3A_151 = arith.extui %eq3A_150 : vector<1x512xi1> to vector<1x512xi32>
    %convert_element_type3A_152 = arith.sitofp %convert_element_type3A_151 : vector<1x512xi32> to vector<1x512xf32>
    %mul3A_153 = vector.broadcast %convert_element_type3A_152 : vector<1x512xf32> to vector<128x512xf32>
    %mul3A_154 = arith.mulf %slice3A_147, %mul3A_153 : vector<128x512xf32>
    %get3A_155 = arith.constant 0 : index
    %get3A_156 = arith.constant 2 : index
    %get3A_157 = vector.load %arg7[%get3A_155, %get3A_156] : memref<128x16xf32, #tpu.memory_space<vmem>>, vector<128x1xf32>
    %reduce_sum3A_158 = arith.constant dense<0.000000e+00> : vector<128xf32>
    %reduce_sum3A_159 = vector.multi_reduction <add>, %mul3A_154, %reduce_sum3A_158 [1] : vector<128x512xf32> to vector<128xf32>
    %broadcast_in_dim3A_160 = vector.shape_cast %reduce_sum3A_159 : vector<128xf32> to vector<128x1xf32>
    %add3A_161 = arith.addf %get3A_157, %broadcast_in_dim3A_160 : vector<128x1xf32>
    %swap3A_162 = arith.constant 0 : index
    %swap3A_163 = arith.constant 2 : index
    %swap3A_164 = vector.load %arg7[%swap3A_162, %swap3A_163] : memref<128x16xf32, #tpu.memory_space<vmem>>, vector<128x1xf32>
    tpu.vector_store %arg7[%swap3A_162, %swap3A_163], %add3A_161 {strides = array<i32>} : memref<128x16xf32, #tpu.memory_space<vmem>>, vector<128x1xf32>,
    %get3A_165 = arith.constant 0 : index
    %get3A_166 = arith.constant 2 : index
    %get3A_167 = vector.load %arg8[%get3A_165, %get3A_166] : memref<128x16xf32, #tpu.memory_space<vmem>>, vector<128x1xf32>
    %mul3A_168 = arith.mulf %mul3A_154, %slice3A_147 : vector<128x512xf32>
    %reduce_sum3A_169 = arith.constant dense<0.000000e+00> : vector<128xf32>
    %reduce_sum3A_170 = vector.multi_reduction <add>, %mul3A_168, %reduce_sum3A_169 [1] : vector<128x512xf32> to vector<128xf32>
    %broadcast_in_dim3A_171 = vector.shape_cast %reduce_sum3A_170 : vector<128xf32> to vector<128x1xf32>
    %add3A_172 = arith.addf %get3A_167, %broadcast_in_dim3A_171 : vector<128x1xf32>
    %swap3A_173 = arith.constant 0 : index
    %swap3A_174 = arith.constant 2 : index
    %swap3A_175 = vector.load %arg8[%swap3A_173, %swap3A_174] : memref<128x16xf32, #tpu.memory_space<vmem>>, vector<128x1xf32>
    tpu.vector_store %arg8[%swap3A_173, %swap3A_174], %add3A_172 {strides = array<i32>} : memref<128x16xf32, #tpu.memory_space<vmem>>, vector<128x1xf32>,
    %get3A_176 = arith.constant 0 : index
    %get3A_177 = arith.constant 2 : index
    %get3A_178 = vector.load %arg9[%get3A_176, %get3A_177] : memref<8x16xf32, #tpu.memory_space<vmem>>, vector<8x1xf32>
    %reduce_sum3A_179 = vector.shape_cast %convert_element_type3A_152 : vector<1x512xf32> to vector<1x1x512xf32>
    %reduce_sum3A_180 = arith.constant dense<0.000000e+00> : vector<1xf32>
    %reduce_sum3A_181 = vector.multi_reduction <add>, %reduce_sum3A_179, %reduce_sum3A_180 [1, 2] : vector<1x1x512xf32> to vector<1xf32>
    %reduce_sum3A_182 = vector.shape_cast %reduce_sum3A_181 : vector<1xf32> to vector<1x1x1xf32>
    %reduce_sum3A_183 = vector.extract %reduce_sum3A_182[0, 0, 0] : f32 from vector<1x1x1xf32>
    %broadcast_in_dim3A_184 = arith.constant 1.000000e+00 : f32
    %broadcast_in_dim3A_185 = vector.broadcast %broadcast_in_dim3A_184 : f32 to vector<8x1xf32>
    %mul3A_186 = vector.broadcast %reduce_sum3A_183 : f32 to vector<8x1xf32>
    %mul3A_187 = arith.mulf %mul3A_186, %broadcast_in_dim3A_185 : vector<8x1xf32>
    %add3A_188 = arith.addf %get3A_178, %mul3A_187 : vector<8x1xf32>
    %swap3A_189 = arith.constant 0 : index
    %swap3A_190 = arith.constant 2 : index
    %swap3A_191 = vector.load %arg9[%swap3A_189, %swap3A_190] : memref<8x16xf32, #tpu.memory_space<vmem>>, vector<8x1xf32>
    tpu.vector_store %arg9[%swap3A_189, %swap3A_190], %add3A_188 {strides = array<i32>} : memref<8x16xf32, #tpu.memory_space<vmem>>, vector<8x1xf32>,
    %jit3A_192 = arith.constant -1.000000e+30 : f32
    %broadcast_in_dim3A_193 = vector.shape_cast %eq3A_150 : vector<1x512xi1> to vector<1x512xi1>
    %broadcast_in_dim3A_194 = vector.broadcast %broadcast_in_dim3A_193 : vector<1x512xi1> to vector<128x512xi1>
    %broadcast_in_dim3A_195 = vector.broadcast %jit3A_192 : f32 to vector<128x512xf32>
    %select_n3A_196 = arith.select %broadcast_in_dim3A_194, %slice3A_147, %broadcast_in_dim3A_195 : vector<128x512xi1>, vector<128x512xf32>
    %reduce_max3A_197 = arith.constant dense<0xFF800000> : vector<128xf32>
    %reduce_max3A_198 = vector.multi_reduction <maximumf>, %select_n3A_196, %reduce_max3A_197 [1] : vector<128x512xf32> to vector<128xf32>
    %broadcast_in_dim3A_199 = vector.shape_cast %reduce_max3A_198 : vector<128xf32> to vector<128x1xf32>
    %get3A_200 = arith.constant 0 : index
    %get3A_201 = arith.constant 0 : index
    %get3A_202 = arith.constant 2 : index
    %get3A_203 = vector.load %arg6[%get3A_200, %get3A_201, %get3A_202] : memref<1x128x16xf32, #tpu.memory_space<vmem>>, vector<1x128x1xf32>
    %get3A_204 = vector.shape_cast %get3A_203 : vector<1x128x1xf32> to vector<128x1xf32>
    %max3A_205 = arith.maximumf %get3A_204, %broadcast_in_dim3A_199 : vector<128x1xf32>
    %swap3A_206 = arith.constant 0 : index
    %swap3A_207 = arith.constant 0 : index
    %swap3A_208 = arith.constant 2 : index
    %swap3A_209 = vector.load %arg6[%swap3A_206, %swap3A_207, %swap3A_208] : memref<1x128x16xf32, #tpu.memory_space<vmem>>, vector<1x128x1xf32>
    %swap3A_210 = vector.shape_cast %swap3A_209 : vector<1x128x1xf32> to vector<128x1xf32>
    %swap3A_211 = vector.shape_cast %max3A_205 : vector<128x1xf32> to vector<1x128x1xf32>
    tpu.vector_store %arg6[%swap3A_206, %swap3A_207, %swap3A_208], %swap3A_211 {strides = array<i32>} : memref<1x128x16xf32, #tpu.memory_space<vmem>>, vector<1x128x1xf32>,
    %slice3A_212 = vector.extract_strided_slice %add3A_10 {offsets = [384, 0], sizes = [128, 512], strides = [1, 1]} : vector<2048x512xf32> to vector<128x512xf32>
    %eq3A_213 = arith.constant 3.000000e+00 : f32
    %eq3A_214 = vector.broadcast %eq3A_213 : f32 to vector<1x512xf32>
    %eq3A_215 = arith.cmpf oeq, %get3A_15, %eq3A_214 : vector<1x512xf32>
    %convert_element_type3A_216 = arith.extui %eq3A_215 : vector<1x512xi1> to vector<1x512xi32>
    %convert_element_type3A_217 = arith.sitofp %convert_element_type3A_216 : vector<1x512xi32> to vector<1x512xf32>
    %mul3A_218 = vector.broadcast %convert_element_type3A_217 : vector<1x512xf32> to vector<128x512xf32>
    %mul3A_219 = arith.mulf %slice3A_212, %mul3A_218 : vector<128x512xf32>
    %get3A_220 = arith.constant 0 : index
    %get3A_221 = arith.constant 3 : index
    %get3A_222 = vector.load %arg7[%get3A_220, %get3A_221] : memref<128x16xf32, #tpu.memory_space<vmem>>, vector<128x1xf32>
    %reduce_sum3A_223 = arith.constant dense<0.000000e+00> : vector<128xf32>
    %reduce_sum3A_224 = vector.multi_reduction <add>, %mul3A_219, %reduce_sum3A_223 [1] : vector<128x512xf32> to vector<128xf32>
    %broadcast_in_dim3A_225 = vector.shape_cast %reduce_sum3A_224 : vector<128xf32> to vector<128x1xf32>
    %add3A_226 = arith.addf %get3A_222, %broadcast_in_dim3A_225 : vector<128x1xf32>
    %swap3A_227 = arith.constant 0 : index
    %swap3A_228 = arith.constant 3 : index
    %swap3A_229 = vector.load %arg7[%swap3A_227, %swap3A_228] : memref<128x16xf32, #tpu.memory_space<vmem>>, vector<128x1xf32>
    tpu.vector_store %arg7[%swap3A_227, %swap3A_228], %add3A_226 {strides = array<i32>} : memref<128x16xf32, #tpu.memory_space<vmem>>, vector<128x1xf32>,
    %get3A_230 = arith.constant 0 : index
    %get3A_231 = arith.constant 3 : index
    %get3A_232 = vector.load %arg8[%get3A_230, %get3A_231] : memref<128x16xf32, #tpu.memory_space<vmem>>, vector<128x1xf32>
    %mul3A_233 = arith.mulf %mul3A_219, %slice3A_212 : vector<128x512xf32>
    %reduce_sum3A_234 = arith.constant dense<0.000000e+00> : vector<128xf32>
    %reduce_sum3A_235 = vector.multi_reduction <add>, %mul3A_233, %reduce_sum3A_234 [1] : vector<128x512xf32> to vector<128xf32>
    %broadcast_in_dim3A_236 = vector.shape_cast %reduce_sum3A_235 : vector<128xf32> to vector<128x1xf32>
    %add3A_237 = arith.addf %get3A_232, %broadcast_in_dim3A_236 : vector<128x1xf32>
    %swap3A_238 = arith.constant 0 : index
    %swap3A_239 = arith.constant 3 : index
    %swap3A_240 = vector.load %arg8[%swap3A_238, %swap3A_239] : memref<128x16xf32, #tpu.memory_space<vmem>>, vector<128x1xf32>
    tpu.vector_store %arg8[%swap3A_238, %swap3A_239], %add3A_237 {strides = array<i32>} : memref<128x16xf32, #tpu.memory_space<vmem>>, vector<128x1xf32>,
    %get3A_241 = arith.constant 0 : index
    %get3A_242 = arith.constant 3 : index
    %get3A_243 = vector.load %arg9[%get3A_241, %get3A_242] : memref<8x16xf32, #tpu.memory_space<vmem>>, vector<8x1xf32>
    %reduce_sum3A_244 = vector.shape_cast %convert_element_type3A_217 : vector<1x512xf32> to vector<1x1x512xf32>
    %reduce_sum3A_245 = arith.constant dense<0.000000e+00> : vector<1xf32>
    %reduce_sum3A_246 = vector.multi_reduction <add>, %reduce_sum3A_244, %reduce_sum3A_245 [1, 2] : vector<1x1x512xf32> to vector<1xf32>
    %reduce_sum3A_247 = vector.shape_cast %reduce_sum3A_246 : vector<1xf32> to vector<1x1x1xf32>
    %reduce_sum3A_248 = vector.extract %reduce_sum3A_247[0, 0, 0] : f32 from vector<1x1x1xf32>
    %broadcast_in_dim3A_249 = arith.constant 1.000000e+00 : f32
    %broadcast_in_dim3A_250 = vector.broadcast %broadcast_in_dim3A_249 : f32 to vector<8x1xf32>
    %mul3A_251 = vector.broadcast %reduce_sum3A_248 : f32 to vector<8x1xf32>
    %mul3A_252 = arith.mulf %mul3A_251, %broadcast_in_dim3A_250 : vector<8x1xf32>
    %add3A_253 = arith.addf %get3A_243, %mul3A_252 : vector<8x1xf32>
    %swap3A_254 = arith.constant 0 : index
    %swap3A_255 = arith.constant 3 : index
    %swap3A_256 = vector.load %arg9[%swap3A_254, %swap3A_255] : memref<8x16xf32, #tpu.memory_space<vmem>>, vector<8x1xf32>
    tpu.vector_store %arg9[%swap3A_254, %swap3A_255], %add3A_253 {strides = array<i32>} : memref<8x16xf32, #tpu.memory_space<vmem>>, vector<8x1xf32>,
    %jit3A_257 = arith.constant -1.000000e+30 : f32
    %broadcast_in_dim3A_258 = vector.shape_cast %eq3A_215 : vector<1x512xi1> to vector<1x512xi1>
    %broadcast_in_dim3A_259 = vector.broadcast %broadcast_in_dim3A_258 : vector<1x512xi1> to vector<128x512xi1>
    %broadcast_in_dim3A_260 = vector.broadcast %jit3A_257 : f32 to vector<128x512xf32>
    %select_n3A_261 = arith.select %broadcast_in_dim3A_259, %slice3A_212, %broadcast_in_dim3A_260 : vector<128x512xi1>, vector<128x512xf32>
    %reduce_max3A_262 = arith.constant dense<0xFF800000> : vector<128xf32>
    %reduce_max3A_263 = vector.multi_reduction <maximumf>, %select_n3A_261, %reduce_max3A_262 [1] : vector<128x512xf32> to vector<128xf32>
    %broadcast_in_dim3A_264 = vector.shape_cast %reduce_max3A_263 : vector<128xf32> to vector<128x1xf32>
    %get3A_265 = arith.constant 0 : index
    %get3A_266 = arith.constant 0 : index
    %get3A_267 = arith.constant 3 : index
    %get3A_268 = vector.load %arg6[%get3A_265, %get3A_266, %get3A_267] : memref<1x128x16xf32, #tpu.memory_space<vmem>>, vector<1x128x1xf32>
    %get3A_269 = vector.shape_cast %get3A_268 : vector<1x128x1xf32> to vector<128x1xf32>
    %max3A_270 = arith.maximumf %get3A_269, %broadcast_in_dim3A_264 : vector<128x1xf32>
    %swap3A_271 = arith.constant 0 : index
    %swap3A_272 = arith.constant 0 : index
    %swap3A_273 = arith.constant 3 : index
    %swap3A_274 = vector.load %arg6[%swap3A_271, %swap3A_272, %swap3A_273] : memref<1x128x16xf32, #tpu.memory_space<vmem>>, vector<1x128x1xf32>
    %swap3A_275 = vector.shape_cast %swap3A_274 : vector<1x128x1xf32> to vector<128x1xf32>
    %swap3A_276 = vector.shape_cast %max3A_270 : vector<128x1xf32> to vector<1x128x1xf32>
    tpu.vector_store %arg6[%swap3A_271, %swap3A_272, %swap3A_273], %swap3A_276 {strides = array<i32>} : memref<1x128x16xf32, #tpu.memory_space<vmem>>, vector<1x128x1xf32>,
    %slice3A_277 = vector.extract_strided_slice %add3A_10 {offsets = [512, 0], sizes = [128, 512], strides = [1, 1]} : vector<2048x512xf32> to vector<128x512xf32>
    %eq3A_278 = arith.constant 4.000000e+00 : f32
    %eq3A_279 = vector.broadcast %eq3A_278 : f32 to vector<1x512xf32>
    %eq3A_280 = arith.cmpf oeq, %get3A_15, %eq3A_279 : vector<1x512xf32>
    %convert_element_type3A_281 = arith.extui %eq3A_280 : vector<1x512xi1> to vector<1x512xi32>
    %convert_element_type3A_282 = arith.sitofp %convert_element_type3A_281 : vector<1x512xi32> to vector<1x512xf32>
    %mul3A_283 = vector.broadcast %convert_element_type3A_282 : vector<1x512xf32> to vector<128x512xf32>
    %mul3A_284 = arith.mulf %slice3A_277, %mul3A_283 : vector<128x512xf32>
    %get3A_285 = arith.constant 0 : index
    %get3A_286 = arith.constant 4 : index
    %get3A_287 = vector.load %arg7[%get3A_285, %get3A_286] : memref<128x16xf32, #tpu.memory_space<vmem>>, vector<128x1xf32>
    %reduce_sum3A_288 = arith.constant dense<0.000000e+00> : vector<128xf32>
    %reduce_sum3A_289 = vector.multi_reduction <add>, %mul3A_284, %reduce_sum3A_288 [1] : vector<128x512xf32> to vector<128xf32>
    %broadcast_in_dim3A_290 = vector.shape_cast %reduce_sum3A_289 : vector<128xf32> to vector<128x1xf32>
    %add3A_291 = arith.addf %get3A_287, %broadcast_in_dim3A_290 : vector<128x1xf32>
    %swap3A_292 = arith.constant 0 : index
    %swap3A_293 = arith.constant 4 : index
    %swap3A_294 = vector.load %arg7[%swap3A_292, %swap3A_293] : memref<128x16xf32, #tpu.memory_space<vmem>>, vector<128x1xf32>
    tpu.vector_store %arg7[%swap3A_292, %swap3A_293], %add3A_291 {strides = array<i32>} : memref<128x16xf32, #tpu.memory_space<vmem>>, vector<128x1xf32>,
    %get3A_295 = arith.constant 0 : index
    %get3A_296 = arith.constant 4 : index
    %get3A_297 = vector.load %arg8[%get3A_295, %get3A_296] : memref<128x16xf32, #tpu.memory_space<vmem>>, vector<128x1xf32>
    %mul3A_298 = arith.mulf %mul3A_284, %slice3A_277 : vector<128x512xf32>
    %reduce_sum3A_299 = arith.constant dense<0.000000e+00> : vector<128xf32>
    %reduce_sum3A_300 = vector.multi_reduction <add>, %mul3A_298, %reduce_sum3A_299 [1] : vector<128x512xf32> to vector<128xf32>
    %broadcast_in_dim3A_301 = vector.shape_cast %reduce_sum3A_300 : vector<128xf32> to vector<128x1xf32>
    %add3A_302 = arith.addf %get3A_297, %broadcast_in_dim3A_301 : vector<128x1xf32>
    %swap3A_303 = arith.constant 0 : index
    %swap3A_304 = arith.constant 4 : index
    %swap3A_305 = vector.load %arg8[%swap3A_303, %swap3A_304] : memref<128x16xf32, #tpu.memory_space<vmem>>, vector<128x1xf32>
    tpu.vector_store %arg8[%swap3A_303, %swap3A_304], %add3A_302 {strides = array<i32>} : memref<128x16xf32, #tpu.memory_space<vmem>>, vector<128x1xf32>,
    %get3A_306 = arith.constant 0 : index
    %get3A_307 = arith.constant 4 : index
    %get3A_308 = vector.load %arg9[%get3A_306, %get3A_307] : memref<8x16xf32, #tpu.memory_space<vmem>>, vector<8x1xf32>
    %reduce_sum3A_309 = vector.shape_cast %convert_element_type3A_282 : vector<1x512xf32> to vector<1x1x512xf32>
    %reduce_sum3A_310 = arith.constant dense<0.000000e+00> : vector<1xf32>
    %reduce_sum3A_311 = vector.multi_reduction <add>, %reduce_sum3A_309, %reduce_sum3A_310 [1, 2] : vector<1x1x512xf32> to vector<1xf32>
    %reduce_sum3A_312 = vector.shape_cast %reduce_sum3A_311 : vector<1xf32> to vector<1x1x1xf32>
    %reduce_sum3A_313 = vector.extract %reduce_sum3A_312[0, 0, 0] : f32 from vector<1x1x1xf32>
    %broadcast_in_dim3A_314 = arith.constant 1.000000e+00 : f32
    %broadcast_in_dim3A_315 = vector.broadcast %broadcast_in_dim3A_314 : f32 to vector<8x1xf32>
    %mul3A_316 = vector.broadcast %reduce_sum3A_313 : f32 to vector<8x1xf32>
    %mul3A_317 = arith.mulf %mul3A_316, %broadcast_in_dim3A_315 : vector<8x1xf32>
    %add3A_318 = arith.addf %get3A_308, %mul3A_317 : vector<8x1xf32>
    %swap3A_319 = arith.constant 0 : index
    %swap3A_320 = arith.constant 4 : index
    %swap3A_321 = vector.load %arg9[%swap3A_319, %swap3A_320] : memref<8x16xf32, #tpu.memory_space<vmem>>, vector<8x1xf32>
    tpu.vector_store %arg9[%swap3A_319, %swap3A_320], %add3A_318 {strides = array<i32>} : memref<8x16xf32, #tpu.memory_space<vmem>>, vector<8x1xf32>,
    %jit3A_322 = arith.constant -1.000000e+30 : f32
    %broadcast_in_dim3A_323 = vector.shape_cast %eq3A_280 : vector<1x512xi1> to vector<1x512xi1>
    %broadcast_in_dim3A_324 = vector.broadcast %broadcast_in_dim3A_323 : vector<1x512xi1> to vector<128x512xi1>
    %broadcast_in_dim3A_325 = vector.broadcast %jit3A_322 : f32 to vector<128x512xf32>
    %select_n3A_326 = arith.select %broadcast_in_dim3A_324, %slice3A_277, %broadcast_in_dim3A_325 : vector<128x512xi1>, vector<128x512xf32>
    %reduce_max3A_327 = arith.constant dense<0xFF800000> : vector<128xf32>
    %reduce_max3A_328 = vector.multi_reduction <maximumf>, %select_n3A_326, %reduce_max3A_327 [1] : vector<128x512xf32> to vector<128xf32>
    %broadcast_in_dim3A_329 = vector.shape_cast %reduce_max3A_328 : vector<128xf32> to vector<128x1xf32>
    %get3A_330 = arith.constant 0 : index
    %get3A_331 = arith.constant 0 : index
    %get3A_332 = arith.constant 4 : index
    %get3A_333 = vector.load %arg6[%get3A_330, %get3A_331, %get3A_332] : memref<1x128x16xf32, #tpu.memory_space<vmem>>, vector<1x128x1xf32>
    %get3A_334 = vector.shape_cast %get3A_333 : vector<1x128x1xf32> to vector<128x1xf32>
    %max3A_335 = arith.maximumf %get3A_334, %broadcast_in_dim3A_329 : vector<128x1xf32>
    %swap3A_336 = arith.constant 0 : index
    %swap3A_337 = arith.constant 0 : index
    %swap3A_338 = arith.constant 4 : index
    %swap3A_339 = vector.load %arg6[%swap3A_336, %swap3A_337, %swap3A_338] : memref<1x128x16xf32, #tpu.memory_space<vmem>>, vector<1x128x1xf32>
    %swap3A_340 = vector.shape_cast %swap3A_339 : vector<1x128x1xf32> to vector<128x1xf32>
    %swap3A_341 = vector.shape_cast %max3A_335 : vector<128x1xf32> to vector<1x128x1xf32>
    tpu.vector_store %arg6[%swap3A_336, %swap3A_337, %swap3A_338], %swap3A_341 {strides = array<i32>} : memref<1x128x16xf32, #tpu.memory_space<vmem>>, vector<1x128x1xf32>,
    %slice3A_342 = vector.extract_strided_slice %add3A_10 {offsets = [640, 0], sizes = [128, 512], strides = [1, 1]} : vector<2048x512xf32> to vector<128x512xf32>
    %eq3A_343 = arith.constant 5.000000e+00 : f32
    %eq3A_344 = vector.broadcast %eq3A_343 : f32 to vector<1x512xf32>
    %eq3A_345 = arith.cmpf oeq, %get3A_15, %eq3A_344 : vector<1x512xf32>
    %convert_element_type3A_346 = arith.extui %eq3A_345 : vector<1x512xi1> to vector<1x512xi32>
    %convert_element_type3A_347 = arith.sitofp %convert_element_type3A_346 : vector<1x512xi32> to vector<1x512xf32>
    %mul3A_348 = vector.broadcast %convert_element_type3A_347 : vector<1x512xf32> to vector<128x512xf32>
    %mul3A_349 = arith.mulf %slice3A_342, %mul3A_348 : vector<128x512xf32>
    %get3A_350 = arith.constant 0 : index
    %get3A_351 = arith.constant 5 : index
    %get3A_352 = vector.load %arg7[%get3A_350, %get3A_351] : memref<128x16xf32, #tpu.memory_space<vmem>>, vector<128x1xf32>
    %reduce_sum3A_353 = arith.constant dense<0.000000e+00> : vector<128xf32>
    %reduce_sum3A_354 = vector.multi_reduction <add>, %mul3A_349, %reduce_sum3A_353 [1] : vector<128x512xf32> to vector<128xf32>
    %broadcast_in_dim3A_355 = vector.shape_cast %reduce_sum3A_354 : vector<128xf32> to vector<128x1xf32>
    %add3A_356 = arith.addf %get3A_352, %broadcast_in_dim3A_355 : vector<128x1xf32>
    %swap3A_357 = arith.constant 0 : index
    %swap3A_358 = arith.constant 5 : index
    %swap3A_359 = vector.load %arg7[%swap3A_357, %swap3A_358] : memref<128x16xf32, #tpu.memory_space<vmem>>, vector<128x1xf32>
    tpu.vector_store %arg7[%swap3A_357, %swap3A_358], %add3A_356 {strides = array<i32>} : memref<128x16xf32, #tpu.memory_space<vmem>>, vector<128x1xf32>,
    %get3A_360 = arith.constant 0 : index
    %get3A_361 = arith.constant 5 : index
    %get3A_362 = vector.load %arg8[%get3A_360, %get3A_361] : memref<128x16xf32, #tpu.memory_space<vmem>>, vector<128x1xf32>
    %mul3A_363 = arith.mulf %mul3A_349, %slice3A_342 : vector<128x512xf32>
    %reduce_sum3A_364 = arith.constant dense<0.000000e+00> : vector<128xf32>
    %reduce_sum3A_365 = vector.multi_reduction <add>, %mul3A_363, %reduce_sum3A_364 [1] : vector<128x512xf32> to vector<128xf32>
    %broadcast_in_dim3A_366 = vector.shape_cast %reduce_sum3A_365 : vector<128xf32> to vector<128x1xf32>
    %add3A_367 = arith.addf %get3A_362, %broadcast_in_dim3A_366 : vector<128x1xf32>
    %swap3A_368 = arith.constant 0 : index
    %swap3A_369 = arith.constant 5 : index
    %swap3A_370 = vector.load %arg8[%swap3A_368, %swap3A_369] : memref<128x16xf32, #tpu.memory_space<vmem>>, vector<128x1xf32>
    tpu.vector_store %arg8[%swap3A_368, %swap3A_369], %add3A_367 {strides = array<i32>} : memref<128x16xf32, #tpu.memory_space<vmem>>, vector<128x1xf32>,
    %get3A_371 = arith.constant 0 : index
    %get3A_372 = arith.constant 5 : index
    %get3A_373 = vector.load %arg9[%get3A_371, %get3A_372] : memref<8x16xf32, #tpu.memory_space<vmem>>, vector<8x1xf32>
    %reduce_sum3A_374 = vector.shape_cast %convert_element_type3A_347 : vector<1x512xf32> to vector<1x1x512xf32>
    %reduce_sum3A_375 = arith.constant dense<0.000000e+00> : vector<1xf32>
    %reduce_sum3A_376 = vector.multi_reduction <add>, %reduce_sum3A_374, %reduce_sum3A_375 [1, 2] : vector<1x1x512xf32> to vector<1xf32>
    %reduce_sum3A_377 = vector.shape_cast %reduce_sum3A_376 : vector<1xf32> to vector<1x1x1xf32>
    %reduce_sum3A_378 = vector.extract %reduce_sum3A_377[0, 0, 0] : f32 from vector<1x1x1xf32>
    %broadcast_in_dim3A_379 = arith.constant 1.000000e+00 : f32
    %broadcast_in_dim3A_380 = vector.broadcast %broadcast_in_dim3A_379 : f32 to vector<8x1xf32>
    %mul3A_381 = vector.broadcast %reduce_sum3A_378 : f32 to vector<8x1xf32>
    %mul3A_382 = arith.mulf %mul3A_381, %broadcast_in_dim3A_380 : vector<8x1xf32>
    %add3A_383 = arith.addf %get3A_373, %mul3A_382 : vector<8x1xf32>
    %swap3A_384 = arith.constant 0 : index
    %swap3A_385 = arith.constant 5 : index
    %swap3A_386 = vector.load %arg9[%swap3A_384, %swap3A_385] : memref<8x16xf32, #tpu.memory_space<vmem>>, vector<8x1xf32>
    tpu.vector_store %arg9[%swap3A_384, %swap3A_385], %add3A_383 {strides = array<i32>} : memref<8x16xf32, #tpu.memory_space<vmem>>, vector<8x1xf32>,
    %jit3A_387 = arith.constant -1.000000e+30 : f32
    %broadcast_in_dim3A_388 = vector.shape_cast %eq3A_345 : vector<1x512xi1> to vector<1x512xi1>
    %broadcast_in_dim3A_389 = vector.broadcast %broadcast_in_dim3A_388 : vector<1x512xi1> to vector<128x512xi1>
    %broadcast_in_dim3A_390 = vector.broadcast %jit3A_387 : f32 to vector<128x512xf32>
    %select_n3A_391 = arith.select %broadcast_in_dim3A_389, %slice3A_342, %broadcast_in_dim3A_390 : vector<128x512xi1>, vector<128x512xf32>
    %reduce_max3A_392 = arith.constant dense<0xFF800000> : vector<128xf32>
    %reduce_max3A_393 = vector.multi_reduction <maximumf>, %select_n3A_391, %reduce_max3A_392 [1] : vector<128x512xf32> to vector<128xf32>
    %broadcast_in_dim3A_394 = vector.shape_cast %reduce_max3A_393 : vector<128xf32> to vector<128x1xf32>
    %get3A_395 = arith.constant 0 : index
    %get3A_396 = arith.constant 0 : index
    %get3A_397 = arith.constant 5 : index
    %get3A_398 = vector.load %arg6[%get3A_395, %get3A_396, %get3A_397] : memref<1x128x16xf32, #tpu.memory_space<vmem>>, vector<1x128x1xf32>
    %get3A_399 = vector.shape_cast %get3A_398 : vector<1x128x1xf32> to vector<128x1xf32>
    %max3A_400 = arith.maximumf %get3A_399, %broadcast_in_dim3A_394 : vector<128x1xf32>
    %swap3A_401 = arith.constant 0 : index
    %swap3A_402 = arith.constant 0 : index
    %swap3A_403 = arith.constant 5 : index
    %swap3A_404 = vector.load %arg6[%swap3A_401, %swap3A_402, %swap3A_403] : memref<1x128x16xf32, #tpu.memory_space<vmem>>, vector<1x128x1xf32>
    %swap3A_405 = vector.shape_cast %swap3A_404 : vector<1x128x1xf32> to vector<128x1xf32>
    %swap3A_406 = vector.shape_cast %max3A_400 : vector<128x1xf32> to vector<1x128x1xf32>
    tpu.vector_store %arg6[%swap3A_401, %swap3A_402, %swap3A_403], %swap3A_406 {strides = array<i32>} : memref<1x128x16xf32, #tpu.memory_space<vmem>>, vector<1x128x1xf32>,
    %slice3A_407 = vector.extract_strided_slice %add3A_10 {offsets = [768, 0], sizes = [128, 512], strides = [1, 1]} : vector<2048x512xf32> to vector<128x512xf32>
    %eq3A_408 = arith.constant 6.000000e+00 : f32
    %eq3A_409 = vector.broadcast %eq3A_408 : f32 to vector<1x512xf32>
    %eq3A_410 = arith.cmpf oeq, %get3A_15, %eq3A_409 : vector<1x512xf32>
    %convert_element_type3A_411 = arith.extui %eq3A_410 : vector<1x512xi1> to vector<1x512xi32>
    %convert_element_type3A_412 = arith.sitofp %convert_element_type3A_411 : vector<1x512xi32> to vector<1x512xf32>
    %mul3A_413 = vector.broadcast %convert_element_type3A_412 : vector<1x512xf32> to vector<128x512xf32>
    %mul3A_414 = arith.mulf %slice3A_407, %mul3A_413 : vector<128x512xf32>
    %get3A_415 = arith.constant 0 : index
    %get3A_416 = arith.constant 6 : index
    %get3A_417 = vector.load %arg7[%get3A_415, %get3A_416] : memref<128x16xf32, #tpu.memory_space<vmem>>, vector<128x1xf32>
    %reduce_sum3A_418 = arith.constant dense<0.000000e+00> : vector<128xf32>
    %reduce_sum3A_419 = vector.multi_reduction <add>, %mul3A_414, %reduce_sum3A_418 [1] : vector<128x512xf32> to vector<128xf32>
    %broadcast_in_dim3A_420 = vector.shape_cast %reduce_sum3A_419 : vector<128xf32> to vector<128x1xf32>
    %add3A_421 = arith.addf %get3A_417, %broadcast_in_dim3A_420 : vector<128x1xf32>
    %swap3A_422 = arith.constant 0 : index
    %swap3A_423 = arith.constant 6 : index
    %swap3A_424 = vector.load %arg7[%swap3A_422, %swap3A_423] : memref<128x16xf32, #tpu.memory_space<vmem>>, vector<128x1xf32>
    tpu.vector_store %arg7[%swap3A_422, %swap3A_423], %add3A_421 {strides = array<i32>} : memref<128x16xf32, #tpu.memory_space<vmem>>, vector<128x1xf32>,
    %get3A_425 = arith.constant 0 : index
    %get3A_426 = arith.constant 6 : index
    %get3A_427 = vector.load %arg8[%get3A_425, %get3A_426] : memref<128x16xf32, #tpu.memory_space<vmem>>, vector<128x1xf32>
    %mul3A_428 = arith.mulf %mul3A_414, %slice3A_407 : vector<128x512xf32>
    %reduce_sum3A_429 = arith.constant dense<0.000000e+00> : vector<128xf32>
    %reduce_sum3A_430 = vector.multi_reduction <add>, %mul3A_428, %reduce_sum3A_429 [1] : vector<128x512xf32> to vector<128xf32>
    %broadcast_in_dim3A_431 = vector.shape_cast %reduce_sum3A_430 : vector<128xf32> to vector<128x1xf32>
    %add3A_432 = arith.addf %get3A_427, %broadcast_in_dim3A_431 : vector<128x1xf32>
    %swap3A_433 = arith.constant 0 : index
    %swap3A_434 = arith.constant 6 : index
    %swap3A_435 = vector.load %arg8[%swap3A_433, %swap3A_434] : memref<128x16xf32, #tpu.memory_space<vmem>>, vector<128x1xf32>
    tpu.vector_store %arg8[%swap3A_433, %swap3A_434], %add3A_432 {strides = array<i32>} : memref<128x16xf32, #tpu.memory_space<vmem>>, vector<128x1xf32>,
    %get3A_436 = arith.constant 0 : index
    %get3A_437 = arith.constant 6 : index
    %get3A_438 = vector.load %arg9[%get3A_436, %get3A_437] : memref<8x16xf32, #tpu.memory_space<vmem>>, vector<8x1xf32>
    %reduce_sum3A_439 = vector.shape_cast %convert_element_type3A_412 : vector<1x512xf32> to vector<1x1x512xf32>
    %reduce_sum3A_440 = arith.constant dense<0.000000e+00> : vector<1xf32>
    %reduce_sum3A_441 = vector.multi_reduction <add>, %reduce_sum3A_439, %reduce_sum3A_440 [1, 2] : vector<1x1x512xf32> to vector<1xf32>
    %reduce_sum3A_442 = vector.shape_cast %reduce_sum3A_441 : vector<1xf32> to vector<1x1x1xf32>
    %reduce_sum3A_443 = vector.extract %reduce_sum3A_442[0, 0, 0] : f32 from vector<1x1x1xf32>
    %broadcast_in_dim3A_444 = arith.constant 1.000000e+00 : f32
    %broadcast_in_dim3A_445 = vector.broadcast %broadcast_in_dim3A_444 : f32 to vector<8x1xf32>
    %mul3A_446 = vector.broadcast %reduce_sum3A_443 : f32 to vector<8x1xf32>
    %mul3A_447 = arith.mulf %mul3A_446, %broadcast_in_dim3A_445 : vector<8x1xf32>
    %add3A_448 = arith.addf %get3A_438, %mul3A_447 : vector<8x1xf32>
    %swap3A_449 = arith.constant 0 : index
    %swap3A_450 = arith.constant 6 : index
    %swap3A_451 = vector.load %arg9[%swap3A_449, %swap3A_450] : memref<8x16xf32, #tpu.memory_space<vmem>>, vector<8x1xf32>
    tpu.vector_store %arg9[%swap3A_449, %swap3A_450], %add3A_448 {strides = array<i32>} : memref<8x16xf32, #tpu.memory_space<vmem>>, vector<8x1xf32>,
    %jit3A_452 = arith.constant -1.000000e+30 : f32
    %broadcast_in_dim3A_453 = vector.shape_cast %eq3A_410 : vector<1x512xi1> to vector<1x512xi1>
    %broadcast_in_dim3A_454 = vector.broadcast %broadcast_in_dim3A_453 : vector<1x512xi1> to vector<128x512xi1>
    %broadcast_in_dim3A_455 = vector.broadcast %jit3A_452 : f32 to vector<128x512xf32>
    %select_n3A_456 = arith.select %broadcast_in_dim3A_454, %slice3A_407, %broadcast_in_dim3A_455 : vector<128x512xi1>, vector<128x512xf32>
    %reduce_max3A_457 = arith.constant dense<0xFF800000> : vector<128xf32>
    %reduce_max3A_458 = vector.multi_reduction <maximumf>, %select_n3A_456, %reduce_max3A_457 [1] : vector<128x512xf32> to vector<128xf32>
    %broadcast_in_dim3A_459 = vector.shape_cast %reduce_max3A_458 : vector<128xf32> to vector<128x1xf32>
    %get3A_460 = arith.constant 0 : index
    %get3A_461 = arith.constant 0 : index
    %get3A_462 = arith.constant 6 : index
    %get3A_463 = vector.load %arg6[%get3A_460, %get3A_461, %get3A_462] : memref<1x128x16xf32, #tpu.memory_space<vmem>>, vector<1x128x1xf32>
    %get3A_464 = vector.shape_cast %get3A_463 : vector<1x128x1xf32> to vector<128x1xf32>
    %max3A_465 = arith.maximumf %get3A_464, %broadcast_in_dim3A_459 : vector<128x1xf32>
    %swap3A_466 = arith.constant 0 : index
    %swap3A_467 = arith.constant 0 : index
    %swap3A_468 = arith.constant 6 : index
    %swap3A_469 = vector.load %arg6[%swap3A_466, %swap3A_467, %swap3A_468] : memref<1x128x16xf32, #tpu.memory_space<vmem>>, vector<1x128x1xf32>
    %swap3A_470 = vector.shape_cast %swap3A_469 : vector<1x128x1xf32> to vector<128x1xf32>
    %swap3A_471 = vector.shape_cast %max3A_465 : vector<128x1xf32> to vector<1x128x1xf32>
    tpu.vector_store %arg6[%swap3A_466, %swap3A_467, %swap3A_468], %swap3A_471 {strides = array<i32>} : memref<1x128x16xf32, #tpu.memory_space<vmem>>, vector<1x128x1xf32>,
    %slice3A_472 = vector.extract_strided_slice %add3A_10 {offsets = [896, 0], sizes = [128, 512], strides = [1, 1]} : vector<2048x512xf32> to vector<128x512xf32>
    %eq3A_473 = arith.constant 7.000000e+00 : f32
    %eq3A_474 = vector.broadcast %eq3A_473 : f32 to vector<1x512xf32>
    %eq3A_475 = arith.cmpf oeq, %get3A_15, %eq3A_474 : vector<1x512xf32>
    %convert_element_type3A_476 = arith.extui %eq3A_475 : vector<1x512xi1> to vector<1x512xi32>
    %convert_element_type3A_477 = arith.sitofp %convert_element_type3A_476 : vector<1x512xi32> to vector<1x512xf32>
    %mul3A_478 = vector.broadcast %convert_element_type3A_477 : vector<1x512xf32> to vector<128x512xf32>
    %mul3A_479 = arith.mulf %slice3A_472, %mul3A_478 : vector<128x512xf32>
    %get3A_480 = arith.constant 0 : index
    %get3A_481 = arith.constant 7 : index
    %get3A_482 = vector.load %arg7[%get3A_480, %get3A_481] : memref<128x16xf32, #tpu.memory_space<vmem>>, vector<128x1xf32>
    %reduce_sum3A_483 = arith.constant dense<0.000000e+00> : vector<128xf32>
    %reduce_sum3A_484 = vector.multi_reduction <add>, %mul3A_479, %reduce_sum3A_483 [1] : vector<128x512xf32> to vector<128xf32>
    %broadcast_in_dim3A_485 = vector.shape_cast %reduce_sum3A_484 : vector<128xf32> to vector<128x1xf32>
    %add3A_486 = arith.addf %get3A_482, %broadcast_in_dim3A_485 : vector<128x1xf32>
    %swap3A_487 = arith.constant 0 : index
    %swap3A_488 = arith.constant 7 : index
    %swap3A_489 = vector.load %arg7[%swap3A_487, %swap3A_488] : memref<128x16xf32, #tpu.memory_space<vmem>>, vector<128x1xf32>
    tpu.vector_store %arg7[%swap3A_487, %swap3A_488], %add3A_486 {strides = array<i32>} : memref<128x16xf32, #tpu.memory_space<vmem>>, vector<128x1xf32>,
    %get3A_490 = arith.constant 0 : index
    %get3A_491 = arith.constant 7 : index
    %get3A_492 = vector.load %arg8[%get3A_490, %get3A_491] : memref<128x16xf32, #tpu.memory_space<vmem>>, vector<128x1xf32>
    %mul3A_493 = arith.mulf %mul3A_479, %slice3A_472 : vector<128x512xf32>
    %reduce_sum3A_494 = arith.constant dense<0.000000e+00> : vector<128xf32>
    %reduce_sum3A_495 = vector.multi_reduction <add>, %mul3A_493, %reduce_sum3A_494 [1] : vector<128x512xf32> to vector<128xf32>
    %broadcast_in_dim3A_496 = vector.shape_cast %reduce_sum3A_495 : vector<128xf32> to vector<128x1xf32>
    %add3A_497 = arith.addf %get3A_492, %broadcast_in_dim3A_496 : vector<128x1xf32>
    %swap3A_498 = arith.constant 0 : index
    %swap3A_499 = arith.constant 7 : index
    %swap3A_500 = vector.load %arg8[%swap3A_498, %swap3A_499] : memref<128x16xf32, #tpu.memory_space<vmem>>, vector<128x1xf32>
    tpu.vector_store %arg8[%swap3A_498, %swap3A_499], %add3A_497 {strides = array<i32>} : memref<128x16xf32, #tpu.memory_space<vmem>>, vector<128x1xf32>,
    %get3A_501 = arith.constant 0 : index
    %get3A_502 = arith.constant 7 : index
    %get3A_503 = vector.load %arg9[%get3A_501, %get3A_502] : memref<8x16xf32, #tpu.memory_space<vmem>>, vector<8x1xf32>
    %reduce_sum3A_504 = vector.shape_cast %convert_element_type3A_477 : vector<1x512xf32> to vector<1x1x512xf32>
    %reduce_sum3A_505 = arith.constant dense<0.000000e+00> : vector<1xf32>
    %reduce_sum3A_506 = vector.multi_reduction <add>, %reduce_sum3A_504, %reduce_sum3A_505 [1, 2] : vector<1x1x512xf32> to vector<1xf32>
    %reduce_sum3A_507 = vector.shape_cast %reduce_sum3A_506 : vector<1xf32> to vector<1x1x1xf32>
    %reduce_sum3A_508 = vector.extract %reduce_sum3A_507[0, 0, 0] : f32 from vector<1x1x1xf32>
    %broadcast_in_dim3A_509 = arith.constant 1.000000e+00 : f32
    %broadcast_in_dim3A_510 = vector.broadcast %broadcast_in_dim3A_509 : f32 to vector<8x1xf32>
    %mul3A_511 = vector.broadcast %reduce_sum3A_508 : f32 to vector<8x1xf32>
    %mul3A_512 = arith.mulf %mul3A_511, %broadcast_in_dim3A_510 : vector<8x1xf32>
    %add3A_513 = arith.addf %get3A_503, %mul3A_512 : vector<8x1xf32>
    %swap3A_514 = arith.constant 0 : index
    %swap3A_515 = arith.constant 7 : index
    %swap3A_516 = vector.load %arg9[%swap3A_514, %swap3A_515] : memref<8x16xf32, #tpu.memory_space<vmem>>, vector<8x1xf32>
    tpu.vector_store %arg9[%swap3A_514, %swap3A_515], %add3A_513 {strides = array<i32>} : memref<8x16xf32, #tpu.memory_space<vmem>>, vector<8x1xf32>,
    %jit3A_517 = arith.constant -1.000000e+30 : f32
    %broadcast_in_dim3A_518 = vector.shape_cast %eq3A_475 : vector<1x512xi1> to vector<1x512xi1>
    %broadcast_in_dim3A_519 = vector.broadcast %broadcast_in_dim3A_518 : vector<1x512xi1> to vector<128x512xi1>
    %broadcast_in_dim3A_520 = vector.broadcast %jit3A_517 : f32 to vector<128x512xf32>
    %select_n3A_521 = arith.select %broadcast_in_dim3A_519, %slice3A_472, %broadcast_in_dim3A_520 : vector<128x512xi1>, vector<128x512xf32>
    %reduce_max3A_522 = arith.constant dense<0xFF800000> : vector<128xf32>
    %reduce_max3A_523 = vector.multi_reduction <maximumf>, %select_n3A_521, %reduce_max3A_522 [1] : vector<128x512xf32> to vector<128xf32>
    %broadcast_in_dim3A_524 = vector.shape_cast %reduce_max3A_523 : vector<128xf32> to vector<128x1xf32>
    %get3A_525 = arith.constant 0 : index
    %get3A_526 = arith.constant 0 : index
    %get3A_527 = arith.constant 7 : index
    %get3A_528 = vector.load %arg6[%get3A_525, %get3A_526, %get3A_527] : memref<1x128x16xf32, #tpu.memory_space<vmem>>, vector<1x128x1xf32>
    %get3A_529 = vector.shape_cast %get3A_528 : vector<1x128x1xf32> to vector<128x1xf32>
    %max3A_530 = arith.maximumf %get3A_529, %broadcast_in_dim3A_524 : vector<128x1xf32>
    %swap3A_531 = arith.constant 0 : index
    %swap3A_532 = arith.constant 0 : index
    %swap3A_533 = arith.constant 7 : index
    %swap3A_534 = vector.load %arg6[%swap3A_531, %swap3A_532, %swap3A_533] : memref<1x128x16xf32, #tpu.memory_space<vmem>>, vector<1x128x1xf32>
    %swap3A_535 = vector.shape_cast %swap3A_534 : vector<1x128x1xf32> to vector<128x1xf32>
    %swap3A_536 = vector.shape_cast %max3A_530 : vector<128x1xf32> to vector<1x128x1xf32>
    tpu.vector_store %arg6[%swap3A_531, %swap3A_532, %swap3A_533], %swap3A_536 {strides = array<i32>} : memref<1x128x16xf32, #tpu.memory_space<vmem>>, vector<1x128x1xf32>,
    %slice3A_537 = vector.extract_strided_slice %add3A_10 {offsets = [1024, 0], sizes = [128, 512], strides = [1, 1]} : vector<2048x512xf32> to vector<128x512xf32>
    %eq3A_538 = arith.constant 8.000000e+00 : f32
    %eq3A_539 = vector.broadcast %eq3A_538 : f32 to vector<1x512xf32>
    %eq3A_540 = arith.cmpf oeq, %get3A_15, %eq3A_539 : vector<1x512xf32>
    %convert_element_type3A_541 = arith.extui %eq3A_540 : vector<1x512xi1> to vector<1x512xi32>
    %convert_element_type3A_542 = arith.sitofp %convert_element_type3A_541 : vector<1x512xi32> to vector<1x512xf32>
    %mul3A_543 = vector.broadcast %convert_element_type3A_542 : vector<1x512xf32> to vector<128x512xf32>
    %mul3A_544 = arith.mulf %slice3A_537, %mul3A_543 : vector<128x512xf32>
    %get3A_545 = arith.constant 0 : index
    %get3A_546 = arith.constant 8 : index
    %get3A_547 = vector.load %arg7[%get3A_545, %get3A_546] : memref<128x16xf32, #tpu.memory_space<vmem>>, vector<128x1xf32>
    %reduce_sum3A_548 = arith.constant dense<0.000000e+00> : vector<128xf32>
    %reduce_sum3A_549 = vector.multi_reduction <add>, %mul3A_544, %reduce_sum3A_548 [1] : vector<128x512xf32> to vector<128xf32>
    %broadcast_in_dim3A_550 = vector.shape_cast %reduce_sum3A_549 : vector<128xf32> to vector<128x1xf32>
    %add3A_551 = arith.addf %get3A_547, %broadcast_in_dim3A_550 : vector<128x1xf32>
    %swap3A_552 = arith.constant 0 : index
    %swap3A_553 = arith.constant 8 : index
    %swap3A_554 = vector.load %arg7[%swap3A_552, %swap3A_553] : memref<128x16xf32, #tpu.memory_space<vmem>>, vector<128x1xf32>
    tpu.vector_store %arg7[%swap3A_552, %swap3A_553], %add3A_551 {strides = array<i32>} : memref<128x16xf32, #tpu.memory_space<vmem>>, vector<128x1xf32>,
    %get3A_555 = arith.constant 0 : index
    %get3A_556 = arith.constant 8 : index
    %get3A_557 = vector.load %arg8[%get3A_555, %get3A_556] : memref<128x16xf32, #tpu.memory_space<vmem>>, vector<128x1xf32>
    %mul3A_558 = arith.mulf %mul3A_544, %slice3A_537 : vector<128x512xf32>
    %reduce_sum3A_559 = arith.constant dense<0.000000e+00> : vector<128xf32>
    %reduce_sum3A_560 = vector.multi_reduction <add>, %mul3A_558, %reduce_sum3A_559 [1] : vector<128x512xf32> to vector<128xf32>
    %broadcast_in_dim3A_561 = vector.shape_cast %reduce_sum3A_560 : vector<128xf32> to vector<128x1xf32>
    %add3A_562 = arith.addf %get3A_557, %broadcast_in_dim3A_561 : vector<128x1xf32>
    %swap3A_563 = arith.constant 0 : index
    %swap3A_564 = arith.constant 8 : index
    %swap3A_565 = vector.load %arg8[%swap3A_563, %swap3A_564] : memref<128x16xf32, #tpu.memory_space<vmem>>, vector<128x1xf32>
    tpu.vector_store %arg8[%swap3A_563, %swap3A_564], %add3A_562 {strides = array<i32>} : memref<128x16xf32, #tpu.memory_space<vmem>>, vector<128x1xf32>,
    %get3A_566 = arith.constant 0 : index
    %get3A_567 = arith.constant 8 : index
    %get3A_568 = vector.load %arg9[%get3A_566, %get3A_567] : memref<8x16xf32, #tpu.memory_space<vmem>>, vector<8x1xf32>
    %reduce_sum3A_569 = vector.shape_cast %convert_element_type3A_542 : vector<1x512xf32> to vector<1x1x512xf32>
    %reduce_sum3A_570 = arith.constant dense<0.000000e+00> : vector<1xf32>
    %reduce_sum3A_571 = vector.multi_reduction <add>, %reduce_sum3A_569, %reduce_sum3A_570 [1, 2] : vector<1x1x512xf32> to vector<1xf32>
    %reduce_sum3A_572 = vector.shape_cast %reduce_sum3A_571 : vector<1xf32> to vector<1x1x1xf32>
    %reduce_sum3A_573 = vector.extract %reduce_sum3A_572[0, 0, 0] : f32 from vector<1x1x1xf32>
    %broadcast_in_dim3A_574 = arith.constant 1.000000e+00 : f32
    %broadcast_in_dim3A_575 = vector.broadcast %broadcast_in_dim3A_574 : f32 to vector<8x1xf32>
    %mul3A_576 = vector.broadcast %reduce_sum3A_573 : f32 to vector<8x1xf32>
    %mul3A_577 = arith.mulf %mul3A_576, %broadcast_in_dim3A_575 : vector<8x1xf32>
    %add3A_578 = arith.addf %get3A_568, %mul3A_577 : vector<8x1xf32>
    %swap3A_579 = arith.constant 0 : index
    %swap3A_580 = arith.constant 8 : index
    %swap3A_581 = vector.load %arg9[%swap3A_579, %swap3A_580] : memref<8x16xf32, #tpu.memory_space<vmem>>, vector<8x1xf32>
    tpu.vector_store %arg9[%swap3A_579, %swap3A_580], %add3A_578 {strides = array<i32>} : memref<8x16xf32, #tpu.memory_space<vmem>>, vector<8x1xf32>,
    %jit3A_582 = arith.constant -1.000000e+30 : f32
    %broadcast_in_dim3A_583 = vector.shape_cast %eq3A_540 : vector<1x512xi1> to vector<1x512xi1>
    %broadcast_in_dim3A_584 = vector.broadcast %broadcast_in_dim3A_583 : vector<1x512xi1> to vector<128x512xi1>
    %broadcast_in_dim3A_585 = vector.broadcast %jit3A_582 : f32 to vector<128x512xf32>
    %select_n3A_586 = arith.select %broadcast_in_dim3A_584, %slice3A_537, %broadcast_in_dim3A_585 : vector<128x512xi1>, vector<128x512xf32>
    %reduce_max3A_587 = arith.constant dense<0xFF800000> : vector<128xf32>
    %reduce_max3A_588 = vector.multi_reduction <maximumf>, %select_n3A_586, %reduce_max3A_587 [1] : vector<128x512xf32> to vector<128xf32>
    %broadcast_in_dim3A_589 = vector.shape_cast %reduce_max3A_588 : vector<128xf32> to vector<128x1xf32>
    %get3A_590 = arith.constant 0 : index
    %get3A_591 = arith.constant 0 : index
    %get3A_592 = arith.constant 8 : index
    %get3A_593 = vector.load %arg6[%get3A_590, %get3A_591, %get3A_592] : memref<1x128x16xf32, #tpu.memory_space<vmem>>, vector<1x128x1xf32>
    %get3A_594 = vector.shape_cast %get3A_593 : vector<1x128x1xf32> to vector<128x1xf32>
    %max3A_595 = arith.maximumf %get3A_594, %broadcast_in_dim3A_589 : vector<128x1xf32>
    %swap3A_596 = arith.constant 0 : index
    %swap3A_597 = arith.constant 0 : index
    %swap3A_598 = arith.constant 8 : index
    %swap3A_599 = vector.load %arg6[%swap3A_596, %swap3A_597, %swap3A_598] : memref<1x128x16xf32, #tpu.memory_space<vmem>>, vector<1x128x1xf32>
    %swap3A_600 = vector.shape_cast %swap3A_599 : vector<1x128x1xf32> to vector<128x1xf32>
    %swap3A_601 = vector.shape_cast %max3A_595 : vector<128x1xf32> to vector<1x128x1xf32>
    tpu.vector_store %arg6[%swap3A_596, %swap3A_597, %swap3A_598], %swap3A_601 {strides = array<i32>} : memref<1x128x16xf32, #tpu.memory_space<vmem>>, vector<1x128x1xf32>,
    %slice3A_602 = vector.extract_strided_slice %add3A_10 {offsets = [1152, 0], sizes = [128, 512], strides = [1, 1]} : vector<2048x512xf32> to vector<128x512xf32>
    %eq3A_603 = arith.constant 9.000000e+00 : f32
    %eq3A_604 = vector.broadcast %eq3A_603 : f32 to vector<1x512xf32>
    %eq3A_605 = arith.cmpf oeq, %get3A_15, %eq3A_604 : vector<1x512xf32>
    %convert_element_type3A_606 = arith.extui %eq3A_605 : vector<1x512xi1> to vector<1x512xi32>
    %convert_element_type3A_607 = arith.sitofp %convert_element_type3A_606 : vector<1x512xi32> to vector<1x512xf32>
    %mul3A_608 = vector.broadcast %convert_element_type3A_607 : vector<1x512xf32> to vector<128x512xf32>
    %mul3A_609 = arith.mulf %slice3A_602, %mul3A_608 : vector<128x512xf32>
    %get3A_610 = arith.constant 0 : index
    %get3A_611 = arith.constant 9 : index
    %get3A_612 = vector.load %arg7[%get3A_610, %get3A_611] : memref<128x16xf32, #tpu.memory_space<vmem>>, vector<128x1xf32>
    %reduce_sum3A_613 = arith.constant dense<0.000000e+00> : vector<128xf32>
    %reduce_sum3A_614 = vector.multi_reduction <add>, %mul3A_609, %reduce_sum3A_613 [1] : vector<128x512xf32> to vector<128xf32>
    %broadcast_in_dim3A_615 = vector.shape_cast %reduce_sum3A_614 : vector<128xf32> to vector<128x1xf32>
    %add3A_616 = arith.addf %get3A_612, %broadcast_in_dim3A_615 : vector<128x1xf32>
    %swap3A_617 = arith.constant 0 : index
    %swap3A_618 = arith.constant 9 : index
    %swap3A_619 = vector.load %arg7[%swap3A_617, %swap3A_618] : memref<128x16xf32, #tpu.memory_space<vmem>>, vector<128x1xf32>
    tpu.vector_store %arg7[%swap3A_617, %swap3A_618], %add3A_616 {strides = array<i32>} : memref<128x16xf32, #tpu.memory_space<vmem>>, vector<128x1xf32>,
    %get3A_620 = arith.constant 0 : index
    %get3A_621 = arith.constant 9 : index
    %get3A_622 = vector.load %arg8[%get3A_620, %get3A_621] : memref<128x16xf32, #tpu.memory_space<vmem>>, vector<128x1xf32>
    %mul3A_623 = arith.mulf %mul3A_609, %slice3A_602 : vector<128x512xf32>
    %reduce_sum3A_624 = arith.constant dense<0.000000e+00> : vector<128xf32>
    %reduce_sum3A_625 = vector.multi_reduction <add>, %mul3A_623, %reduce_sum3A_624 [1] : vector<128x512xf32> to vector<128xf32>
    %broadcast_in_dim3A_626 = vector.shape_cast %reduce_sum3A_625 : vector<128xf32> to vector<128x1xf32>
    %add3A_627 = arith.addf %get3A_622, %broadcast_in_dim3A_626 : vector<128x1xf32>
    %swap3A_628 = arith.constant 0 : index
    %swap3A_629 = arith.constant 9 : index
    %swap3A_630 = vector.load %arg8[%swap3A_628, %swap3A_629] : memref<128x16xf32, #tpu.memory_space<vmem>>, vector<128x1xf32>
    tpu.vector_store %arg8[%swap3A_628, %swap3A_629], %add3A_627 {strides = array<i32>} : memref<128x16xf32, #tpu.memory_space<vmem>>, vector<128x1xf32>,
    %get3A_631 = arith.constant 0 : index
    %get3A_632 = arith.constant 9 : index
    %get3A_633 = vector.load %arg9[%get3A_631, %get3A_632] : memref<8x16xf32, #tpu.memory_space<vmem>>, vector<8x1xf32>
    %reduce_sum3A_634 = vector.shape_cast %convert_element_type3A_607 : vector<1x512xf32> to vector<1x1x512xf32>
    %reduce_sum3A_635 = arith.constant dense<0.000000e+00> : vector<1xf32>
    %reduce_sum3A_636 = vector.multi_reduction <add>, %reduce_sum3A_634, %reduce_sum3A_635 [1, 2] : vector<1x1x512xf32> to vector<1xf32>
    %reduce_sum3A_637 = vector.shape_cast %reduce_sum3A_636 : vector<1xf32> to vector<1x1x1xf32>
    %reduce_sum3A_638 = vector.extract %reduce_sum3A_637[0, 0, 0] : f32 from vector<1x1x1xf32>
    %broadcast_in_dim3A_639 = arith.constant 1.000000e+00 : f32
    %broadcast_in_dim3A_640 = vector.broadcast %broadcast_in_dim3A_639 : f32 to vector<8x1xf32>
    %mul3A_641 = vector.broadcast %reduce_sum3A_638 : f32 to vector<8x1xf32>
    %mul3A_642 = arith.mulf %mul3A_641, %broadcast_in_dim3A_640 : vector<8x1xf32>
    %add3A_643 = arith.addf %get3A_633, %mul3A_642 : vector<8x1xf32>
    %swap3A_644 = arith.constant 0 : index
    %swap3A_645 = arith.constant 9 : index
    %swap3A_646 = vector.load %arg9[%swap3A_644, %swap3A_645] : memref<8x16xf32, #tpu.memory_space<vmem>>, vector<8x1xf32>
    tpu.vector_store %arg9[%swap3A_644, %swap3A_645], %add3A_643 {strides = array<i32>} : memref<8x16xf32, #tpu.memory_space<vmem>>, vector<8x1xf32>,
    %jit3A_647 = arith.constant -1.000000e+30 : f32
    %broadcast_in_dim3A_648 = vector.shape_cast %eq3A_605 : vector<1x512xi1> to vector<1x512xi1>
    %broadcast_in_dim3A_649 = vector.broadcast %broadcast_in_dim3A_648 : vector<1x512xi1> to vector<128x512xi1>
    %broadcast_in_dim3A_650 = vector.broadcast %jit3A_647 : f32 to vector<128x512xf32>
    %select_n3A_651 = arith.select %broadcast_in_dim3A_649, %slice3A_602, %broadcast_in_dim3A_650 : vector<128x512xi1>, vector<128x512xf32>
    %reduce_max3A_652 = arith.constant dense<0xFF800000> : vector<128xf32>
    %reduce_max3A_653 = vector.multi_reduction <maximumf>, %select_n3A_651, %reduce_max3A_652 [1] : vector<128x512xf32> to vector<128xf32>
    %broadcast_in_dim3A_654 = vector.shape_cast %reduce_max3A_653 : vector<128xf32> to vector<128x1xf32>
    %get3A_655 = arith.constant 0 : index
    %get3A_656 = arith.constant 0 : index
    %get3A_657 = arith.constant 9 : index
    %get3A_658 = vector.load %arg6[%get3A_655, %get3A_656, %get3A_657] : memref<1x128x16xf32, #tpu.memory_space<vmem>>, vector<1x128x1xf32>
    %get3A_659 = vector.shape_cast %get3A_658 : vector<1x128x1xf32> to vector<128x1xf32>
    %max3A_660 = arith.maximumf %get3A_659, %broadcast_in_dim3A_654 : vector<128x1xf32>
    %swap3A_661 = arith.constant 0 : index
    %swap3A_662 = arith.constant 0 : index
    %swap3A_663 = arith.constant 9 : index
    %swap3A_664 = vector.load %arg6[%swap3A_661, %swap3A_662, %swap3A_663] : memref<1x128x16xf32, #tpu.memory_space<vmem>>, vector<1x128x1xf32>
    %swap3A_665 = vector.shape_cast %swap3A_664 : vector<1x128x1xf32> to vector<128x1xf32>
    %swap3A_666 = vector.shape_cast %max3A_660 : vector<128x1xf32> to vector<1x128x1xf32>
    tpu.vector_store %arg6[%swap3A_661, %swap3A_662, %swap3A_663], %swap3A_666 {strides = array<i32>} : memref<1x128x16xf32, #tpu.memory_space<vmem>>, vector<1x128x1xf32>,
    %slice3A_667 = vector.extract_strided_slice %add3A_10 {offsets = [1280, 0], sizes = [128, 512], strides = [1, 1]} : vector<2048x512xf32> to vector<128x512xf32>
    %eq3A_668 = arith.constant 1.000000e+01 : f32
    %eq3A_669 = vector.broadcast %eq3A_668 : f32 to vector<1x512xf32>
    %eq3A_670 = arith.cmpf oeq, %get3A_15, %eq3A_669 : vector<1x512xf32>
    %convert_element_type3A_671 = arith.extui %eq3A_670 : vector<1x512xi1> to vector<1x512xi32>
    %convert_element_type3A_672 = arith.sitofp %convert_element_type3A_671 : vector<1x512xi32> to vector<1x512xf32>
    %mul3A_673 = vector.broadcast %convert_element_type3A_672 : vector<1x512xf32> to vector<128x512xf32>
    %mul3A_674 = arith.mulf %slice3A_667, %mul3A_673 : vector<128x512xf32>
    %get3A_675 = arith.constant 0 : index
    %get3A_676 = arith.constant 10 : index
    %get3A_677 = vector.load %arg7[%get3A_675, %get3A_676] : memref<128x16xf32, #tpu.memory_space<vmem>>, vector<128x1xf32>
    %reduce_sum3A_678 = arith.constant dense<0.000000e+00> : vector<128xf32>
    %reduce_sum3A_679 = vector.multi_reduction <add>, %mul3A_674, %reduce_sum3A_678 [1] : vector<128x512xf32> to vector<128xf32>
    %broadcast_in_dim3A_680 = vector.shape_cast %reduce_sum3A_679 : vector<128xf32> to vector<128x1xf32>
    %add3A_681 = arith.addf %get3A_677, %broadcast_in_dim3A_680 : vector<128x1xf32>
    %swap3A_682 = arith.constant 0 : index
    %swap3A_683 = arith.constant 10 : index
    %swap3A_684 = vector.load %arg7[%swap3A_682, %swap3A_683] : memref<128x16xf32, #tpu.memory_space<vmem>>, vector<128x1xf32>
    tpu.vector_store %arg7[%swap3A_682, %swap3A_683], %add3A_681 {strides = array<i32>} : memref<128x16xf32, #tpu.memory_space<vmem>>, vector<128x1xf32>,
    %get3A_685 = arith.constant 0 : index
    %get3A_686 = arith.constant 10 : index
    %get3A_687 = vector.load %arg8[%get3A_685, %get3A_686] : memref<128x16xf32, #tpu.memory_space<vmem>>, vector<128x1xf32>
    %mul3A_688 = arith.mulf %mul3A_674, %slice3A_667 : vector<128x512xf32>
    %reduce_sum3A_689 = arith.constant dense<0.000000e+00> : vector<128xf32>
    %reduce_sum3A_690 = vector.multi_reduction <add>, %mul3A_688, %reduce_sum3A_689 [1] : vector<128x512xf32> to vector<128xf32>
    %broadcast_in_dim3A_691 = vector.shape_cast %reduce_sum3A_690 : vector<128xf32> to vector<128x1xf32>
    %add3A_692 = arith.addf %get3A_687, %broadcast_in_dim3A_691 : vector<128x1xf32>
    %swap3A_693 = arith.constant 0 : index
    %swap3A_694 = arith.constant 10 : index
    %swap3A_695 = vector.load %arg8[%swap3A_693, %swap3A_694] : memref<128x16xf32, #tpu.memory_space<vmem>>, vector<128x1xf32>
    tpu.vector_store %arg8[%swap3A_693, %swap3A_694], %add3A_692 {strides = array<i32>} : memref<128x16xf32, #tpu.memory_space<vmem>>, vector<128x1xf32>,
    %get3A_696 = arith.constant 0 : index
    %get3A_697 = arith.constant 10 : index
    %get3A_698 = vector.load %arg9[%get3A_696, %get3A_697] : memref<8x16xf32, #tpu.memory_space<vmem>>, vector<8x1xf32>
    %reduce_sum3A_699 = vector.shape_cast %convert_element_type3A_672 : vector<1x512xf32> to vector<1x1x512xf32>
    %reduce_sum3A_700 = arith.constant dense<0.000000e+00> : vector<1xf32>
    %reduce_sum3A_701 = vector.multi_reduction <add>, %reduce_sum3A_699, %reduce_sum3A_700 [1, 2] : vector<1x1x512xf32> to vector<1xf32>
    %reduce_sum3A_702 = vector.shape_cast %reduce_sum3A_701 : vector<1xf32> to vector<1x1x1xf32>
    %reduce_sum3A_703 = vector.extract %reduce_sum3A_702[0, 0, 0] : f32 from vector<1x1x1xf32>
    %broadcast_in_dim3A_704 = arith.constant 1.000000e+00 : f32
    %broadcast_in_dim3A_705 = vector.broadcast %broadcast_in_dim3A_704 : f32 to vector<8x1xf32>
    %mul3A_706 = vector.broadcast %reduce_sum3A_703 : f32 to vector<8x1xf32>
    %mul3A_707 = arith.mulf %mul3A_706, %broadcast_in_dim3A_705 : vector<8x1xf32>
    %add3A_708 = arith.addf %get3A_698, %mul3A_707 : vector<8x1xf32>
    %swap3A_709 = arith.constant 0 : index
    %swap3A_710 = arith.constant 10 : index
    %swap3A_711 = vector.load %arg9[%swap3A_709, %swap3A_710] : memref<8x16xf32, #tpu.memory_space<vmem>>, vector<8x1xf32>
    tpu.vector_store %arg9[%swap3A_709, %swap3A_710], %add3A_708 {strides = array<i32>} : memref<8x16xf32, #tpu.memory_space<vmem>>, vector<8x1xf32>,
    %jit3A_712 = arith.constant -1.000000e+30 : f32
    %broadcast_in_dim3A_713 = vector.shape_cast %eq3A_670 : vector<1x512xi1> to vector<1x512xi1>
    %broadcast_in_dim3A_714 = vector.broadcast %broadcast_in_dim3A_713 : vector<1x512xi1> to vector<128x512xi1>
    %broadcast_in_dim3A_715 = vector.broadcast %jit3A_712 : f32 to vector<128x512xf32>
    %select_n3A_716 = arith.select %broadcast_in_dim3A_714, %slice3A_667, %broadcast_in_dim3A_715 : vector<128x512xi1>, vector<128x512xf32>
    %reduce_max3A_717 = arith.constant dense<0xFF800000> : vector<128xf32>
    %reduce_max3A_718 = vector.multi_reduction <maximumf>, %select_n3A_716, %reduce_max3A_717 [1] : vector<128x512xf32> to vector<128xf32>
    %broadcast_in_dim3A_719 = vector.shape_cast %reduce_max3A_718 : vector<128xf32> to vector<128x1xf32>
    %get3A_720 = arith.constant 0 : index
    %get3A_721 = arith.constant 0 : index
    %get3A_722 = arith.constant 10 : index
    %get3A_723 = vector.load %arg6[%get3A_720, %get3A_721, %get3A_722] : memref<1x128x16xf32, #tpu.memory_space<vmem>>, vector<1x128x1xf32>
    %get3A_724 = vector.shape_cast %get3A_723 : vector<1x128x1xf32> to vector<128x1xf32>
    %max3A_725 = arith.maximumf %get3A_724, %broadcast_in_dim3A_719 : vector<128x1xf32>
    %swap3A_726 = arith.constant 0 : index
    %swap3A_727 = arith.constant 0 : index
    %swap3A_728 = arith.constant 10 : index
    %swap3A_729 = vector.load %arg6[%swap3A_726, %swap3A_727, %swap3A_728] : memref<1x128x16xf32, #tpu.memory_space<vmem>>, vector<1x128x1xf32>
    %swap3A_730 = vector.shape_cast %swap3A_729 : vector<1x128x1xf32> to vector<128x1xf32>
    %swap3A_731 = vector.shape_cast %max3A_725 : vector<128x1xf32> to vector<1x128x1xf32>
    tpu.vector_store %arg6[%swap3A_726, %swap3A_727, %swap3A_728], %swap3A_731 {strides = array<i32>} : memref<1x128x16xf32, #tpu.memory_space<vmem>>, vector<1x128x1xf32>,
    %slice3A_732 = vector.extract_strided_slice %add3A_10 {offsets = [1408, 0], sizes = [128, 512], strides = [1, 1]} : vector<2048x512xf32> to vector<128x512xf32>
    %eq3A_733 = arith.constant 1.100000e+01 : f32
    %eq3A_734 = vector.broadcast %eq3A_733 : f32 to vector<1x512xf32>
    %eq3A_735 = arith.cmpf oeq, %get3A_15, %eq3A_734 : vector<1x512xf32>
    %convert_element_type3A_736 = arith.extui %eq3A_735 : vector<1x512xi1> to vector<1x512xi32>
    %convert_element_type3A_737 = arith.sitofp %convert_element_type3A_736 : vector<1x512xi32> to vector<1x512xf32>
    %mul3A_738 = vector.broadcast %convert_element_type3A_737 : vector<1x512xf32> to vector<128x512xf32>
    %mul3A_739 = arith.mulf %slice3A_732, %mul3A_738 : vector<128x512xf32>
    %get3A_740 = arith.constant 0 : index
    %get3A_741 = arith.constant 11 : index
    %get3A_742 = vector.load %arg7[%get3A_740, %get3A_741] : memref<128x16xf32, #tpu.memory_space<vmem>>, vector<128x1xf32>
    %reduce_sum3A_743 = arith.constant dense<0.000000e+00> : vector<128xf32>
    %reduce_sum3A_744 = vector.multi_reduction <add>, %mul3A_739, %reduce_sum3A_743 [1] : vector<128x512xf32> to vector<128xf32>
    %broadcast_in_dim3A_745 = vector.shape_cast %reduce_sum3A_744 : vector<128xf32> to vector<128x1xf32>
    %add3A_746 = arith.addf %get3A_742, %broadcast_in_dim3A_745 : vector<128x1xf32>
    %swap3A_747 = arith.constant 0 : index
    %swap3A_748 = arith.constant 11 : index
    %swap3A_749 = vector.load %arg7[%swap3A_747, %swap3A_748] : memref<128x16xf32, #tpu.memory_space<vmem>>, vector<128x1xf32>
    tpu.vector_store %arg7[%swap3A_747, %swap3A_748], %add3A_746 {strides = array<i32>} : memref<128x16xf32, #tpu.memory_space<vmem>>, vector<128x1xf32>,
    %get3A_750 = arith.constant 0 : index
    %get3A_751 = arith.constant 11 : index
    %get3A_752 = vector.load %arg8[%get3A_750, %get3A_751] : memref<128x16xf32, #tpu.memory_space<vmem>>, vector<128x1xf32>
    %mul3A_753 = arith.mulf %mul3A_739, %slice3A_732 : vector<128x512xf32>
    %reduce_sum3A_754 = arith.constant dense<0.000000e+00> : vector<128xf32>
    %reduce_sum3A_755 = vector.multi_reduction <add>, %mul3A_753, %reduce_sum3A_754 [1] : vector<128x512xf32> to vector<128xf32>
    %broadcast_in_dim3A_756 = vector.shape_cast %reduce_sum3A_755 : vector<128xf32> to vector<128x1xf32>
    %add3A_757 = arith.addf %get3A_752, %broadcast_in_dim3A_756 : vector<128x1xf32>
    %swap3A_758 = arith.constant 0 : index
    %swap3A_759 = arith.constant 11 : index
    %swap3A_760 = vector.load %arg8[%swap3A_758, %swap3A_759] : memref<128x16xf32, #tpu.memory_space<vmem>>, vector<128x1xf32>
    tpu.vector_store %arg8[%swap3A_758, %swap3A_759], %add3A_757 {strides = array<i32>} : memref<128x16xf32, #tpu.memory_space<vmem>>, vector<128x1xf32>,
    %get3A_761 = arith.constant 0 : index
    %get3A_762 = arith.constant 11 : index
    %get3A_763 = vector.load %arg9[%get3A_761, %get3A_762] : memref<8x16xf32, #tpu.memory_space<vmem>>, vector<8x1xf32>
    %reduce_sum3A_764 = vector.shape_cast %convert_element_type3A_737 : vector<1x512xf32> to vector<1x1x512xf32>
    %reduce_sum3A_765 = arith.constant dense<0.000000e+00> : vector<1xf32>
    %reduce_sum3A_766 = vector.multi_reduction <add>, %reduce_sum3A_764, %reduce_sum3A_765 [1, 2] : vector<1x1x512xf32> to vector<1xf32>
    %reduce_sum3A_767 = vector.shape_cast %reduce_sum3A_766 : vector<1xf32> to vector<1x1x1xf32>
    %reduce_sum3A_768 = vector.extract %reduce_sum3A_767[0, 0, 0] : f32 from vector<1x1x1xf32>
    %broadcast_in_dim3A_769 = arith.constant 1.000000e+00 : f32
    %broadcast_in_dim3A_770 = vector.broadcast %broadcast_in_dim3A_769 : f32 to vector<8x1xf32>
    %mul3A_771 = vector.broadcast %reduce_sum3A_768 : f32 to vector<8x1xf32>
    %mul3A_772 = arith.mulf %mul3A_771, %broadcast_in_dim3A_770 : vector<8x1xf32>
    %add3A_773 = arith.addf %get3A_763, %mul3A_772 : vector<8x1xf32>
    %swap3A_774 = arith.constant 0 : index
    %swap3A_775 = arith.constant 11 : index
    %swap3A_776 = vector.load %arg9[%swap3A_774, %swap3A_775] : memref<8x16xf32, #tpu.memory_space<vmem>>, vector<8x1xf32>
    tpu.vector_store %arg9[%swap3A_774, %swap3A_775], %add3A_773 {strides = array<i32>} : memref<8x16xf32, #tpu.memory_space<vmem>>, vector<8x1xf32>,
    %jit3A_777 = arith.constant -1.000000e+30 : f32
    %broadcast_in_dim3A_778 = vector.shape_cast %eq3A_735 : vector<1x512xi1> to vector<1x512xi1>
    %broadcast_in_dim3A_779 = vector.broadcast %broadcast_in_dim3A_778 : vector<1x512xi1> to vector<128x512xi1>
    %broadcast_in_dim3A_780 = vector.broadcast %jit3A_777 : f32 to vector<128x512xf32>
    %select_n3A_781 = arith.select %broadcast_in_dim3A_779, %slice3A_732, %broadcast_in_dim3A_780 : vector<128x512xi1>, vector<128x512xf32>
    %reduce_max3A_782 = arith.constant dense<0xFF800000> : vector<128xf32>
    %reduce_max3A_783 = vector.multi_reduction <maximumf>, %select_n3A_781, %reduce_max3A_782 [1] : vector<128x512xf32> to vector<128xf32>
    %broadcast_in_dim3A_784 = vector.shape_cast %reduce_max3A_783 : vector<128xf32> to vector<128x1xf32>
    %get3A_785 = arith.constant 0 : index
    %get3A_786 = arith.constant 0 : index
    %get3A_787 = arith.constant 11 : index
    %get3A_788 = vector.load %arg6[%get3A_785, %get3A_786, %get3A_787] : memref<1x128x16xf32, #tpu.memory_space<vmem>>, vector<1x128x1xf32>
    %get3A_789 = vector.shape_cast %get3A_788 : vector<1x128x1xf32> to vector<128x1xf32>
    %max3A_790 = arith.maximumf %get3A_789, %broadcast_in_dim3A_784 : vector<128x1xf32>
    %swap3A_791 = arith.constant 0 : index
    %swap3A_792 = arith.constant 0 : index
    %swap3A_793 = arith.constant 11 : index
    %swap3A_794 = vector.load %arg6[%swap3A_791, %swap3A_792, %swap3A_793] : memref<1x128x16xf32, #tpu.memory_space<vmem>>, vector<1x128x1xf32>
    %swap3A_795 = vector.shape_cast %swap3A_794 : vector<1x128x1xf32> to vector<128x1xf32>
    %swap3A_796 = vector.shape_cast %max3A_790 : vector<128x1xf32> to vector<1x128x1xf32>
    tpu.vector_store %arg6[%swap3A_791, %swap3A_792, %swap3A_793], %swap3A_796 {strides = array<i32>} : memref<1x128x16xf32, #tpu.memory_space<vmem>>, vector<1x128x1xf32>,
    %slice3A_797 = vector.extract_strided_slice %add3A_10 {offsets = [1536, 0], sizes = [128, 512], strides = [1, 1]} : vector<2048x512xf32> to vector<128x512xf32>
    %eq3A_798 = arith.constant 1.200000e+01 : f32
    %eq3A_799 = vector.broadcast %eq3A_798 : f32 to vector<1x512xf32>
    %eq3A_800 = arith.cmpf oeq, %get3A_15, %eq3A_799 : vector<1x512xf32>
    %convert_element_type3A_801 = arith.extui %eq3A_800 : vector<1x512xi1> to vector<1x512xi32>
    %convert_element_type3A_802 = arith.sitofp %convert_element_type3A_801 : vector<1x512xi32> to vector<1x512xf32>
    %mul3A_803 = vector.broadcast %convert_element_type3A_802 : vector<1x512xf32> to vector<128x512xf32>
    %mul3A_804 = arith.mulf %slice3A_797, %mul3A_803 : vector<128x512xf32>
    %get3A_805 = arith.constant 0 : index
    %get3A_806 = arith.constant 12 : index
    %get3A_807 = vector.load %arg7[%get3A_805, %get3A_806] : memref<128x16xf32, #tpu.memory_space<vmem>>, vector<128x1xf32>
    %reduce_sum3A_808 = arith.constant dense<0.000000e+00> : vector<128xf32>
    %reduce_sum3A_809 = vector.multi_reduction <add>, %mul3A_804, %reduce_sum3A_808 [1] : vector<128x512xf32> to vector<128xf32>
    %broadcast_in_dim3A_810 = vector.shape_cast %reduce_sum3A_809 : vector<128xf32> to vector<128x1xf32>
    %add3A_811 = arith.addf %get3A_807, %broadcast_in_dim3A_810 : vector<128x1xf32>
    %swap3A_812 = arith.constant 0 : index
    %swap3A_813 = arith.constant 12 : index
    %swap3A_814 = vector.load %arg7[%swap3A_812, %swap3A_813] : memref<128x16xf32, #tpu.memory_space<vmem>>, vector<128x1xf32>
    tpu.vector_store %arg7[%swap3A_812, %swap3A_813], %add3A_811 {strides = array<i32>} : memref<128x16xf32, #tpu.memory_space<vmem>>, vector<128x1xf32>,
    %get3A_815 = arith.constant 0 : index
    %get3A_816 = arith.constant 12 : index
    %get3A_817 = vector.load %arg8[%get3A_815, %get3A_816] : memref<128x16xf32, #tpu.memory_space<vmem>>, vector<128x1xf32>
    %mul3A_818 = arith.mulf %mul3A_804, %slice3A_797 : vector<128x512xf32>
    %reduce_sum3A_819 = arith.constant dense<0.000000e+00> : vector<128xf32>
    %reduce_sum3A_820 = vector.multi_reduction <add>, %mul3A_818, %reduce_sum3A_819 [1] : vector<128x512xf32> to vector<128xf32>
    %broadcast_in_dim3A_821 = vector.shape_cast %reduce_sum3A_820 : vector<128xf32> to vector<128x1xf32>
    %add3A_822 = arith.addf %get3A_817, %broadcast_in_dim3A_821 : vector<128x1xf32>
    %swap3A_823 = arith.constant 0 : index
    %swap3A_824 = arith.constant 12 : index
    %swap3A_825 = vector.load %arg8[%swap3A_823, %swap3A_824] : memref<128x16xf32, #tpu.memory_space<vmem>>, vector<128x1xf32>
    tpu.vector_store %arg8[%swap3A_823, %swap3A_824], %add3A_822 {strides = array<i32>} : memref<128x16xf32, #tpu.memory_space<vmem>>, vector<128x1xf32>,
    %get3A_826 = arith.constant 0 : index
    %get3A_827 = arith.constant 12 : index
    %get3A_828 = vector.load %arg9[%get3A_826, %get3A_827] : memref<8x16xf32, #tpu.memory_space<vmem>>, vector<8x1xf32>
    %reduce_sum3A_829 = vector.shape_cast %convert_element_type3A_802 : vector<1x512xf32> to vector<1x1x512xf32>
    %reduce_sum3A_830 = arith.constant dense<0.000000e+00> : vector<1xf32>
    %reduce_sum3A_831 = vector.multi_reduction <add>, %reduce_sum3A_829, %reduce_sum3A_830 [1, 2] : vector<1x1x512xf32> to vector<1xf32>
    %reduce_sum3A_832 = vector.shape_cast %reduce_sum3A_831 : vector<1xf32> to vector<1x1x1xf32>
    %reduce_sum3A_833 = vector.extract %reduce_sum3A_832[0, 0, 0] : f32 from vector<1x1x1xf32>
    %broadcast_in_dim3A_834 = arith.constant 1.000000e+00 : f32
    %broadcast_in_dim3A_835 = vector.broadcast %broadcast_in_dim3A_834 : f32 to vector<8x1xf32>
    %mul3A_836 = vector.broadcast %reduce_sum3A_833 : f32 to vector<8x1xf32>
    %mul3A_837 = arith.mulf %mul3A_836, %broadcast_in_dim3A_835 : vector<8x1xf32>
    %add3A_838 = arith.addf %get3A_828, %mul3A_837 : vector<8x1xf32>
    %swap3A_839 = arith.constant 0 : index
    %swap3A_840 = arith.constant 12 : index
    %swap3A_841 = vector.load %arg9[%swap3A_839, %swap3A_840] : memref<8x16xf32, #tpu.memory_space<vmem>>, vector<8x1xf32>
    tpu.vector_store %arg9[%swap3A_839, %swap3A_840], %add3A_838 {strides = array<i32>} : memref<8x16xf32, #tpu.memory_space<vmem>>, vector<8x1xf32>,
    %jit3A_842 = arith.constant -1.000000e+30 : f32
    %broadcast_in_dim3A_843 = vector.shape_cast %eq3A_800 : vector<1x512xi1> to vector<1x512xi1>
    %broadcast_in_dim3A_844 = vector.broadcast %broadcast_in_dim3A_843 : vector<1x512xi1> to vector<128x512xi1>
    %broadcast_in_dim3A_845 = vector.broadcast %jit3A_842 : f32 to vector<128x512xf32>
    %select_n3A_846 = arith.select %broadcast_in_dim3A_844, %slice3A_797, %broadcast_in_dim3A_845 : vector<128x512xi1>, vector<128x512xf32>
    %reduce_max3A_847 = arith.constant dense<0xFF800000> : vector<128xf32>
    %reduce_max3A_848 = vector.multi_reduction <maximumf>, %select_n3A_846, %reduce_max3A_847 [1] : vector<128x512xf32> to vector<128xf32>
    %broadcast_in_dim3A_849 = vector.shape_cast %reduce_max3A_848 : vector<128xf32> to vector<128x1xf32>
    %get3A_850 = arith.constant 0 : index
    %get3A_851 = arith.constant 0 : index
    %get3A_852 = arith.constant 12 : index
    %get3A_853 = vector.load %arg6[%get3A_850, %get3A_851, %get3A_852] : memref<1x128x16xf32, #tpu.memory_space<vmem>>, vector<1x128x1xf32>
    %get3A_854 = vector.shape_cast %get3A_853 : vector<1x128x1xf32> to vector<128x1xf32>
    %max3A_855 = arith.maximumf %get3A_854, %broadcast_in_dim3A_849 : vector<128x1xf32>
    %swap3A_856 = arith.constant 0 : index
    %swap3A_857 = arith.constant 0 : index
    %swap3A_858 = arith.constant 12 : index
    %swap3A_859 = vector.load %arg6[%swap3A_856, %swap3A_857, %swap3A_858] : memref<1x128x16xf32, #tpu.memory_space<vmem>>, vector<1x128x1xf32>
    %swap3A_860 = vector.shape_cast %swap3A_859 : vector<1x128x1xf32> to vector<128x1xf32>
    %swap3A_861 = vector.shape_cast %max3A_855 : vector<128x1xf32> to vector<1x128x1xf32>
    tpu.vector_store %arg6[%swap3A_856, %swap3A_857, %swap3A_858], %swap3A_861 {strides = array<i32>} : memref<1x128x16xf32, #tpu.memory_space<vmem>>, vector<1x128x1xf32>,
    %slice3A_862 = vector.extract_strided_slice %add3A_10 {offsets = [1664, 0], sizes = [128, 512], strides = [1, 1]} : vector<2048x512xf32> to vector<128x512xf32>
    %eq3A_863 = arith.constant 1.300000e+01 : f32
    %eq3A_864 = vector.broadcast %eq3A_863 : f32 to vector<1x512xf32>
    %eq3A_865 = arith.cmpf oeq, %get3A_15, %eq3A_864 : vector<1x512xf32>
    %convert_element_type3A_866 = arith.extui %eq3A_865 : vector<1x512xi1> to vector<1x512xi32>
    %convert_element_type3A_867 = arith.sitofp %convert_element_type3A_866 : vector<1x512xi32> to vector<1x512xf32>
    %mul3A_868 = vector.broadcast %convert_element_type3A_867 : vector<1x512xf32> to vector<128x512xf32>
    %mul3A_869 = arith.mulf %slice3A_862, %mul3A_868 : vector<128x512xf32>
    %get3A_870 = arith.constant 0 : index
    %get3A_871 = arith.constant 13 : index
    %get3A_872 = vector.load %arg7[%get3A_870, %get3A_871] : memref<128x16xf32, #tpu.memory_space<vmem>>, vector<128x1xf32>
    %reduce_sum3A_873 = arith.constant dense<0.000000e+00> : vector<128xf32>
    %reduce_sum3A_874 = vector.multi_reduction <add>, %mul3A_869, %reduce_sum3A_873 [1] : vector<128x512xf32> to vector<128xf32>
    %broadcast_in_dim3A_875 = vector.shape_cast %reduce_sum3A_874 : vector<128xf32> to vector<128x1xf32>
    %add3A_876 = arith.addf %get3A_872, %broadcast_in_dim3A_875 : vector<128x1xf32>
    %swap3A_877 = arith.constant 0 : index
    %swap3A_878 = arith.constant 13 : index
    %swap3A_879 = vector.load %arg7[%swap3A_877, %swap3A_878] : memref<128x16xf32, #tpu.memory_space<vmem>>, vector<128x1xf32>
    tpu.vector_store %arg7[%swap3A_877, %swap3A_878], %add3A_876 {strides = array<i32>} : memref<128x16xf32, #tpu.memory_space<vmem>>, vector<128x1xf32>,
    %get3A_880 = arith.constant 0 : index
    %get3A_881 = arith.constant 13 : index
    %get3A_882 = vector.load %arg8[%get3A_880, %get3A_881] : memref<128x16xf32, #tpu.memory_space<vmem>>, vector<128x1xf32>
    %mul3A_883 = arith.mulf %mul3A_869, %slice3A_862 : vector<128x512xf32>
    %reduce_sum3A_884 = arith.constant dense<0.000000e+00> : vector<128xf32>
    %reduce_sum3A_885 = vector.multi_reduction <add>, %mul3A_883, %reduce_sum3A_884 [1] : vector<128x512xf32> to vector<128xf32>
    %broadcast_in_dim3A_886 = vector.shape_cast %reduce_sum3A_885 : vector<128xf32> to vector<128x1xf32>
    %add3A_887 = arith.addf %get3A_882, %broadcast_in_dim3A_886 : vector<128x1xf32>
    %swap3A_888 = arith.constant 0 : index
    %swap3A_889 = arith.constant 13 : index
    %swap3A_890 = vector.load %arg8[%swap3A_888, %swap3A_889] : memref<128x16xf32, #tpu.memory_space<vmem>>, vector<128x1xf32>
    tpu.vector_store %arg8[%swap3A_888, %swap3A_889], %add3A_887 {strides = array<i32>} : memref<128x16xf32, #tpu.memory_space<vmem>>, vector<128x1xf32>,
    %get3A_891 = arith.constant 0 : index
    %get3A_892 = arith.constant 13 : index
    %get3A_893 = vector.load %arg9[%get3A_891, %get3A_892] : memref<8x16xf32, #tpu.memory_space<vmem>>, vector<8x1xf32>
    %reduce_sum3A_894 = vector.shape_cast %convert_element_type3A_867 : vector<1x512xf32> to vector<1x1x512xf32>
    %reduce_sum3A_895 = arith.constant dense<0.000000e+00> : vector<1xf32>
    %reduce_sum3A_896 = vector.multi_reduction <add>, %reduce_sum3A_894, %reduce_sum3A_895 [1, 2] : vector<1x1x512xf32> to vector<1xf32>
    %reduce_sum3A_897 = vector.shape_cast %reduce_sum3A_896 : vector<1xf32> to vector<1x1x1xf32>
    %reduce_sum3A_898 = vector.extract %reduce_sum3A_897[0, 0, 0] : f32 from vector<1x1x1xf32>
    %broadcast_in_dim3A_899 = arith.constant 1.000000e+00 : f32
    %broadcast_in_dim3A_900 = vector.broadcast %broadcast_in_dim3A_899 : f32 to vector<8x1xf32>
    %mul3A_901 = vector.broadcast %reduce_sum3A_898 : f32 to vector<8x1xf32>
    %mul3A_902 = arith.mulf %mul3A_901, %broadcast_in_dim3A_900 : vector<8x1xf32>
    %add3A_903 = arith.addf %get3A_893, %mul3A_902 : vector<8x1xf32>
    %swap3A_904 = arith.constant 0 : index
    %swap3A_905 = arith.constant 13 : index
    %swap3A_906 = vector.load %arg9[%swap3A_904, %swap3A_905] : memref<8x16xf32, #tpu.memory_space<vmem>>, vector<8x1xf32>
    tpu.vector_store %arg9[%swap3A_904, %swap3A_905], %add3A_903 {strides = array<i32>} : memref<8x16xf32, #tpu.memory_space<vmem>>, vector<8x1xf32>,
    %jit3A_907 = arith.constant -1.000000e+30 : f32
    %broadcast_in_dim3A_908 = vector.shape_cast %eq3A_865 : vector<1x512xi1> to vector<1x512xi1>
    %broadcast_in_dim3A_909 = vector.broadcast %broadcast_in_dim3A_908 : vector<1x512xi1> to vector<128x512xi1>
    %broadcast_in_dim3A_910 = vector.broadcast %jit3A_907 : f32 to vector<128x512xf32>
    %select_n3A_911 = arith.select %broadcast_in_dim3A_909, %slice3A_862, %broadcast_in_dim3A_910 : vector<128x512xi1>, vector<128x512xf32>
    %reduce_max3A_912 = arith.constant dense<0xFF800000> : vector<128xf32>
    %reduce_max3A_913 = vector.multi_reduction <maximumf>, %select_n3A_911, %reduce_max3A_912 [1] : vector<128x512xf32> to vector<128xf32>
    %broadcast_in_dim3A_914 = vector.shape_cast %reduce_max3A_913 : vector<128xf32> to vector<128x1xf32>
    %get3A_915 = arith.constant 0 : index
    %get3A_916 = arith.constant 0 : index
    %get3A_917 = arith.constant 13 : index
    %get3A_918 = vector.load %arg6[%get3A_915, %get3A_916, %get3A_917] : memref<1x128x16xf32, #tpu.memory_space<vmem>>, vector<1x128x1xf32>
    %get3A_919 = vector.shape_cast %get3A_918 : vector<1x128x1xf32> to vector<128x1xf32>
    %max3A_920 = arith.maximumf %get3A_919, %broadcast_in_dim3A_914 : vector<128x1xf32>
    %swap3A_921 = arith.constant 0 : index
    %swap3A_922 = arith.constant 0 : index
    %swap3A_923 = arith.constant 13 : index
    %swap3A_924 = vector.load %arg6[%swap3A_921, %swap3A_922, %swap3A_923] : memref<1x128x16xf32, #tpu.memory_space<vmem>>, vector<1x128x1xf32>
    %swap3A_925 = vector.shape_cast %swap3A_924 : vector<1x128x1xf32> to vector<128x1xf32>
    %swap3A_926 = vector.shape_cast %max3A_920 : vector<128x1xf32> to vector<1x128x1xf32>
    tpu.vector_store %arg6[%swap3A_921, %swap3A_922, %swap3A_923], %swap3A_926 {strides = array<i32>} : memref<1x128x16xf32, #tpu.memory_space<vmem>>, vector<1x128x1xf32>,
    %slice3A_927 = vector.extract_strided_slice %add3A_10 {offsets = [1792, 0], sizes = [128, 512], strides = [1, 1]} : vector<2048x512xf32> to vector<128x512xf32>
    %eq3A_928 = arith.constant 1.400000e+01 : f32
    %eq3A_929 = vector.broadcast %eq3A_928 : f32 to vector<1x512xf32>
    %eq3A_930 = arith.cmpf oeq, %get3A_15, %eq3A_929 : vector<1x512xf32>
    %convert_element_type3A_931 = arith.extui %eq3A_930 : vector<1x512xi1> to vector<1x512xi32>
    %convert_element_type3A_932 = arith.sitofp %convert_element_type3A_931 : vector<1x512xi32> to vector<1x512xf32>
    %mul3A_933 = vector.broadcast %convert_element_type3A_932 : vector<1x512xf32> to vector<128x512xf32>
    %mul3A_934 = arith.mulf %slice3A_927, %mul3A_933 : vector<128x512xf32>
    %get3A_935 = arith.constant 0 : index
    %get3A_936 = arith.constant 14 : index
    %get3A_937 = vector.load %arg7[%get3A_935, %get3A_936] : memref<128x16xf32, #tpu.memory_space<vmem>>, vector<128x1xf32>
    %reduce_sum3A_938 = arith.constant dense<0.000000e+00> : vector<128xf32>
    %reduce_sum3A_939 = vector.multi_reduction <add>, %mul3A_934, %reduce_sum3A_938 [1] : vector<128x512xf32> to vector<128xf32>
    %broadcast_in_dim3A_940 = vector.shape_cast %reduce_sum3A_939 : vector<128xf32> to vector<128x1xf32>
    %add3A_941 = arith.addf %get3A_937, %broadcast_in_dim3A_940 : vector<128x1xf32>
    %swap3A_942 = arith.constant 0 : index
    %swap3A_943 = arith.constant 14 : index
    %swap3A_944 = vector.load %arg7[%swap3A_942, %swap3A_943] : memref<128x16xf32, #tpu.memory_space<vmem>>, vector<128x1xf32>
    tpu.vector_store %arg7[%swap3A_942, %swap3A_943], %add3A_941 {strides = array<i32>} : memref<128x16xf32, #tpu.memory_space<vmem>>, vector<128x1xf32>,
    %get3A_945 = arith.constant 0 : index
    %get3A_946 = arith.constant 14 : index
    %get3A_947 = vector.load %arg8[%get3A_945, %get3A_946] : memref<128x16xf32, #tpu.memory_space<vmem>>, vector<128x1xf32>
    %mul3A_948 = arith.mulf %mul3A_934, %slice3A_927 : vector<128x512xf32>
    %reduce_sum3A_949 = arith.constant dense<0.000000e+00> : vector<128xf32>
    %reduce_sum3A_950 = vector.multi_reduction <add>, %mul3A_948, %reduce_sum3A_949 [1] : vector<128x512xf32> to vector<128xf32>
    %broadcast_in_dim3A_951 = vector.shape_cast %reduce_sum3A_950 : vector<128xf32> to vector<128x1xf32>
    %add3A_952 = arith.addf %get3A_947, %broadcast_in_dim3A_951 : vector<128x1xf32>
    %swap3A_953 = arith.constant 0 : index
    %swap3A_954 = arith.constant 14 : index
    %swap3A_955 = vector.load %arg8[%swap3A_953, %swap3A_954] : memref<128x16xf32, #tpu.memory_space<vmem>>, vector<128x1xf32>
    tpu.vector_store %arg8[%swap3A_953, %swap3A_954], %add3A_952 {strides = array<i32>} : memref<128x16xf32, #tpu.memory_space<vmem>>, vector<128x1xf32>,
    %get3A_956 = arith.constant 0 : index
    %get3A_957 = arith.constant 14 : index
    %get3A_958 = vector.load %arg9[%get3A_956, %get3A_957] : memref<8x16xf32, #tpu.memory_space<vmem>>, vector<8x1xf32>
    %reduce_sum3A_959 = vector.shape_cast %convert_element_type3A_932 : vector<1x512xf32> to vector<1x1x512xf32>
    %reduce_sum3A_960 = arith.constant dense<0.000000e+00> : vector<1xf32>
    %reduce_sum3A_961 = vector.multi_reduction <add>, %reduce_sum3A_959, %reduce_sum3A_960 [1, 2] : vector<1x1x512xf32> to vector<1xf32>
    %reduce_sum3A_962 = vector.shape_cast %reduce_sum3A_961 : vector<1xf32> to vector<1x1x1xf32>
    %reduce_sum3A_963 = vector.extract %reduce_sum3A_962[0, 0, 0] : f32 from vector<1x1x1xf32>
    %broadcast_in_dim3A_964 = arith.constant 1.000000e+00 : f32
    %broadcast_in_dim3A_965 = vector.broadcast %broadcast_in_dim3A_964 : f32 to vector<8x1xf32>
    %mul3A_966 = vector.broadcast %reduce_sum3A_963 : f32 to vector<8x1xf32>
    %mul3A_967 = arith.mulf %mul3A_966, %broadcast_in_dim3A_965 : vector<8x1xf32>
    %add3A_968 = arith.addf %get3A_958, %mul3A_967 : vector<8x1xf32>
    %swap3A_969 = arith.constant 0 : index
    %swap3A_970 = arith.constant 14 : index
    %swap3A_971 = vector.load %arg9[%swap3A_969, %swap3A_970] : memref<8x16xf32, #tpu.memory_space<vmem>>, vector<8x1xf32>
    tpu.vector_store %arg9[%swap3A_969, %swap3A_970], %add3A_968 {strides = array<i32>} : memref<8x16xf32, #tpu.memory_space<vmem>>, vector<8x1xf32>,
    %jit3A_972 = arith.constant -1.000000e+30 : f32
    %broadcast_in_dim3A_973 = vector.shape_cast %eq3A_930 : vector<1x512xi1> to vector<1x512xi1>
    %broadcast_in_dim3A_974 = vector.broadcast %broadcast_in_dim3A_973 : vector<1x512xi1> to vector<128x512xi1>
    %broadcast_in_dim3A_975 = vector.broadcast %jit3A_972 : f32 to vector<128x512xf32>
    %select_n3A_976 = arith.select %broadcast_in_dim3A_974, %slice3A_927, %broadcast_in_dim3A_975 : vector<128x512xi1>, vector<128x512xf32>
    %reduce_max3A_977 = arith.constant dense<0xFF800000> : vector<128xf32>
    %reduce_max3A_978 = vector.multi_reduction <maximumf>, %select_n3A_976, %reduce_max3A_977 [1] : vector<128x512xf32> to vector<128xf32>
    %broadcast_in_dim3A_979 = vector.shape_cast %reduce_max3A_978 : vector<128xf32> to vector<128x1xf32>
    %get3A_980 = arith.constant 0 : index
    %get3A_981 = arith.constant 0 : index
    %get3A_982 = arith.constant 14 : index
    %get3A_983 = vector.load %arg6[%get3A_980, %get3A_981, %get3A_982] : memref<1x128x16xf32, #tpu.memory_space<vmem>>, vector<1x128x1xf32>
    %get3A_984 = vector.shape_cast %get3A_983 : vector<1x128x1xf32> to vector<128x1xf32>
    %max3A_985 = arith.maximumf %get3A_984, %broadcast_in_dim3A_979 : vector<128x1xf32>
    %swap3A_986 = arith.constant 0 : index
    %swap3A_987 = arith.constant 0 : index
    %swap3A_988 = arith.constant 14 : index
    %swap3A_989 = vector.load %arg6[%swap3A_986, %swap3A_987, %swap3A_988] : memref<1x128x16xf32, #tpu.memory_space<vmem>>, vector<1x128x1xf32>
    %swap3A_990 = vector.shape_cast %swap3A_989 : vector<1x128x1xf32> to vector<128x1xf32>
    %swap3A_991 = vector.shape_cast %max3A_985 : vector<128x1xf32> to vector<1x128x1xf32>
    tpu.vector_store %arg6[%swap3A_986, %swap3A_987, %swap3A_988], %swap3A_991 {strides = array<i32>} : memref<1x128x16xf32, #tpu.memory_space<vmem>>, vector<1x128x1xf32>,
    %slice3A_992 = vector.extract_strided_slice %add3A_10 {offsets = [1920, 0], sizes = [128, 512], strides = [1, 1]} : vector<2048x512xf32> to vector<128x512xf32>
    %eq3A_993 = arith.constant 1.500000e+01 : f32
    %eq3A_994 = vector.broadcast %eq3A_993 : f32 to vector<1x512xf32>
    %eq3A_995 = arith.cmpf oeq, %get3A_15, %eq3A_994 : vector<1x512xf32>
    %convert_element_type3A_996 = arith.extui %eq3A_995 : vector<1x512xi1> to vector<1x512xi32>
    %convert_element_type3A_997 = arith.sitofp %convert_element_type3A_996 : vector<1x512xi32> to vector<1x512xf32>
    %mul3A_998 = vector.broadcast %convert_element_type3A_997 : vector<1x512xf32> to vector<128x512xf32>
    %mul3A_999 = arith.mulf %slice3A_992, %mul3A_998 : vector<128x512xf32>
    %get3A_1000 = arith.constant 0 : index
    %get3A_1001 = arith.constant 15 : index
    %get3A_1002 = vector.load %arg7[%get3A_1000, %get3A_1001] : memref<128x16xf32, #tpu.memory_space<vmem>>, vector<128x1xf32>
    %reduce_sum3A_1003 = arith.constant dense<0.000000e+00> : vector<128xf32>
    %reduce_sum3A_1004 = vector.multi_reduction <add>, %mul3A_999, %reduce_sum3A_1003 [1] : vector<128x512xf32> to vector<128xf32>
    %broadcast_in_dim3A_1005 = vector.shape_cast %reduce_sum3A_1004 : vector<128xf32> to vector<128x1xf32>
    %add3A_1006 = arith.addf %get3A_1002, %broadcast_in_dim3A_1005 : vector<128x1xf32>
    %swap3A_1007 = arith.constant 0 : index
    %swap3A_1008 = arith.constant 15 : index
    %swap3A_1009 = vector.load %arg7[%swap3A_1007, %swap3A_1008] : memref<128x16xf32, #tpu.memory_space<vmem>>, vector<128x1xf32>
    tpu.vector_store %arg7[%swap3A_1007, %swap3A_1008], %add3A_1006 {strides = array<i32>} : memref<128x16xf32, #tpu.memory_space<vmem>>, vector<128x1xf32>,
    %get3A_1010 = arith.constant 0 : index
    %get3A_1011 = arith.constant 15 : index
    %get3A_1012 = vector.load %arg8[%get3A_1010, %get3A_1011] : memref<128x16xf32, #tpu.memory_space<vmem>>, vector<128x1xf32>
    %mul3A_1013 = arith.mulf %mul3A_999, %slice3A_992 : vector<128x512xf32>
    %reduce_sum3A_1014 = arith.constant dense<0.000000e+00> : vector<128xf32>
    %reduce_sum3A_1015 = vector.multi_reduction <add>, %mul3A_1013, %reduce_sum3A_1014 [1] : vector<128x512xf32> to vector<128xf32>
    %broadcast_in_dim3A_1016 = vector.shape_cast %reduce_sum3A_1015 : vector<128xf32> to vector<128x1xf32>
    %add3A_1017 = arith.addf %get3A_1012, %broadcast_in_dim3A_1016 : vector<128x1xf32>
    %swap3A_1018 = arith.constant 0 : index
    %swap3A_1019 = arith.constant 15 : index
    %swap3A_1020 = vector.load %arg8[%swap3A_1018, %swap3A_1019] : memref<128x16xf32, #tpu.memory_space<vmem>>, vector<128x1xf32>
    tpu.vector_store %arg8[%swap3A_1018, %swap3A_1019], %add3A_1017 {strides = array<i32>} : memref<128x16xf32, #tpu.memory_space<vmem>>, vector<128x1xf32>,
    %get3A_1021 = arith.constant 0 : index
    %get3A_1022 = arith.constant 15 : index
    %get3A_1023 = vector.load %arg9[%get3A_1021, %get3A_1022] : memref<8x16xf32, #tpu.memory_space<vmem>>, vector<8x1xf32>
    %reduce_sum3A_1024 = vector.shape_cast %convert_element_type3A_997 : vector<1x512xf32> to vector<1x1x512xf32>
    %reduce_sum3A_1025 = arith.constant dense<0.000000e+00> : vector<1xf32>
    %reduce_sum3A_1026 = vector.multi_reduction <add>, %reduce_sum3A_1024, %reduce_sum3A_1025 [1, 2] : vector<1x1x512xf32> to vector<1xf32>
    %reduce_sum3A_1027 = vector.shape_cast %reduce_sum3A_1026 : vector<1xf32> to vector<1x1x1xf32>
    %reduce_sum3A_1028 = vector.extract %reduce_sum3A_1027[0, 0, 0] : f32 from vector<1x1x1xf32>
    %broadcast_in_dim3A_1029 = arith.constant 1.000000e+00 : f32
    %broadcast_in_dim3A_1030 = vector.broadcast %broadcast_in_dim3A_1029 : f32 to vector<8x1xf32>
    %mul3A_1031 = vector.broadcast %reduce_sum3A_1028 : f32 to vector<8x1xf32>
    %mul3A_1032 = arith.mulf %mul3A_1031, %broadcast_in_dim3A_1030 : vector<8x1xf32>
    %add3A_1033 = arith.addf %get3A_1023, %mul3A_1032 : vector<8x1xf32>
    %swap3A_1034 = arith.constant 0 : index
    %swap3A_1035 = arith.constant 15 : index
    %swap3A_1036 = vector.load %arg9[%swap3A_1034, %swap3A_1035] : memref<8x16xf32, #tpu.memory_space<vmem>>, vector<8x1xf32>
    tpu.vector_store %arg9[%swap3A_1034, %swap3A_1035], %add3A_1033 {strides = array<i32>} : memref<8x16xf32, #tpu.memory_space<vmem>>, vector<8x1xf32>,
    %jit3A_1037 = arith.constant -1.000000e+30 : f32
    %broadcast_in_dim3A_1038 = vector.shape_cast %eq3A_995 : vector<1x512xi1> to vector<1x512xi1>
    %broadcast_in_dim3A_1039 = vector.broadcast %broadcast_in_dim3A_1038 : vector<1x512xi1> to vector<128x512xi1>
    %broadcast_in_dim3A_1040 = vector.broadcast %jit3A_1037 : f32 to vector<128x512xf32>
    %select_n3A_1041 = arith.select %broadcast_in_dim3A_1039, %slice3A_992, %broadcast_in_dim3A_1040 : vector<128x512xi1>, vector<128x512xf32>
    %reduce_max3A_1042 = arith.constant dense<0xFF800000> : vector<128xf32>
    %reduce_max3A_1043 = vector.multi_reduction <maximumf>, %select_n3A_1041, %reduce_max3A_1042 [1] : vector<128x512xf32> to vector<128xf32>
    %broadcast_in_dim3A_1044 = vector.shape_cast %reduce_max3A_1043 : vector<128xf32> to vector<128x1xf32>
    %get3A_1045 = arith.constant 0 : index
    %get3A_1046 = arith.constant 0 : index
    %get3A_1047 = arith.constant 15 : index
    %get3A_1048 = vector.load %arg6[%get3A_1045, %get3A_1046, %get3A_1047] : memref<1x128x16xf32, #tpu.memory_space<vmem>>, vector<1x128x1xf32>
    %get3A_1049 = vector.shape_cast %get3A_1048 : vector<1x128x1xf32> to vector<128x1xf32>
    %max3A_1050 = arith.maximumf %get3A_1049, %broadcast_in_dim3A_1044 : vector<128x1xf32>
    %swap3A_1051 = arith.constant 0 : index
    %swap3A_1052 = arith.constant 0 : index
    %swap3A_1053 = arith.constant 15 : index
    %swap3A_1054 = vector.load %arg6[%swap3A_1051, %swap3A_1052, %swap3A_1053] : memref<1x128x16xf32, #tpu.memory_space<vmem>>, vector<1x128x1xf32>
    %swap3A_1055 = vector.shape_cast %swap3A_1054 : vector<1x128x1xf32> to vector<128x1xf32>
    %swap3A_1056 = vector.shape_cast %max3A_1050 : vector<128x1xf32> to vector<1x128x1xf32>
    tpu.vector_store %arg6[%swap3A_1051, %swap3A_1052, %swap3A_1053], %swap3A_1056 {strides = array<i32>} : memref<1x128x16xf32, #tpu.memory_space<vmem>>, vector<1x128x1xf32>,
    return
  }
  func.func @transform_0(%arg0: i32, %arg1: i32) -> (i32, i32) {
    %mul3A = arith.constant 16 : i32
    %mul3A_0 = arith.muli %arg0, %mul3A : i32
    %add3A = arith.addi %mul3A_0, %arg1 : i32
    %c0_i32 = arith.constant 0 : i32
    %c0_i32_1 = arith.constant 0 : i32
    return %c0_i32, %add3A : i32, i32
  }
  func.func @transform_1(%arg0: i32, %arg1: i32) -> (i32, i32, i32) {
    %c0_i32 = arith.constant 0 : i32
    %c0_i32_0 = arith.constant 0 : i32
    return %arg0, %c0_i32, %arg1 : i32, i32, i32
  }
  func.func @transform_2(%arg0: i32, %arg1: i32) -> (i32, i32) {
    %c0_i32 = arith.constant 0 : i32
    %c0_i32_0 = arith.constant 0 : i32
    %c0_i32_1 = arith.constant 0 : i32
    return %c0_i32, %c0_i32_0 : i32, i32
  }
  func.func @transform_3(%arg0: i32, %arg1: i32) -> (i32, i32) {
    %c0_i32 = arith.constant 0 : i32
    %c0_i32_0 = arith.constant 0 : i32
    %c0_i32_1 = arith.constant 0 : i32
    return %c0_i32, %c0_i32_0 : i32, i32
  }
  func.func @transform_4(%arg0: i32, %arg1: i32) -> (i32, i32, i32) {
    %c0_i32 = arith.constant 0 : i32
    %c0_i32_0 = arith.constant 0 : i32
    %c0_i32_1 = arith.constant 0 : i32
    return %arg0, %c0_i32, %c0_i32_0 : i32, i32, i32
  }
  func.func @transform_5(%arg0: i32, %arg1: i32) -> (i32, i32) {
    %c0_i32 = arith.constant 0 : i32
    %c0_i32_0 = arith.constant 0 : i32
    %c0_i32_1 = arith.constant 0 : i32
    return %c0_i32, %c0_i32_0 : i32, i32
  }
  func.func @transform_6(%arg0: i32, %arg1: i32) -> (i32, i32) {
    %c0_i32 = arith.constant 0 : i32
    %c0_i32_0 = arith.constant 0 : i32
    %c0_i32_1 = arith.constant 0 : i32
    return %c0_i32, %c0_i32_0 : i32, i32
  }
  func.func @transform_7(%arg0: i32, %arg1: i32) -> (i32, i32) {
    %c0_i32 = arith.constant 0 : i32
    %c0_i32_0 = arith.constant 0 : i32
    %c0_i32_1 = arith.constant 0 : i32
    return %c0_i32, %c0_i32_0 : i32, i32
  }
}

module attributes {stable_mosaic.version = 14 : i64} {
  func.func @body(%arg0: i32, %arg1: i32, %arg2: memref<128x512xf32, #tpu.memory_space<vmem>>, %arg3: memref<128x1xf32, #tpu.memory_space<vmem>>, %arg4: memref<128x1xf32, #tpu.memory_space<vmem>>, %arg5: memref<1024x128xf32, #tpu.memory_space<vmem>>, %arg6: memref<1024x1xf32, #tpu.memory_space<vmem>>, %arg7: memref<1024x1xf32, #tpu.memory_space<vmem>>, %arg8: memref<1024x1xf32, #tpu.memory_space<vmem>>, %arg9: memref<1x1024x1xf32, #tpu.memory_space<vmem>>) attributes {dimension_semantics = [#tpu.dimension_semantics<arbitrary>, #tpu.dimension_semantics<arbitrary>], iteration_bounds = array<i64: 8, 16>, scalar_prefetch = 0 : i64, scratch_operands = 0 : i64, tpu.core_type = #tpu.core_type<tc>, window_params = [{transform_indices = @transform_0, window_bounds = array<i64: 128, 512>}, {pipeline_mode = #tpu.pipeline_mode<synchronous>, transform_indices = @transform_1, window_bounds = array<i64: 128, 1>}, {pipeline_mode = #tpu.pipeline_mode<synchronous>, transform_indices = @transform_2, window_bounds = array<i64: 128, 1>}, {pipeline_mode = #tpu.pipeline_mode<synchronous>, transform_indices = @transform_3, window_bounds = array<i64: 1024, 128>}, {pipeline_mode = #tpu.pipeline_mode<synchronous>, transform_indices = @transform_4, window_bounds = array<i64: 1024, 1>}, {pipeline_mode = #tpu.pipeline_mode<synchronous>, transform_indices = @transform_5, window_bounds = array<i64: 1024, 1>}, {pipeline_mode = #tpu.pipeline_mode<synchronous>, transform_indices = @transform_6, window_bounds = array<i64: 1024, 1>}, {transform_indices = @transform_7, window_bounds = array<i64: 1, 1024, 1>}]} {
    %get3A = arith.constant 0 : index
    %get3A_0 = arith.constant 0 : index
    %get3A_1 = vector.load %arg3[%get3A, %get3A_0] : memref<128x1xf32, #tpu.memory_space<vmem>>, vector<128x1xf32>
    %div3A = arith.constant 6.553600e+04 : f32
    %div3A_2 = vector.broadcast %div3A : f32 to vector<128x1xf32>
    %div3A_3 = arith.divf %get3A_1, %div3A_2 : vector<128x1xf32>
    %get3A_4 = arith.constant 0 : index
    %get3A_5 = arith.constant 0 : index
    %get3A_6 = vector.load %arg4[%get3A_4, %get3A_5] : memref<128x1xf32, #tpu.memory_space<vmem>>, vector<128x1xf32>
    %div3A_7 = arith.constant 6.553600e+04 : f32
    %div3A_8 = vector.broadcast %div3A_7 : f32 to vector<128x1xf32>
    %div3A_9 = arith.divf %get3A_6, %div3A_8 : vector<128x1xf32>
    %mul3A = arith.mulf %div3A_3, %div3A_3 : vector<128x1xf32>
    %sub3A = arith.subf %div3A_9, %mul3A : vector<128x1xf32>
    %add3A = arith.constant 9.99999974E-6 : f32
    %add3A_10 = vector.broadcast %add3A : f32 to vector<128x1xf32>
    %add3A_11 = arith.addf %sub3A, %add3A_10 : vector<128x1xf32>
    %rsqrt3A = math.rsqrt %add3A_11 : vector<128x1xf32>
    %get3A_12 = arith.constant 0 : index
    %get3A_13 = arith.constant 0 : index
    %get3A_14 = vector.load %arg2[%get3A_12, %get3A_13] : memref<128x512xf32, #tpu.memory_space<vmem>>, vector<128x512xf32>
    %sub3A_15 = vector.broadcast %div3A_3 : vector<128x1xf32> to vector<128x512xf32>
    %sub3A_16 = arith.subf %get3A_14, %sub3A_15 : vector<128x512xf32>
    %mul3A_17 = vector.broadcast %rsqrt3A : vector<128x1xf32> to vector<128x512xf32>
    %mul3A_18 = arith.mulf %sub3A_16, %mul3A_17 : vector<128x512xf32>
    %max3A = arith.constant 0.000000e+00 : f32
    %max3A_19 = vector.broadcast %max3A : f32 to vector<128x512xf32>
    %max3A_20 = arith.maximumf %mul3A_18, %max3A_19 : vector<128x512xf32>
    %get3A_21 = arith.constant 0 : index
    %get3A_22 = arith.constant 0 : index
    %get3A_23 = vector.load %arg5[%get3A_21, %get3A_22] : memref<1024x128xf32, #tpu.memory_space<vmem>>, vector<1024x128xf32>
    %convert_element_type3A = arith.truncf %get3A_23 : vector<1024x128xf32> to vector<1024x128xbf16>
    %convert_element_type3A_24 = arith.truncf %max3A_20 : vector<128x512xf32> to vector<128x512xbf16>
    %dot_general3A = arith.constant dense<0.000000e+00> : vector<1024x512xf32>
    %dot_general3A_25 = tpu.matmul %convert_element_type3A, %convert_element_type3A_24, %dot_general3A {dimension_numbers = #tpu.dot_dimension_numbers<[1], [0], [0], [1], [0, 0, 1, 1], [], []>, transpose_lhs_hint = false} : vector<1024x128xbf16>, vector<128x512xbf16>, vector<1024x512xf32> -> vector<1024x512xf32>
    %get3A_26 = arith.constant 0 : index
    %get3A_27 = arith.constant 0 : index
    %get3A_28 = vector.load %arg6[%get3A_26, %get3A_27] : memref<1024x1xf32, #tpu.memory_space<vmem>>, vector<1024x1xf32>
    %add3A_29 = vector.broadcast %get3A_28 : vector<1024x1xf32> to vector<1024x512xf32>
    %add3A_30 = arith.addf %dot_general3A_25, %add3A_29 : vector<1024x512xf32>
    %eq3A = arith.constant 0 : i32
    %eq3A_31 = arith.cmpi eq, %arg0, %eq3A : i32
    %eq3A_32 = arith.constant 0 : i32
    %eq3A_33 = arith.cmpi eq, %arg1, %eq3A_32 : i32
    %and3A = arith.andi %eq3A_31, %eq3A_33 : i1
    %convert_element_type3A_34 = arith.extui %and3A : i1 to i32
    %cond3A = arith.constant 0 : i32
    %cond3A_35 = arith.cmpi ne, %convert_element_type3A_34, %cond3A : i32
    scf.if %cond3A_35 {
      %broadcast_in_dim3A_73 = arith.constant 0.000000e+00 : f32
      %broadcast_in_dim3A_74 = vector.broadcast %broadcast_in_dim3A_73 : f32 to vector<1024x1xf32>
      %swap3A_75 = arith.constant 0 : index
      %swap3A_76 = arith.constant 0 : index
      %swap3A_77 = vector.load %arg7[%swap3A_75, %swap3A_76] : memref<1024x1xf32, #tpu.memory_space<vmem>>, vector<1024x1xf32>
      tpu.vector_store %arg7[%swap3A_75, %swap3A_76], %broadcast_in_dim3A_74 {strides = array<i32>} : memref<1024x1xf32, #tpu.memory_space<vmem>>, vector<1024x1xf32>,
      %broadcast_in_dim3A_78 = arith.constant 0.000000e+00 : f32
      %broadcast_in_dim3A_79 = vector.broadcast %broadcast_in_dim3A_78 : f32 to vector<1024x1xf32>
      %swap3A_80 = arith.constant 0 : index
      %swap3A_81 = arith.constant 0 : index
      %swap3A_82 = vector.load %arg8[%swap3A_80, %swap3A_81] : memref<1024x1xf32, #tpu.memory_space<vmem>>, vector<1024x1xf32>
      tpu.vector_store %arg8[%swap3A_80, %swap3A_81], %broadcast_in_dim3A_79 {strides = array<i32>} : memref<1024x1xf32, #tpu.memory_space<vmem>>, vector<1024x1xf32>,
    } else {
    }
    %get3A_36 = arith.constant 0 : index
    %get3A_37 = arith.constant 0 : index
    %get3A_38 = vector.load %arg7[%get3A_36, %get3A_37] : memref<1024x1xf32, #tpu.memory_space<vmem>>, vector<1024x1xf32>
    %reduce_sum3A = arith.constant dense<0.000000e+00> : vector<1024xf32>
    %reduce_sum3A_39 = vector.multi_reduction <add>, %add3A_30, %reduce_sum3A [1] : vector<1024x512xf32> to vector<1024xf32>
    %broadcast_in_dim3A = vector.shape_cast %reduce_sum3A_39 : vector<1024xf32> to vector<1024x1xf32>
    %add3A_40 = arith.addf %get3A_38, %broadcast_in_dim3A : vector<1024x1xf32>
    %swap3A = arith.constant 0 : index
    %swap3A_41 = arith.constant 0 : index
    %swap3A_42 = vector.load %arg7[%swap3A, %swap3A_41] : memref<1024x1xf32, #tpu.memory_space<vmem>>, vector<1024x1xf32>
    tpu.vector_store %arg7[%swap3A, %swap3A_41], %add3A_40 {strides = array<i32>} : memref<1024x1xf32, #tpu.memory_space<vmem>>, vector<1024x1xf32>,
    %get3A_43 = arith.constant 0 : index
    %get3A_44 = arith.constant 0 : index
    %get3A_45 = vector.load %arg8[%get3A_43, %get3A_44] : memref<1024x1xf32, #tpu.memory_space<vmem>>, vector<1024x1xf32>
    %mul3A_46 = arith.mulf %add3A_30, %add3A_30 : vector<1024x512xf32>
    %reduce_sum3A_47 = arith.constant dense<0.000000e+00> : vector<1024xf32>
    %reduce_sum3A_48 = vector.multi_reduction <add>, %mul3A_46, %reduce_sum3A_47 [1] : vector<1024x512xf32> to vector<1024xf32>
    %broadcast_in_dim3A_49 = vector.shape_cast %reduce_sum3A_48 : vector<1024xf32> to vector<1024x1xf32>
    %add3A_50 = arith.addf %get3A_45, %broadcast_in_dim3A_49 : vector<1024x1xf32>
    %swap3A_51 = arith.constant 0 : index
    %swap3A_52 = arith.constant 0 : index
    %swap3A_53 = vector.load %arg8[%swap3A_51, %swap3A_52] : memref<1024x1xf32, #tpu.memory_space<vmem>>, vector<1024x1xf32>
    tpu.vector_store %arg8[%swap3A_51, %swap3A_52], %add3A_50 {strides = array<i32>} : memref<1024x1xf32, #tpu.memory_space<vmem>>, vector<1024x1xf32>,
    %eq3A_54 = arith.constant 0 : i32
    %eq3A_55 = arith.cmpi eq, %arg1, %eq3A_54 : i32
    %convert_element_type3A_56 = arith.extui %eq3A_55 : i1 to i32
    %cond3A_57 = arith.constant 0 : i32
    %cond3A_58 = arith.cmpi ne, %convert_element_type3A_56, %cond3A_57 : i32
    scf.if %cond3A_58 {
      %broadcast_in_dim3A_73 = arith.constant -1.000000e+30 : f32
      %broadcast_in_dim3A_74 = vector.broadcast %broadcast_in_dim3A_73 : f32 to vector<1x1024x1xf32>
      %swap3A_75 = arith.constant 0 : index
      %swap3A_76 = arith.constant 0 : index
      %swap3A_77 = arith.constant 0 : index
      %swap3A_78 = vector.load %arg9[%swap3A_75, %swap3A_76, %swap3A_77] : memref<1x1024x1xf32, #tpu.memory_space<vmem>>, vector<1x1024x1xf32>
      tpu.vector_store %arg9[%swap3A_75, %swap3A_76, %swap3A_77], %broadcast_in_dim3A_74 {strides = array<i32>} : memref<1x1024x1xf32, #tpu.memory_space<vmem>>, vector<1x1024x1xf32>,
    } else {
    }
    %get3A_59 = arith.constant 0 : index
    %get3A_60 = arith.constant 0 : index
    %get3A_61 = arith.constant 0 : index
    %get3A_62 = vector.load %arg9[%get3A_59, %get3A_60, %get3A_61] : memref<1x1024x1xf32, #tpu.memory_space<vmem>>, vector<1x1024x1xf32>
    %get3A_63 = vector.shape_cast %get3A_62 : vector<1x1024x1xf32> to vector<1024x1xf32>
    %reduce_max3A = arith.constant dense<0xFF800000> : vector<1024xf32>
    %reduce_max3A_64 = vector.multi_reduction <maximumf>, %add3A_30, %reduce_max3A [1] : vector<1024x512xf32> to vector<1024xf32>
    %broadcast_in_dim3A_65 = vector.shape_cast %reduce_max3A_64 : vector<1024xf32> to vector<1024x1xf32>
    %max3A_66 = arith.maximumf %get3A_63, %broadcast_in_dim3A_65 : vector<1024x1xf32>
    %swap3A_67 = arith.constant 0 : index
    %swap3A_68 = arith.constant 0 : index
    %swap3A_69 = arith.constant 0 : index
    %swap3A_70 = vector.load %arg9[%swap3A_67, %swap3A_68, %swap3A_69] : memref<1x1024x1xf32, #tpu.memory_space<vmem>>, vector<1x1024x1xf32>
    %swap3A_71 = vector.shape_cast %swap3A_70 : vector<1x1024x1xf32> to vector<1024x1xf32>
    %swap3A_72 = vector.shape_cast %max3A_66 : vector<1024x1xf32> to vector<1x1024x1xf32>
    tpu.vector_store %arg9[%swap3A_67, %swap3A_68, %swap3A_69], %swap3A_72 {strides = array<i32>} : memref<1x1024x1xf32, #tpu.memory_space<vmem>>, vector<1x1024x1xf32>,
    return
  }
  func.func @transform_0(%arg0: i32, %arg1: i32) -> (i32, i32) {
    %mul3A = arith.constant 16 : i32
    %mul3A_0 = arith.muli %arg0, %mul3A : i32
    %add3A = arith.addi %mul3A_0, %arg1 : i32
    %c0_i32 = arith.constant 0 : i32
    %c0_i32_1 = arith.constant 0 : i32
    return %c0_i32, %add3A : i32, i32
  }
  func.func @transform_1(%arg0: i32, %arg1: i32) -> (i32, i32) {
    %c0_i32 = arith.constant 0 : i32
    %c0_i32_0 = arith.constant 0 : i32
    %c0_i32_1 = arith.constant 0 : i32
    return %c0_i32, %c0_i32_0 : i32, i32
  }
  func.func @transform_2(%arg0: i32, %arg1: i32) -> (i32, i32) {
    %c0_i32 = arith.constant 0 : i32
    %c0_i32_0 = arith.constant 0 : i32
    %c0_i32_1 = arith.constant 0 : i32
    return %c0_i32, %c0_i32_0 : i32, i32
  }
  func.func @transform_3(%arg0: i32, %arg1: i32) -> (i32, i32) {
    %c0_i32 = arith.constant 0 : i32
    %c0_i32_0 = arith.constant 0 : i32
    %c0_i32_1 = arith.constant 0 : i32
    return %c0_i32, %c0_i32_0 : i32, i32
  }
  func.func @transform_4(%arg0: i32, %arg1: i32) -> (i32, i32) {
    %c0_i32 = arith.constant 0 : i32
    %c0_i32_0 = arith.constant 0 : i32
    %c0_i32_1 = arith.constant 0 : i32
    return %c0_i32, %c0_i32_0 : i32, i32
  }
  func.func @transform_5(%arg0: i32, %arg1: i32) -> (i32, i32) {
    %c0_i32 = arith.constant 0 : i32
    %c0_i32_0 = arith.constant 0 : i32
    %c0_i32_1 = arith.constant 0 : i32
    return %c0_i32, %c0_i32_0 : i32, i32
  }
  func.func @transform_6(%arg0: i32, %arg1: i32) -> (i32, i32) {
    %c0_i32 = arith.constant 0 : i32
    %c0_i32_0 = arith.constant 0 : i32
    %c0_i32_1 = arith.constant 0 : i32
    return %c0_i32, %c0_i32_0 : i32, i32
  }
  func.func @transform_7(%arg0: i32, %arg1: i32) -> (i32, i32, i32) {
    %c0_i32 = arith.constant 0 : i32
    %c0_i32_0 = arith.constant 0 : i32
    %c0_i32_1 = arith.constant 0 : i32
    return %arg0, %c0_i32, %c0_i32_0 : i32, i32, i32
  }
}

module attributes {stable_mosaic.version = 14 : i64} {
  func.func @body(%arg0: i32, %arg1: i32, %arg2: memref<64x512xf32, #tpu.memory_space<vmem>>, %arg3: memref<1x1x512xf32, #tpu.memory_space<vmem>>, %arg4: memref<1x128x16xf32, #tpu.memory_space<vmem>>, %arg5: memref<128x16xf32, #tpu.memory_space<vmem>>, %arg6: memref<128x16xf32, #tpu.memory_space<vmem>>, %arg7: memref<8x16xf32, #tpu.memory_space<vmem>>, %arg8: memref<1x1024x1xf32, #tpu.memory_space<vmem>>, %arg9: memref<1024x1xf32, #tpu.memory_space<vmem>>, %arg10: memref<1024x1xf32, #tpu.memory_space<vmem>>, %arg11: memref<1x1216x512xf32, #tpu.memory_space<vmem>>) attributes {dimension_semantics = [#tpu.dimension_semantics<arbitrary>, #tpu.dimension_semantics<arbitrary>], iteration_bounds = array<i64: 8, 16>, scalar_prefetch = 0 : i64, scratch_operands = 0 : i64, tpu.core_type = #tpu.core_type<tc>, window_params = [{transform_indices = @transform_0, window_bounds = array<i64: 64, 512>}, {transform_indices = @transform_1, window_bounds = array<i64: 1, 1, 512>}, {transform_indices = @transform_2, window_bounds = array<i64: 1, 128, 16>}, {pipeline_mode = #tpu.pipeline_mode<synchronous>, transform_indices = @transform_3, window_bounds = array<i64: 128, 16>}, {pipeline_mode = #tpu.pipeline_mode<synchronous>, transform_indices = @transform_4, window_bounds = array<i64: 128, 16>}, {pipeline_mode = #tpu.pipeline_mode<synchronous>, transform_indices = @transform_5, window_bounds = array<i64: 8, 16>}, {transform_indices = @transform_6, window_bounds = array<i64: 1, 1024, 1>}, {pipeline_mode = #tpu.pipeline_mode<synchronous>, transform_indices = @transform_7, window_bounds = array<i64: 1024, 1>}, {pipeline_mode = #tpu.pipeline_mode<synchronous>, transform_indices = @transform_8, window_bounds = array<i64: 1024, 1>}, {transform_indices = @transform_9, window_bounds = array<i64: 1, 1216, 512>}]} {
    %get3A = arith.constant 0 : index
    %get3A_0 = arith.constant 0 : index
    %get3A_1 = vector.load %arg2[%get3A, %get3A_0] : memref<64x512xf32, #tpu.memory_space<vmem>>, vector<64x512xf32>
    %swap3A = arith.constant 0 : index
    %swap3A_2 = arith.constant 0 : index
    %swap3A_3 = arith.constant 0 : index
    %swap3A_4 = vector.load %arg11[%swap3A, %swap3A_2, %swap3A_3] : memref<1x1216x512xf32, #tpu.memory_space<vmem>>, vector<1x64x512xf32>
    %swap3A_5 = vector.shape_cast %swap3A_4 : vector<1x64x512xf32> to vector<64x512xf32>
    %swap3A_6 = vector.shape_cast %get3A_1 : vector<64x512xf32> to vector<1x64x512xf32>
    tpu.vector_store %arg11[%swap3A, %swap3A_2, %swap3A_3], %swap3A_6 {strides = array<i32>} : memref<1x1216x512xf32, #tpu.memory_space<vmem>>, vector<1x64x512xf32>,
    %get3A_7 = arith.constant 0 : index
    %get3A_8 = arith.constant 0 : index
    %get3A_9 = vector.load %arg7[%get3A_7, %get3A_8] : memref<8x16xf32, #tpu.memory_space<vmem>>, vector<1x16xf32>
    %max3A = arith.constant 1.000000e+00 : f32
    %max3A_10 = vector.broadcast %max3A : f32 to vector<1x16xf32>
    %max3A_11 = arith.maximumf %get3A_9, %max3A_10 : vector<1x16xf32>
    %get3A_12 = arith.constant 0 : index
    %get3A_13 = arith.constant 0 : index
    %get3A_14 = vector.load %arg5[%get3A_12, %get3A_13] : memref<128x16xf32, #tpu.memory_space<vmem>>, vector<128x16xf32>
    %div3A = vector.broadcast %max3A_11 : vector<1x16xf32> to vector<128x16xf32>
    %div3A_15 = arith.divf %get3A_14, %div3A : vector<128x16xf32>
    %get3A_16 = arith.constant 0 : index
    %get3A_17 = arith.constant 0 : index
    %get3A_18 = vector.load %arg6[%get3A_16, %get3A_17] : memref<128x16xf32, #tpu.memory_space<vmem>>, vector<128x16xf32>
    %div3A_19 = vector.broadcast %max3A_11 : vector<1x16xf32> to vector<128x16xf32>
    %div3A_20 = arith.divf %get3A_18, %div3A_19 : vector<128x16xf32>
    %mul3A = arith.mulf %div3A_15, %div3A_15 : vector<128x16xf32>
    %sub3A = arith.subf %div3A_20, %mul3A : vector<128x16xf32>
    %add3A = arith.constant 9.99999974E-6 : f32
    %add3A_21 = vector.broadcast %add3A : f32 to vector<128x16xf32>
    %add3A_22 = arith.addf %sub3A, %add3A_21 : vector<128x16xf32>
    %rsqrt3A = math.rsqrt %add3A_22 : vector<128x16xf32>
    %get3A_23 = arith.constant 0 : index
    %get3A_24 = arith.constant 0 : index
    %get3A_25 = arith.constant 0 : index
    %get3A_26 = vector.load %arg4[%get3A_23, %get3A_24, %get3A_25] : memref<1x128x16xf32, #tpu.memory_space<vmem>>, vector<1x128x16xf32>
    %get3A_27 = vector.shape_cast %get3A_26 : vector<1x128x16xf32> to vector<128x16xf32>
    %sub3A_28 = arith.subf %get3A_27, %div3A_15 : vector<128x16xf32>
    %mul3A_29 = arith.mulf %sub3A_28, %rsqrt3A : vector<128x16xf32>
    %get3A_30 = arith.constant 0 : index
    %get3A_31 = arith.constant 0 : index
    %get3A_32 = arith.constant 0 : index
    %get3A_33 = vector.load %arg3[%get3A_30, %get3A_31, %get3A_32] : memref<1x1x512xf32, #tpu.memory_space<vmem>>, vector<1x1x512xf32>
    %get3A_34 = vector.shape_cast %get3A_33 : vector<1x1x512xf32> to vector<1x512xf32>
    %iota3A = tpu.iota {dimensions = array<i32: 0>} : vector<16x512xi32>
    %convert_element_type3A = arith.fptosi %get3A_34 : vector<1x512xf32> to vector<1x512xi32>
    %eq3A = vector.broadcast %convert_element_type3A : vector<1x512xi32> to vector<16x512xi32>
    %eq3A_35 = arith.cmpi eq, %iota3A, %eq3A : vector<16x512xi32>
    %convert_element_type3A_36 = arith.extui %eq3A_35 : vector<16x512xi1> to vector<16x512xi32>
    %convert_element_type3A_37 = arith.sitofp %convert_element_type3A_36 : vector<16x512xi32> to vector<16x512xf32>
    %dot_general3A = arith.constant dense<0.000000e+00> : vector<128x512xf32>
    %dot_general3A_38 = tpu.matmul %mul3A_29, %convert_element_type3A_37, %dot_general3A {dimension_numbers = #tpu.dot_dimension_numbers<[1], [0], [0], [1], [0, 0, 1, 1], [], []>, precision = #tpu.contract_precision<fp32>, transpose_lhs_hint = false} : vector<128x16xf32>, vector<16x512xf32>, vector<128x512xf32> -> vector<128x512xf32>
    %swap3A_39 = arith.constant 0 : index
    %swap3A_40 = arith.constant 64 : index
    %swap3A_41 = arith.constant 0 : index
    %swap3A_42 = vector.load %arg11[%swap3A_39, %swap3A_40, %swap3A_41] : memref<1x1216x512xf32, #tpu.memory_space<vmem>>, vector<1x128x512xf32>
    %swap3A_43 = vector.shape_cast %swap3A_42 : vector<1x128x512xf32> to vector<128x512xf32>
    %swap3A_44 = vector.shape_cast %dot_general3A_38 : vector<128x512xf32> to vector<1x128x512xf32>
    tpu.vector_store %arg11[%swap3A_39, %swap3A_40, %swap3A_41], %swap3A_44 {strides = array<i32>} : memref<1x1216x512xf32, #tpu.memory_space<vmem>>, vector<1x128x512xf32>,
    %get3A_45 = arith.constant 0 : index
    %get3A_46 = arith.constant 0 : index
    %get3A_47 = vector.load %arg9[%get3A_45, %get3A_46] : memref<1024x1xf32, #tpu.memory_space<vmem>>, vector<1024x1xf32>
    %div3A_48 = arith.constant 6.553600e+04 : f32
    %div3A_49 = vector.broadcast %div3A_48 : f32 to vector<1024x1xf32>
    %div3A_50 = arith.divf %get3A_47, %div3A_49 : vector<1024x1xf32>
    %get3A_51 = arith.constant 0 : index
    %get3A_52 = arith.constant 0 : index
    %get3A_53 = vector.load %arg10[%get3A_51, %get3A_52] : memref<1024x1xf32, #tpu.memory_space<vmem>>, vector<1024x1xf32>
    %div3A_54 = arith.constant 6.553600e+04 : f32
    %div3A_55 = vector.broadcast %div3A_54 : f32 to vector<1024x1xf32>
    %div3A_56 = arith.divf %get3A_53, %div3A_55 : vector<1024x1xf32>
    %mul3A_57 = arith.mulf %div3A_50, %div3A_50 : vector<1024x1xf32>
    %sub3A_58 = arith.subf %div3A_56, %mul3A_57 : vector<1024x1xf32>
    %add3A_59 = arith.constant 9.99999974E-6 : f32
    %add3A_60 = vector.broadcast %add3A_59 : f32 to vector<1024x1xf32>
    %add3A_61 = arith.addf %sub3A_58, %add3A_60 : vector<1024x1xf32>
    %rsqrt3A_62 = math.rsqrt %add3A_61 : vector<1024x1xf32>
    %get3A_63 = arith.constant 0 : index
    %get3A_64 = arith.constant 0 : index
    %get3A_65 = arith.constant 0 : index
    %get3A_66 = vector.load %arg8[%get3A_63, %get3A_64, %get3A_65] : memref<1x1024x1xf32, #tpu.memory_space<vmem>>, vector<1x1024x1xf32>
    %get3A_67 = vector.shape_cast %get3A_66 : vector<1x1024x1xf32> to vector<1024x1xf32>
    %sub3A_68 = arith.subf %get3A_67, %div3A_50 : vector<1024x1xf32>
    %mul3A_69 = arith.mulf %sub3A_68, %rsqrt3A_62 : vector<1024x1xf32>
    %broadcast_in_dim3A = vector.shape_cast %mul3A_69 : vector<1024x1xf32> to vector<1024x1xf32>
    %broadcast_in_dim3A_70 = vector.broadcast %broadcast_in_dim3A : vector<1024x1xf32> to vector<1024x512xf32>
    %swap3A_71 = arith.constant 0 : index
    %swap3A_72 = arith.constant 192 : index
    %swap3A_73 = arith.constant 0 : index
    %swap3A_74 = vector.load %arg11[%swap3A_71, %swap3A_72, %swap3A_73] : memref<1x1216x512xf32, #tpu.memory_space<vmem>>, vector<1x1024x512xf32>
    %swap3A_75 = vector.shape_cast %swap3A_74 : vector<1x1024x512xf32> to vector<1024x512xf32>
    %swap3A_76 = vector.shape_cast %broadcast_in_dim3A_70 : vector<1024x512xf32> to vector<1x1024x512xf32>
    tpu.vector_store %arg11[%swap3A_71, %swap3A_72, %swap3A_73], %swap3A_76 {strides = array<i32>} : memref<1x1216x512xf32, #tpu.memory_space<vmem>>, vector<1x1024x512xf32>,
    return
  }
  func.func @transform_0(%arg0: i32, %arg1: i32) -> (i32, i32) {
    %mul3A = arith.constant 16 : i32
    %mul3A_0 = arith.muli %arg0, %mul3A : i32
    %add3A = arith.addi %mul3A_0, %arg1 : i32
    %c0_i32 = arith.constant 0 : i32
    %c0_i32_1 = arith.constant 0 : i32
    return %c0_i32, %add3A : i32, i32
  }
  func.func @transform_1(%arg0: i32, %arg1: i32) -> (i32, i32, i32) {
    %c0_i32 = arith.constant 0 : i32
    %c0_i32_0 = arith.constant 0 : i32
    return %arg0, %c0_i32, %arg1 : i32, i32, i32
  }
  func.func @transform_2(%arg0: i32, %arg1: i32) -> (i32, i32, i32) {
    %c0_i32 = arith.constant 0 : i32
    %c0_i32_0 = arith.constant 0 : i32
    %c0_i32_1 = arith.constant 0 : i32
    return %arg0, %c0_i32, %c0_i32_0 : i32, i32, i32
  }
  func.func @transform_3(%arg0: i32, %arg1: i32) -> (i32, i32) {
    %c0_i32 = arith.constant 0 : i32
    %c0_i32_0 = arith.constant 0 : i32
    %c0_i32_1 = arith.constant 0 : i32
    return %c0_i32, %c0_i32_0 : i32, i32
  }
  func.func @transform_4(%arg0: i32, %arg1: i32) -> (i32, i32) {
    %c0_i32 = arith.constant 0 : i32
    %c0_i32_0 = arith.constant 0 : i32
    %c0_i32_1 = arith.constant 0 : i32
    return %c0_i32, %c0_i32_0 : i32, i32
  }
  func.func @transform_5(%arg0: i32, %arg1: i32) -> (i32, i32) {
    %c0_i32 = arith.constant 0 : i32
    %c0_i32_0 = arith.constant 0 : i32
    %c0_i32_1 = arith.constant 0 : i32
    return %c0_i32, %c0_i32_0 : i32, i32
  }
  func.func @transform_6(%arg0: i32, %arg1: i32) -> (i32, i32, i32) {
    %c0_i32 = arith.constant 0 : i32
    %c0_i32_0 = arith.constant 0 : i32
    %c0_i32_1 = arith.constant 0 : i32
    return %arg0, %c0_i32, %c0_i32_0 : i32, i32, i32
  }
  func.func @transform_7(%arg0: i32, %arg1: i32) -> (i32, i32) {
    %c0_i32 = arith.constant 0 : i32
    %c0_i32_0 = arith.constant 0 : i32
    %c0_i32_1 = arith.constant 0 : i32
    return %c0_i32, %c0_i32_0 : i32, i32
  }
  func.func @transform_8(%arg0: i32, %arg1: i32) -> (i32, i32) {
    %c0_i32 = arith.constant 0 : i32
    %c0_i32_0 = arith.constant 0 : i32
    %c0_i32_1 = arith.constant 0 : i32
    return %c0_i32, %c0_i32_0 : i32, i32
  }
  func.func @transform_9(%arg0: i32, %arg1: i32) -> (i32, i32, i32) {
    %c0_i32 = arith.constant 0 : i32
    %c0_i32_0 = arith.constant 0 : i32
    return %arg0, %c0_i32, %arg1 : i32, i32, i32
  }
}

</mosaic_0001>

<sc_bundles>
// kernel: sparse-core-data-format-call.1.cloned.1.call-start
scs
called_computation.1_lowered:
.L_overlay_start_0:
0x0: {  	s2 =	sld [smem:$0x3FD9]  }
0x1: {  	s3 =	sld [smem:$0x3FFE];
	_ =	sdelay $0x1  }
0x2: {  	s1 =	srdreg.scid  }
0x3: {  	s0 =	sand.u32 $0x1, s1  }
0x4: {  	s18 =	sshll.u32 s0, $0xA;
	s2 =	sadd.s32 s3, s2  }
0x5: {  	s2 =	sadd.s32 s2, s18  }
0x6: {  	[smem:$0x3FA6] =	sst s2  }
0x7: {  	_ = 	snop  }
0x8: {  	s2 =	sld [smem:$0x3FD0];
	(tm) =	ssettm $0x1  }
0x9: {  	s19 =	sld [smem:$0x3FFB];
	_ =	sdelay $0x3  }
0xa: {  	_ =	strace s19  }
0xb: {  	s3 =	sld [smem:$0x3FFC];
	_ =	sdelay $0x3  }
0xc: {  	_ =	strace s3  }
0xd: {  	s3 =	sld [smem:$0x3FFD];
	_ =	sdelay $0x3  }
0xe: {  	_ =	strace s3  }
0xf: {  	_ =	strace $0x8FFFFFFF  }
0x10: {  	s20 =	sld [smem:$0x3FDB];
	_ =	sdelay $0x1  }
0x11: {  	s4 =	simm.s32 $_scs_section_size  }
0x12: {  	s5 =	simm.s32 $_size__tile_overlayer_lowered;
	s6 =	simm.s32 $_tile_overlayer_lowered  }
0x13: {  	s23 =	simm.s32 $0x1BFF;
	s22 =	sshll.u32 s6, $0x1;
	s3 =	sadd.s32 s4, s20  }
0x14: {  	s7 =	simm.s32 $0x0;
	s21 =	sshll.u32 s5, $0x1;
	s5 =	sadd.s32 s22, s3  }
0x15: {  	[timem:s7], [sflag:s23] =	dma.local [hbm:s5], s21  }
0x16: {  	_ =	swait.ge [sflag:s23], s21  }
0x17: {  	s4 =	ssub.s32 $0x0, s21;
	[sflag:s23] =	ssyncset.done $0x0  }
0x18: {  	[sflag:s23] =	ssyncadd.s32 s4;
	_ =	sdelay $0x1  }
0x19: {  	s24 =	simm.s32 $0x1B8B  }
0x1a: {  	_ =	swait.ge [sflag:s24], $0x1  }
0x1b: {  	[sflag:s24] =	ssyncset.done $0x0  }
0x1c: {  	s26 =	simm.s32 $0x1B8E;
	s25 =	sld [smem:$0x3FFE];
	[sflag:s24] =	ssyncadd.s32 $0xFFFFFFFF  }
0x1d: {  	s27 =	simm.s32 $execute0_lowered;
	[smem:$0x3FD2] =	sst s26  }
0x1e: {  	s5 =	sshll.u32 s27, $0x1;
	_ =	strace $0x8000004C;
	[dreg:$0x1] =	wrdreg $0xFFFFFFFF  }
0x1f: {  	s28 =	simm.s32 $_size_execute0_lowered;
	s3 =	sadd.s32 s3, s5;
	[dreg:$0x0] =	wrdreg $0x0  }
0x20: {  	s5 =	sshll.u32 s28, $0x1;
	[dreg:$0x2] =	wrdreg s3  }
0x21: {  	[dreg:$0x3] =	wrdreg s5  }
0x22: {  	[dreg:$0x4] =	wrdreg $0xC0  }
0x23: {  	_ =	task [dreg:s7], $0x5FFFF  }
0x24: {  	[dreg:$0x1] =	wrdreg $0xFFFFFFFF  }
0x25: {  	[dreg:$0x0] =	wrdreg $0x60  }
0x26: {  	[dreg:$0x2] =	wrdreg s25  }
0x27: {  	[dreg:$0x3] =	wrdreg s2  }
0x28: {  	[dreg:$0x4] =	wrdreg $0x9  }
0x29: {  	_ =	task.clear_ibuf [dreg:s7], $0x5FFFF;
	_ =	strace $0x9000004C  }
0x2a: {  	s29 =	simm.s32 $0x9;
	_ =	strace $0x8000004E  }
0x2b: {  	_ =	swait.ge [sflag:s29], $0x1  }
0x2c: {  	[sflag:s29] =	ssyncadd.s32 $0xFFFFFFFF  }
0x2d: {  	_ =	strace $0x9000004E  }
0x2e: {  	_ =	sfence  }
0x2f: {  	s30 =	sld [smem:$0x0];
	_ =	sdelay $0x2  }
0x30: {  	s31 =	sshll.u32 s1, $0xD;
	s1 =	sshrl.u32 s1, $0x2  }
0x31: {  	s3 =	sand.u32 $0x4000, s31;
	s1 =	sadd.s32 s1, s30  }
0x32: {  	s0 =	sor.u32 s3, s0;
	s1 =	sshll.u32 s1, $0x11  }
0x33: {  	s0 =	sor.u32 s1, s0  }
0x34: {  	s0 =	sadd.s32 $0x8F2B, s0  }
0x35: {  	[sflag:s0] =	ssyncadd.remote.s32 $0x1  }
0x36: {  	_ =	sfence.sel $0xFFFF  }
0x37: {  	[dreg:$0x0] =	wrdreg $0xFFFFFFFF;
	(pc) =	sbr.abs _section_cstart, $3  }
0x38: {  	[dreg:$0x1] =	wrdreg $0xFFFFFFFF  }
0x39: {  	_ =	task.clear_ibuf [dreg:s7], $0x2FFFF;
	_ =	strace $0x9FFFFFFF  }
0x3a: {  	(tm) =	ssettm $0x7FFFFFFF  }
0x3b: {  	_ =	shalt  }
tec
execute0_lowered:
.L_overlay_start_1:
0x0: {  	(tag) =	ssettag $0x1  }
0x1: {  	s0 =	rddreg [dreg:$0x0]  }
0x2: {  	s1 =	srdreg.scid;
	s2 =	rddreg [dreg:$0x1];
	_ =	strace $0x8000004D  }
0x3: {  	s5 =	simm.s32 $0x1;
	s7 =	simm.s32 $0x2;
	s15 =	simm.s32 $0x0  }
0x4: {  	s8 =	simm.s32 $0x10000;
	s9 =	simm.s32 $0x0;
	s16 =	simm.s32 $0x0  }
0x5: {  	s18 =	simm.s32 $0x0;
	s17 =	simm.s32 $0x0;
	s1 =	sshll.u32 s1, $0x8  }
0x6: {  	s10 =	simm.s32 $0x0;
	s12 =	simm.s32 $0x0;
	s3 =	sand.u32 $0x100, s1  }
.Ltmp0:
0x7: {  	s13 =	stileid.u32;
	s6 =	ssub.s32 $0x2000, s3;
	(pc) =	sbr.rel .LBB1_1-.Ltmp0, $4  }
0x8: {  	s14 =	simm.s32 $0x0;
	s24 =	simm.s32 $0x0;
	s31 =	sshrl.u32 s6, $0x8  }
0x9: {  	s4 =	sadd.s32 $0x81C00, s0;
	s6 =	sshrl.u32 s6, $0x9;
	s0 =	sand.u32 $0x1, s31  }
0xa: {  	[sflag:s5] =	ssyncpa.u1 $0x0;
	s1 =	stileid.u32;
	s6 =	sadd.s32 s6, s0  }
0xb: {  	[sflag:s7] =	ssyncpa.u1 $0x0;
	s11 =	smov.u32 s3;
	s7 =	sadd.s32 $0x1, s6  }
.LBB1_7:
0xc: {  	s0 =	sadd.s32 $0x200, s11  }
0xd: {  	s15 =	sadd.s32 $0x8, s10;
	s19 =	smov.u32 s10;
	p1 =	sgt.s32 s0, $0x1FFF  }
0xe: {  	s19 =	smov.u32 @p1 s15  }
0xf: {  	s20 =	smov.u32 s12;
	s15 =	sadd.s32 $0x8, s12;
	p2 =	sgt.s32 s19, $0x7  }
0x10: {  	s20 =	smov.u32 @p2 s15  }
0x11: {  	s21 =	smov.u32 s13;
	s15 =	sadd.s32 $0x10, s13;
	p3 =	sgt.s32 s20, $0x7  }
0x12: {  	p0 =	slt.u32 s14, $0x2;
	s21 =	smov.u32 @p3 s15  }
0x13: {  	s16 =	smov.u32 s10;
	s0 =	smov.u32 @p1 s3;
	p1 =	sgt.s32 s21, $0xF  }
0x14: {  	s22 =	simm.s32 @!p0 $0x2;
	s21 =	smov.u32 @p1 s1;
	p1 =	sne.s32 s14, s7  }
.Ltmp1:
0x15: {  	s18 =	smov.u32 s12;
	_ =	swait.ge @!p0 [sflag:s22], $0x4000;
	(pc) =	sbr.rel @!p1 .LBB1_8-.Ltmp1, $4  }
0x16: {  	s17 =	smov.u32 s13;
	[sflag:s22] =	ssyncset.done @!p0 $0x0;
	s19 =	simm.s32 @p2 $0x0  }
0x17: {  	s9 =	sadd.s32 $0x4000, s9;
	[sflag:s22] =	ssyncadd.s32 @!p0 $0xFFFFC000;
	s10 =	smov.u32 s19  }
0x18: {  	s20 =	simm.s32 @p3 $0x0;
	s15 =	smov.u32 s11;
	s11 =	smov.u32 s0  }
0x19: {  	s12 =	smov.u32 s20;
	s14 =	sadd.s32 $0x1, s14;
	s13 =	smov.u32 s21  }
.LBB1_1:
0x1a: {  	p0 =	sge.u32 s14, s6  }
0x1b: {  	s31 =	sadd.s32 $0xFFFFFFFF, s14;
	s0 =	sxor.u32 @!p0 $0xFFFFFFFF, s14  }
0x1c: {  	s19 =	sshll.u32 @!p0 s10, $0x7;
	s20 =	sand.u32 @!p0 $0x78, s11;
	s21 =	sshll.u32 @!p0 s11, $0x3  }
0x1d: {  	s22 =	sand.u32 @!p0 $0x1C00, s11;
	s0 =	sshll.u32 @!p0 s0, $0xE;
	s19 =	sand.u32 @!p0 $0x380, s19  }
0x1e: {  	s21 =	sand.u32 @!p0 $0x1C00, s21;
	s19 =	sor.u32 @!p0 s19, s20;
	s20 =	sshll.u32 @!p0 s13, $0x10  }
0x1f: {  	s19 =	sor.u32 @!p0 s21, s19;
	s21 =	sshll.u32 @!p0 s12, $0xD;
	s20 =	sadd.s32 @!p0 s4, s20  }
0x20: {  	s0 =	sand.u32 @!p0 $0x4000, s0;
	s20 =	sadd.s32 @!p0 s21, s20;
	s21 =	sand.u32 @!p0 $0x7, s11  }
0x21: {  	s19 =	sshrl.u32 @!p0 s19, $0x3;
	s20 =	sadd.s32 @!p0 s22, s20;
	s21 =	sshll.u32 @!p0 s21, $0x12  }
0x22: {  	s19 =	sadd.s32 @!p0 s19, s20;
	s20 =	sor.u32 @!p0 $0x800, s21;
	s21 =	simm.s32 @!p0 $0x10000  }
0x23: {  	[tilespmem:s0], [sflag:$0x1] =	stream.strided.gather @!p0 [hbm4b:s19+s20], $0x4000, s21, s20, $0x38;
	[tilespmem:$0x10000] =	vst v63  }
0x24: {  	p0 =	sge.u32 s31, s6  }
.Ltmp2:
0x25: {  	_ = 	snop;
	(pc) =	sbr.rel @p0 .LBB1_7-.Ltmp2, $1  }
0x26: {  	_ =	sdelay $0x3  }
0x27: {  	s0 =	sshll.u32 s9, $0x2;
	_ =	swait.ge [sflag:s5], $0x4000;
	s19 =	sshll.u32 s14, $0xE  }
0x28: {  	p0 =	por $0x0, $0x0;
	s25 =	simm.s32 $0x0;
	s26 =	simm.s32 $0x0  }
0x29: {  	s0 =	sand.u32 $0x10000, s0;
	[sflag:s5] =	ssyncset.done $0x0;
	s22 =	sand.u32 $0x4000, s19  }
0x2a: {  	s0 =	sshrl.u32 s0, $0x2;
	[sflag:s5] =	ssyncadd.s32 $0xFFFFC000;
	s19 =	sor.u32 $0x8000, s22  }
0x2b: {  	s20 =	sor.u32 $0x40, s0;
	s21 =	sor.u32 $0x8410, s0;
	s23 =	sadd.s32 $0x8400, s0  }
.LBB1_3:
0x2c: {  	v1 =	vld [tilespmem:s20+$0xFFFFFFD0]  }
0x2d: {  	v2 =	vld [tilespmem:s20+$0x430]  }
0x2e: {  	s0 =	sshll.u32 s26, $0xB;
	v4 =	vld [tilespmem:s20+$0xFFFFFFE0]  }
0x2f: {  	v7 =	vld [tilespmem:s20+$0xFFFFFFF0];
	v0 =	vmov s0  }
0x30: {  	v8 =	vld [tilespmem:s20+$0x0]  }
0x31: {  	v9 =	vld [tilespmem:s20+$0x10];
	s0 =	sand.u32 $0x300, s24  }
0x32: {  	s27 =	sand.u32 $0x80, s24;
	v10 =	vld [tilespmem:s20+$0x20];
	s0 =	sadd.s32 s0, s22  }
0x33: {  	v11 =	vld [tilespmem:s20+$0x30];
	s0 =	sadd.s32 s27, s0;
	s27 =	simm.s32 $0x1;
	[tilespmem:s21+$0x60] =	vst v2  }
0x34: {  	s27 =	simm.s32 @!p0 $0x0;
	[tilespmem:s21+$0xFFFFFC00] =	vst v1;
	v3 =	vld.idx.msk [tilespmem:v0+s0+$0x400 ss:$0x1], $0xffff;
	s0 =	sshll.u32 s25, $0x2  }
0x35: {  	v6 =	vld [tilespmem:s20+$0x3D0];
	s27 =	sshll.u32 s27, $0x9;
	[tilespmem:s21+$0xFFFFFC10] =	vst v4;
	s0 =	sand.u32 $0xFFFFFC00, s0  }
0x36: {  	v5 =	vld [tilespmem:s20+$0x3E0];
	[tilespmem:s21+$0xFFFFFC20] =	vst v7;
	s0 =	sor.u32 s27, s0  }
0x37: {  	[tilespmem:s21+$0xFFFFFC30] =	vst v8;
	v4 =	vld [tilespmem:s20+$0x400];
	s0 =	sshrl.u32 s0, $0x2  }
0x38: {  	[tilespmem:s21+$0xFFFFFC40] =	vst v9;
	v1 =	vld [tilespmem:s20+$0x410];
	s27 =	sadd.s32 s0, s23  }
0x39: {  	[tilespmem:s27+$0x0] =	vst v3;
	v3 =	vld [tilespmem:s20+$0x3F0]  }
0x3a: {  	s31 =	simm.s32 $0x80;
	s30 =	simm.s32 $0x100;
	[tilespmem:s21+$0xFFFFFC50] =	vst v10;
	v2 =	vld [tilespmem:s20+$0x420]  }
0x3b: {  	s28 =	sadd.s32 $0x80, s20;
	s29 =	smov.u32 s21;
	v7 =	vld [tilespmem:s20+$0xFFFFFFC0];
	[tilespmem:s21+$0xFFFFFC60] =	vst v11;
	s0 =	sand.u32 $0x300, s31  }
.LBB1_4:
0x3c: {  	p1 =	sne.s32 s30, $0x380;
	v8 =	vld [tilespmem:s28+$0xFFFFFFD0];
	s31 =	sand.u32 $0x80, s31;
	s0 =	sadd.s32 s0, s22;
	[tilespmem:s29+$0x0] =	vst v6  }
0x3d: {  	s0 =	sadd.s32 s31, s0;
	v6 =	vld [tilespmem:s28+$0x430];
	[tilespmem:s29+$0x10] =	vst v5;
	s31 =	smov.u32 s30  }
0x3e: {  	v5 =	vld.idx.msk [tilespmem:v0+s0+$0x400 ss:$0x1], $0xffff;
	[tilespmem:s29+$0x20] =	vst v3  }
0x3f: {  	v3 =	vld [tilespmem:s28+$0xFFFFFFE0];
	[tilespmem:s29+$0x30] =	vst v4  }
0x40: {  	v4 =	vld [tilespmem:s28+$0xFFFFFFF0];
	[tilespmem:s29+$0xFFFFFBF0] =	vst v7  }
0x41: {  	v7 =	vld [tilespmem:s28+$0x0];
	[tilespmem:s29+$0x40] =	vst v1  }
0x42: {  	v1 =	vld [tilespmem:s28+$0x10];
	[tilespmem:s29+$0x50] =	vst v2;
	s29 =	sadd.s32 $0x800, s29  }
0x43: {  	s27 =	sadd.s32 $0x800, s27;
	v2 =	vld [tilespmem:s28+$0x20];
	[tilespmem:s29+$0x60] =	vst v6  }
0x44: {  	v9 =	vld [tilespmem:s28+$0x30];
	[tilespmem:s27+$0x0] =	vst v5  }
0x45: {  	[tilespmem:s29+$0xFFFFFC00] =	vst v8;
	v6 =	vld [tilespmem:s28+$0x3D0]  }
0x46: {  	[tilespmem:s29+$0xFFFFFC10] =	vst v3;
	v5 =	vld [tilespmem:s28+$0x3E0]  }
.Ltmp3:
0x47: {  	[tilespmem:s29+$0xFFFFFC20] =	vst v4;
	v3 =	vld [tilespmem:s28+$0x3F0];
	(pc) =	sbr.rel @p1 .LBB1_4-.Ltmp3, $4  }
0x48: {  	[tilespmem:s29+$0xFFFFFC30] =	vst v7;
	v4 =	vld [tilespmem:s28+$0x400]  }
0x49: {  	[tilespmem:s29+$0xFFFFFC40] =	vst v1;
	v1 =	vld [tilespmem:s28+$0x410]  }
0x4a: {  	[tilespmem:s29+$0xFFFFFC50] =	vst v2;
	v2 =	vld [tilespmem:s28+$0x420]  }
0x4b: {  	s30 =	sadd.s32 $0x80, s30;
	s0 =	sand.u32 $0x300, s31;
	v7 =	vld [tilespmem:s28+$0xFFFFFFC0];
	[tilespmem:s29+$0xFFFFFC60] =	vst v9;
	s28 =	sadd.s32 $0x80, s28  }
0x4c: {  	[tilespmem:s29+$0x0] =	vst v6  }
0x4d: {  	[tilespmem:s29+$0x10] =	vst v5  }
0x4e: {  	v49 =	vld [tilespmem:s28+$0x430];
	[tilespmem:s29+$0x20] =	vst v3  }
0x4f: {  	v50 =	vld [tilespmem:s28+$0xFFFFFFD0];
	[tilespmem:s29+$0x30] =	vst v4  }
0x50: {  	v51 =	vld [tilespmem:s28+$0xFFFFFFE0];
	[tilespmem:s29+$0x40] =	vst v1  }
0x51: {  	v52 =	vld [tilespmem:s28+$0xFFFFFFF0];
	[tilespmem:s29+$0x50] =	vst v2  }
0x52: {  	s30 =	sand.u32 $0x80, s31;
	s31 =	sadd.s32 $0x800, s29;
	v53 =	vld [tilespmem:s28+$0x0];
	[tilespmem:s29+$0xFFFFFBF0] =	vst v7  }
0x53: {  	v54 =	vld [tilespmem:s28+$0x10];
	[tilespmem:s31+$0x60] =	vst v49  }
0x54: {  	v55 =	vld [tilespmem:s28+$0x20];
	[tilespmem:s31+$0xFFFFFC00] =	vst v50  }
0x55: {  	v56 =	vld [tilespmem:s28+$0x30];
	[tilespmem:s31+$0xFFFFFC10] =	vst v51  }
0x56: {  	v57 =	vld [tilespmem:s28+$0x3D0];
	[tilespmem:s31+$0xFFFFFC20] =	vst v52  }
0x57: {  	v58 =	vld [tilespmem:s28+$0x3E0];
	[tilespmem:s31+$0xFFFFFC30] =	vst v53  }
0x58: {  	v59 =	vld [tilespmem:s28+$0x3F0];
	[tilespmem:s31+$0xFFFFFC40] =	vst v54  }
0x59: {  	v60 =	vld [tilespmem:s28+$0x400];
	[tilespmem:s31+$0xFFFFFC50] =	vst v55  }
0x5a: {  	v61 =	vld [tilespmem:s28+$0xFFFFFFC0];
	[tilespmem:s31+$0xFFFFFC60] =	vst v56  }
0x5b: {  	s0 =	sadd.s32 s0, s22;
	v62 =	vld [tilespmem:s28+$0x410];
	[tilespmem:s31+$0x0] =	vst v57  }
0x5c: {  	v63 =	vld [tilespmem:s28+$0x420];
	s26 =	sadd.s32 $0x1, s26;
	s0 =	sadd.s32 s30, s0;
	[tilespmem:s31+$0x10] =	vst v58  }
0x5d: {  	p1 =	sne.s32 s26, $0x8;
	v0 =	vld.idx.msk [tilespmem:v0+s0+$0x400 ss:$0x1], $0xffff;
	[tilespmem:s31+$0x20] =	vst v59  }
.Ltmp4:
0x5e: {  	[tilespmem:s31+$0x30] =	vst v60;
	(pc) =	sbr.rel @p1 .LBB1_3-.Ltmp4, $4  }
0x5f: {  	[tilespmem:s31+$0xFFFFFBF0] =	vst v61  }
0x60: {  	[tilespmem:s31+$0x40] =	vst v62  }
0x61: {  	s27 =	sadd.s32 $0x800, s27;
	s20 =	sadd.s32 $0x800, s20;
	[tilespmem:s31+$0x50] =	vst v63  }
0x62: {  	s25 =	sadd.s32 $0x80, s25;
	p0 =	por !p0, !p0;
	s21 =	sadd.s32 $0x80, s21;
	[tilespmem:s27+$0x0] =	vst v0  }
0x63: {  	s0 =	sshll.u32 s18, $0x7;
	s29 =	sand.u32 $0x78, s15  }
0x64: {  	s20 =	sshll.u32 s15, $0x3;
	s17 =	sshll.u32 s17, $0x10;
	s16 =	sshll.u32 s16, $0xD  }
0x65: {  	s30 =	sand.u32 $0x1C00, s15;
	s0 =	sand.u32 $0x380, s0;
	s20 =	sand.u32 $0x1C00, s20  }
.Ltmp5:
0x66: {  	s17 =	sadd.s32 s2, s17;
	s0 =	sor.u32 s0, s29;
	(pc) =	sbr.rel .LBB1_7-.Ltmp5, $4  }
0x67: {  	s31 =	sand.u32 $0x7, s15;
	s16 =	sadd.s32 s16, s17;
	s0 =	sor.u32 s20, s0  }
0x68: {  	s15 =	sshll.u32 s31, $0x12;
	s16 =	sadd.s32 s30, s16;
	s0 =	sshrl.u32 s0, $0x3  }
0x69: {  	s15 =	sor.u32 $0x800, s15;
	s0 =	sadd.s32 s0, s16  }
0x6a: {  	[hbm4b:s0+s15] =	stream.strided.scatter [tilespmem:s19], [sflag:$0x2], $0x4000, s8, s15, $0x38;
	[tilespmem:$0x10000] =	vst v63  }
.LBB1_8:
0x6b: {  	_ =	sfence.sel $0x180000  }
0x6c: {  	s0 =	simm.s32 $0x1;
	[bflag:$0x0] =	sbarrier.arrive $0xFFFF  }
0x6d: {  	s31 =	simm.s32 $0x2;
	[sflag:s0] =	ssyncpa.u1 $0x1  }
0x6e: {  	[sflag:s31] =	ssyncpa.u1 $0x1  }
0x6f: {  	_ =	strace $0x9000004D  }
0x70: {  	[bflag:$0x2] =	sbarrier.arrive $0xFFFF  }
0x71: {  	p0 =	sne.s32 s1, $0x0;
	s0 =	rddreg [dreg:$0x2]  }
0x72: {  	s0 =	sadd.s32 @!p0 $0x100000, s0  }
0x73: {  	[sflag:s0] =	ssyncadd.tile.s32 @!p0 $0x1;
	_ =	shalt  }
.Lfunc_end1:
_tile_overlayer_lowered:
.L_overlay_start_2:
0x74: {  	(tag) =	ssettag $0x2  }
0x75: {  	s0 =	rddreg [dreg:$0x0];
	s2 =	stileid.u32  }
0x76: {  	s1 =	rddreg [dreg:$0x1];
	p0 =	sne.s32 s2, $0x0  }
0x77: {  	s3 =	rddreg [dreg:$0x2];
	[bflag:$0x3] =	sbarrier.arrive $0xFFFF;
	s2 =	simm.s32 @!p0 $0x1C01  }
0x78: {  	[timem:s3], [sflag:s2] =	dma.local @!p0 [hbm:s0], s1  }
0x79: {  	s0 =	simm.s32 @!p0 $0x1  }
0x7a: {  	_ =	swait.ge @!p0 [sflag:s0], s1  }
0x7b: {  	s1 =	ssub.s32 @!p0 $0x0, s1;
	[sflag:s0] =	ssyncset.done @!p0 $0x0  }
0x7c: {  	[sflag:s0] =	ssyncadd.s32 @!p0 s1  }
0x7d: {  	[bflag:$0x3] =	sbarrier.arrive $0xFFFF  }
0x7e: {  	_ =	shalt  }

// kernel: sparse-core-data-format-call.2.cloned.1.call-start
scs
called_computation.2_lowered:
.L_overlay_start_0:
0x0: {  	s2 =	sld [smem:$0x3FD9]  }
0x1: {  	s3 =	sld [smem:$0x3FFE];
	_ =	sdelay $0x1  }
0x2: {  	s1 =	srdreg.scid  }
0x3: {  	s0 =	sand.u32 $0x1, s1  }
0x4: {  	s18 =	sshll.u32 s0, $0xA;
	s2 =	sadd.s32 s3, s2  }
0x5: {  	s2 =	sadd.s32 s2, s18  }
0x6: {  	[smem:$0x3FA6] =	sst s2  }
0x7: {  	_ = 	snop  }
0x8: {  	s2 =	sld [smem:$0x3FD0];
	(tm) =	ssettm $0x1  }
0x9: {  	s19 =	sld [smem:$0x3FFB];
	_ =	sdelay $0x3  }
0xa: {  	_ =	strace s19  }
0xb: {  	s3 =	sld [smem:$0x3FFC];
	_ =	sdelay $0x3  }
0xc: {  	_ =	strace s3  }
0xd: {  	s3 =	sld [smem:$0x3FFD];
	_ =	sdelay $0x3  }
0xe: {  	_ =	strace s3  }
0xf: {  	_ =	strace $0x8FFFFFFF  }
0x10: {  	s20 =	sld [smem:$0x3FDB];
	_ =	sdelay $0x1  }
0x11: {  	s4 =	simm.s32 $_scs_section_size  }
0x12: {  	s5 =	simm.s32 $_size__tile_overlayer_lowered;
	s6 =	simm.s32 $_tile_overlayer_lowered  }
0x13: {  	s23 =	simm.s32 $0x1BFF;
	s22 =	sshll.u32 s6, $0x1;
	s3 =	sadd.s32 s4, s20  }
0x14: {  	s7 =	simm.s32 $0x0;
	s21 =	sshll.u32 s5, $0x1;
	s5 =	sadd.s32 s22, s3  }
0x15: {  	[timem:s7], [sflag:s23] =	dma.local [hbm:s5], s21  }
0x16: {  	_ =	swait.ge [sflag:s23], s21  }
0x17: {  	s4 =	ssub.s32 $0x0, s21;
	[sflag:s23] =	ssyncset.done $0x0  }
0x18: {  	[sflag:s23] =	ssyncadd.s32 s4;
	_ =	sdelay $0x1  }
0x19: {  	s24 =	simm.s32 $0x1B8B  }
0x1a: {  	_ =	swait.ge [sflag:s24], $0x1  }
0x1b: {  	[sflag:s24] =	ssyncset.done $0x0  }
0x1c: {  	s26 =	simm.s32 $0x1B8E;
	s25 =	sld [smem:$0x3FFE];
	[sflag:s24] =	ssyncadd.s32 $0xFFFFFFFF  }
0x1d: {  	s27 =	simm.s32 $execute0_lowered;
	[smem:$0x3FD2] =	sst s26  }
0x1e: {  	s5 =	sshll.u32 s27, $0x1;
	_ =	strace $0x80000049;
	[dreg:$0x1] =	wrdreg $0xFFFFFFFF  }
0x1f: {  	s28 =	simm.s32 $_size_execute0_lowered;
	s3 =	sadd.s32 s3, s5;
	[dreg:$0x0] =	wrdreg $0x0  }
0x20: {  	s5 =	sshll.u32 s28, $0x1;
	[dreg:$0x2] =	wrdreg s3  }
0x21: {  	[dreg:$0x3] =	wrdreg s5  }
0x22: {  	[dreg:$0x4] =	wrdreg $0xC0  }
0x23: {  	_ =	task [dreg:s7], $0x5FFFF  }
0x24: {  	[dreg:$0x1] =	wrdreg $0xFFFFFFFF  }
0x25: {  	[dreg:$0x0] =	wrdreg $0x60  }
0x26: {  	[dreg:$0x2] =	wrdreg s2  }
0x27: {  	[dreg:$0x3] =	wrdreg s25  }
0x28: {  	[dreg:$0x4] =	wrdreg $0x9  }
0x29: {  	_ =	task.clear_ibuf [dreg:s7], $0x5FFFF;
	_ =	strace $0x90000049  }
0x2a: {  	s29 =	simm.s32 $0x9;
	_ =	strace $0x8000004B  }
0x2b: {  	_ =	swait.ge [sflag:s29], $0x1  }
0x2c: {  	[sflag:s29] =	ssyncadd.s32 $0xFFFFFFFF  }
0x2d: {  	_ =	strace $0x9000004B  }
0x2e: {  	_ =	sfence  }
0x2f: {  	s30 =	sld [smem:$0x0];
	_ =	sdelay $0x2  }
0x30: {  	s31 =	sshll.u32 s1, $0xD;
	s1 =	sshrl.u32 s1, $0x2  }
0x31: {  	s3 =	sand.u32 $0x4000, s31;
	s1 =	sadd.s32 s1, s30  }
0x32: {  	s0 =	sor.u32 s3, s0;
	s1 =	sshll.u32 s1, $0x11  }
0x33: {  	s0 =	sor.u32 s1, s0  }
0x34: {  	s0 =	sadd.s32 $0x8F2B, s0  }
0x35: {  	[sflag:s0] =	ssyncadd.remote.s32 $0x1  }
0x36: {  	_ =	sfence.sel $0xFFFF  }
0x37: {  	[dreg:$0x0] =	wrdreg $0xFFFFFFFF;
	(pc) =	sbr.abs _section_cstart, $3  }
0x38: {  	[dreg:$0x1] =	wrdreg $0xFFFFFFFF  }
0x39: {  	_ =	task.clear_ibuf [dreg:s7], $0x2FFFF;
	_ =	strace $0x9FFFFFFF  }
0x3a: {  	(tm) =	ssettm $0x7FFFFFFF  }
0x3b: {  	_ =	shalt  }
tec
execute0_lowered:
.L_overlay_start_1:
0x0: {  	(tag) =	ssettag $0x1  }
0x1: {  	s2 =	rddreg [dreg:$0x0]  }
0x2: {  	s1 =	rddreg [dreg:$0x1]  }
0x3: {  	s0 =	rddreg [dreg:$0x2]  }
0x4: {  	_ =	strace $0x8000004A;
	s4 =	srdreg.scid;
	s6 =	simm.s32 $0x2  }
0x5: {  	s12 =	simm.s32 $0x0;
	p0 =	por $0x0, $0x0;
	s13 =	simm.s32 $0x0  }
0x6: {  	s15 =	simm.s32 $0x0;
	s14 =	simm.s32 $0x0;
	s8 =	simm.s32 $0x0  }
.Ltmp0:
0x7: {  	s9 =	simm.s32 $0x0;
	s10 =	simm.s32 $0x0;
	(pc) =	sbr.rel .LBB1_1-.Ltmp0, $4  }
0x8: {  	s7 =	simm.s32 $0x0;
	s3 =	sadd.s32 $0x31400, s1;
	s5 =	sshll.u32 s4, $0x4  }
0x9: {  	s1 =	stileid.u32;
	s4 =	simm.s32 $0x1;
	s5 =	sand.u32 $0x10, s5  }
0xa: {  	s21 =	simm.s32 $0x0;
	[sflag:s4] =	ssyncpa.u1 $0x0;
	s5 =	sor.u32 s1, s5  }
0xb: {  	[sflag:s6] =	ssyncpa.u1 $0x0;
	s6 =	simm.s32 $0x10000;
	s11 =	smov.u32 s5  }
.LBB1_7:
0xc: {  	s16 =	sadd.s32 $0x100, s8  }
0xd: {  	s12 =	sadd.s32 $0x8, s9;
	s17 =	smov.u32 s9;
	p2 =	sgt.s32 s16, $0x1FFF  }
0xe: {  	s17 =	smov.u32 @p2 s12  }
0xf: {  	s18 =	smov.u32 s10;
	s12 =	sadd.s32 $0x8, s10;
	p3 =	sgt.s32 s17, $0x7  }
0x10: {  	s18 =	smov.u32 @p3 s12  }
0x11: {  	s19 =	smov.u32 s11;
	s12 =	sadd.s32 $0x20, s11;
	p4 =	sgt.s32 s18, $0x7  }
0x12: {  	p1 =	slt.u32 s7, $0x2;
	s19 =	smov.u32 @p4 s12  }
0x13: {  	s7 =	sadd.s32 $0x1, s7;
	s16 =	simm.s32 @p2 $0x0;
	p2 =	sgt.s32 s19, $0x7F  }
0x14: {  	s20 =	simm.s32 @!p1 $0x2;
	s19 =	smov.u32 @p2 s5;
	p2 =	sne.s32 s7, $0x82  }
.Ltmp1:
0x15: {  	s13 =	smov.u32 s9;
	_ =	swait.ge @!p1 [sflag:s20], $0x4000;
	(pc) =	sbr.rel @!p2 .LBB1_8-.Ltmp1, $4  }
0x16: {  	s15 =	smov.u32 s10;
	s14 =	smov.u32 s11;
	[sflag:s20] =	ssyncset.done @!p1 $0x0  }
0x17: {  	p0 =	por !p0, !p0;
	s17 =	simm.s32 @p3 $0x0;
	[sflag:s20] =	ssyncadd.s32 @!p1 $0xFFFFC000  }
0x18: {  	s9 =	smov.u32 s17;
	s18 =	simm.s32 @p4 $0x0;
	s12 =	smov.u32 s8  }
0x19: {  	s8 =	smov.u32 s16;
	s10 =	smov.u32 s18;
	s11 =	smov.u32 s19  }
.LBB1_1:
0x1a: {  	p1 =	sgt.u32 s7, $0x7F  }
0x1b: {  	s16 =	sxor.u32 @!p1 $0xFFFFFFFF, s7  }
0x1c: {  	s17 =	sshll.u32 @!p1 s9, $0x7;
	s18 =	sand.u32 @!p1 $0x78, s8;
	s19 =	sshll.u32 @!p1 s8, $0x3  }
0x1d: {  	s20 =	sand.u32 @!p1 $0x1C00, s8;
	s16 =	sshll.u32 @!p1 s16, $0xE;
	s17 =	sand.u32 @!p1 $0x380, s17  }
0x1e: {  	s19 =	sand.u32 @!p1 $0x1C00, s19;
	s17 =	sor.u32 @!p1 s17, s18;
	s18 =	sshll.u32 @!p1 s11, $0x10  }
0x1f: {  	s17 =	sor.u32 @!p1 s19, s17;
	s19 =	sshll.u32 @!p1 s10, $0xD;
	s18 =	sadd.s32 @!p1 s2, s18  }
0x20: {  	s16 =	sand.u32 @!p1 $0x4000, s16;
	s18 =	sadd.s32 @!p1 s19, s18;
	s19 =	sand.u32 @!p1 $0x7, s8  }
0x21: {  	s17 =	sshrl.u32 @!p1 s17, $0x3;
	s18 =	sadd.s32 @!p1 s20, s18;
	s19 =	sshll.u32 @!p1 s19, $0x12  }
0x22: {  	s17 =	sadd.s32 @!p1 s17, s18;
	s18 =	sor.u32 @!p1 $0x800, s19;
	s19 =	simm.s32 @!p1 $0x10000  }
0x23: {  	[tilespmem:s16], [sflag:$0x1] =	stream.strided.gather @!p1 [hbm4b:s17+s18], $0x4000, s19, s18, $0x38;
	[tilespmem:$0x10000] =	vst v63  }
0x24: {  	p1 =	seq.s32 s7, $0x0  }
0x25: {  	p2 =	seq.s32 @!p1 s7, $0x81  }
0x26: {  	p1 =	por p1, p2  }
.Ltmp2:
0x27: {  	_ = 	snop;
	(pc) =	sbr.rel @p1 .LBB1_7-.Ltmp2, $1  }
0x28: {  	_ =	sdelay $0x3  }
0x29: {  	s16 =	simm.s32 $0x1  }
0x2a: {  	_ =	swait.ge [sflag:s4], $0x4000;
	s31 =	sshll.u32 s7, $0xE;
	p1 =	por $0x0, $0x0  }
0x2b: {  	s22 =	simm.s32 $0x0;
	s23 =	simm.s32 $0x0;
	s16 =	simm.s32 @!p0 $0x0  }
0x2c: {  	[sflag:s4] =	ssyncset.done $0x0;
	s19 =	sand.u32 $0x4000, s31;
	s16 =	sshll.u32 s16, $0x10  }
0x2d: {  	[sflag:s4] =	ssyncadd.s32 $0xFFFFC000;
	s20 =	sshrl.u32 s16, $0x2;
	s16 =	sor.u32 $0x8000, s19  }
0x2e: {  	s17 =	sor.u32 $0x40, s20;
	s18 =	sor.u32 $0x8410, s20;
	s20 =	sadd.s32 $0x8400, s20  }
.LBB1_3:
0x2f: {  	v1 =	vld [tilespmem:s17+$0xFFFFFFD0]  }
0x30: {  	v2 =	vld [tilespmem:s17+$0x430]  }
0x31: {  	s24 =	sshll.u32 s23, $0xB;
	v4 =	vld [tilespmem:s17+$0xFFFFFFE0]  }
0x32: {  	v7 =	vld [tilespmem:s17+$0xFFFFFFF0];
	v0 =	vmov s24  }
0x33: {  	v8 =	vld [tilespmem:s17+$0x0]  }
0x34: {  	s30 =	sand.u32 $0x300, s21;
	v9 =	vld [tilespmem:s17+$0x10]  }
0x35: {  	s25 =	sand.u32 $0x80, s21;
	v10 =	vld [tilespmem:s17+$0x20];
	s24 =	sadd.s32 s30, s19  }
0x36: {  	v11 =	vld [tilespmem:s17+$0x30];
	s24 =	sadd.s32 s25, s24;
	s25 =	simm.s32 $0x1;
	[tilespmem:s18+$0x60] =	vst v2  }
0x37: {  	s31 =	sshll.u32 s22, $0x2;
	s25 =	simm.s32 @!p1 $0x0;
	[tilespmem:s18+$0xFFFFFC00] =	vst v1;
	v3 =	vld.idx.msk [tilespmem:v0+s24+$0x400 ss:$0x1], $0xffff  }
0x38: {  	v6 =	vld [tilespmem:s17+$0x3D0];
	s25 =	sshll.u32 s25, $0x9;
	[tilespmem:s18+$0xFFFFFC10] =	vst v4;
	s24 =	sand.u32 $0xFFFFFC00, s31  }
0x39: {  	v5 =	vld [tilespmem:s17+$0x3E0];
	[tilespmem:s18+$0xFFFFFC20] =	vst v7;
	s24 =	sor.u32 s25, s24  }
0x3a: {  	[tilespmem:s18+$0xFFFFFC30] =	vst v8;
	v4 =	vld [tilespmem:s17+$0x400];
	s24 =	sshrl.u32 s24, $0x2  }
0x3b: {  	[tilespmem:s18+$0xFFFFFC40] =	vst v9;
	v1 =	vld [tilespmem:s17+$0x410];
	s24 =	sadd.s32 s24, s20  }
0x3c: {  	[tilespmem:s24+$0x0] =	vst v3;
	v3 =	vld [tilespmem:s17+$0x3F0]  }
0x3d: {  	s28 =	simm.s32 $0x80;
	s27 =	simm.s32 $0x100;
	[tilespmem:s18+$0xFFFFFC50] =	vst v10;
	v2 =	vld [tilespmem:s17+$0x420]  }
0x3e: {  	s26 =	smov.u32 s18;
	s29 =	sand.u32 $0x300, s28;
	v7 =	vld [tilespmem:s17+$0xFFFFFFC0];
	[tilespmem:s18+$0xFFFFFC60] =	vst v11;
	s25 =	sadd.s32 $0x80, s17  }
.LBB1_4:
0x3f: {  	p2 =	sne.s32 s27, $0x380;
	v8 =	vld [tilespmem:s25+$0xFFFFFFD0];
	s28 =	sand.u32 $0x80, s28;
	s29 =	sadd.s32 s29, s19;
	[tilespmem:s26+$0x0] =	vst v6  }
0x40: {  	s29 =	sadd.s32 s28, s29;
	v6 =	vld [tilespmem:s25+$0x430];
	[tilespmem:s26+$0x10] =	vst v5;
	s28 =	smov.u32 s27  }
0x41: {  	v5 =	vld.idx.msk [tilespmem:v0+s29+$0x400 ss:$0x1], $0xffff;
	[tilespmem:s26+$0x20] =	vst v3  }
0x42: {  	v3 =	vld [tilespmem:s25+$0xFFFFFFE0];
	[tilespmem:s26+$0x30] =	vst v4  }
0x43: {  	v4 =	vld [tilespmem:s25+$0xFFFFFFF0];
	[tilespmem:s26+$0xFFFFFBF0] =	vst v7  }
0x44: {  	v7 =	vld [tilespmem:s25+$0x0];
	[tilespmem:s26+$0x40] =	vst v1  }
0x45: {  	v1 =	vld [tilespmem:s25+$0x10];
	[tilespmem:s26+$0x50] =	vst v2;
	s26 =	sadd.s32 $0x800, s26  }
0x46: {  	s24 =	sadd.s32 $0x800, s24;
	v2 =	vld [tilespmem:s25+$0x20];
	[tilespmem:s26+$0x60] =	vst v6  }
0x47: {  	v9 =	vld [tilespmem:s25+$0x30];
	[tilespmem:s24+$0x0] =	vst v5  }
0x48: {  	[tilespmem:s26+$0xFFFFFC00] =	vst v8;
	v6 =	vld [tilespmem:s25+$0x3D0]  }
0x49: {  	[tilespmem:s26+$0xFFFFFC10] =	vst v3;
	v5 =	vld [tilespmem:s25+$0x3E0]  }
.Ltmp3:
0x4a: {  	[tilespmem:s26+$0xFFFFFC20] =	vst v4;
	v3 =	vld [tilespmem:s25+$0x3F0];
	(pc) =	sbr.rel @p2 .LBB1_4-.Ltmp3, $4  }
0x4b: {  	[tilespmem:s26+$0xFFFFFC30] =	vst v7;
	v4 =	vld [tilespmem:s25+$0x400]  }
0x4c: {  	[tilespmem:s26+$0xFFFFFC40] =	vst v1;
	v1 =	vld [tilespmem:s25+$0x410]  }
0x4d: {  	[tilespmem:s26+$0xFFFFFC50] =	vst v2;
	v2 =	vld [tilespmem:s25+$0x420]  }
0x4e: {  	s27 =	sadd.s32 $0x80, s27;
	s29 =	sand.u32 $0x300, s28;
	v7 =	vld [tilespmem:s25+$0xFFFFFFC0];
	[tilespmem:s26+$0xFFFFFC60] =	vst v9;
	s25 =	sadd.s32 $0x80, s25  }
0x4f: {  	[tilespmem:s26+$0x0] =	vst v6  }
0x50: {  	[tilespmem:s26+$0x10] =	vst v5  }
0x51: {  	v49 =	vld [tilespmem:s25+$0x430];
	[tilespmem:s26+$0x20] =	vst v3  }
0x52: {  	v50 =	vld [tilespmem:s25+$0xFFFFFFD0];
	[tilespmem:s26+$0x30] =	vst v4  }
0x53: {  	v51 =	vld [tilespmem:s25+$0xFFFFFFE0];
	[tilespmem:s26+$0x40] =	vst v1  }
0x54: {  	v52 =	vld [tilespmem:s25+$0xFFFFFFF0];
	[tilespmem:s26+$0x50] =	vst v2  }
0x55: {  	s31 =	sadd.s32 $0x800, s26;
	v53 =	vld [tilespmem:s25+$0x0];
	[tilespmem:s26+$0xFFFFFBF0] =	vst v7  }
0x56: {  	v54 =	vld [tilespmem:s25+$0x10];
	[tilespmem:s31+$0x60] =	vst v49  }
0x57: {  	v55 =	vld [tilespmem:s25+$0x20];
	[tilespmem:s31+$0xFFFFFC00] =	vst v50  }
0x58: {  	v56 =	vld [tilespmem:s25+$0x30];
	[tilespmem:s31+$0xFFFFFC10] =	vst v51  }
0x59: {  	v57 =	vld [tilespmem:s25+$0x3D0];
	[tilespmem:s31+$0xFFFFFC20] =	vst v52  }
0x5a: {  	v58 =	vld [tilespmem:s25+$0x3E0];
	[tilespmem:s31+$0xFFFFFC30] =	vst v53  }
0x5b: {  	v59 =	vld [tilespmem:s25+$0x3F0];
	[tilespmem:s31+$0xFFFFFC40] =	vst v54  }
0x5c: {  	v60 =	vld [tilespmem:s25+$0x400];
	[tilespmem:s31+$0xFFFFFC50] =	vst v55  }
0x5d: {  	v61 =	vld [tilespmem:s25+$0xFFFFFFC0];
	[tilespmem:s31+$0xFFFFFC60] =	vst v56  }
0x5e: {  	s27 =	sand.u32 $0x80, s28;
	s30 =	sadd.s32 s29, s19;
	v62 =	vld [tilespmem:s25+$0x410];
	[tilespmem:s31+$0x0] =	vst v57  }
0x5f: {  	v63 =	vld [tilespmem:s25+$0x420];
	s23 =	sadd.s32 $0x1, s23;
	s27 =	sadd.s32 s27, s30;
	[tilespmem:s31+$0x10] =	vst v58  }
0x60: {  	p2 =	sne.s32 s23, $0x8;
	v0 =	vld.idx.msk [tilespmem:v0+s27+$0x400 ss:$0x1], $0xffff;
	[tilespmem:s31+$0x20] =	vst v59  }
.Ltmp4:
0x61: {  	[tilespmem:s31+$0x30] =	vst v60;
	(pc) =	sbr.rel @p2 .LBB1_3-.Ltmp4, $4  }
0x62: {  	[tilespmem:s31+$0xFFFFFBF0] =	vst v61  }
0x63: {  	[tilespmem:s31+$0x40] =	vst v62  }
0x64: {  	s24 =	sadd.s32 $0x800, s24;
	s17 =	sadd.s32 $0x800, s17;
	[tilespmem:s31+$0x50] =	vst v63  }
0x65: {  	s22 =	sadd.s32 $0x80, s22;
	p1 =	por !p1, !p1;
	s18 =	sadd.s32 $0x80, s18;
	[tilespmem:s24+$0x0] =	vst v0  }
0x66: {  	s15 =	sshll.u32 s15, $0x7;
	s17 =	sand.u32 $0x78, s12  }
0x67: {  	s18 =	sshll.u32 s12, $0x3;
	s14 =	sshll.u32 s14, $0x10;
	s13 =	sshll.u32 s13, $0xD  }
0x68: {  	s29 =	sand.u32 $0x1C00, s12;
	s15 =	sand.u32 $0x380, s15;
	s18 =	sand.u32 $0x1C00, s18  }
.Ltmp5:
0x69: {  	s14 =	sadd.s32 s3, s14;
	s15 =	sor.u32 s15, s17;
	(pc) =	sbr.rel .LBB1_7-.Ltmp5, $4  }
0x6a: {  	s30 =	sand.u32 $0x7, s12;
	s13 =	sadd.s32 s13, s14;
	s15 =	sor.u32 s18, s15  }
0x6b: {  	s12 =	sshll.u32 s30, $0x12;
	s13 =	sadd.s32 s29, s13;
	s31 =	sshrl.u32 s15, $0x3  }
0x6c: {  	s12 =	sor.u32 $0x800, s12;
	s13 =	sadd.s32 s31, s13  }
0x6d: {  	[hbm4b:s13+s12] =	stream.strided.scatter [tilespmem:s16], [sflag:$0x2], $0x4000, s6, s12, $0x38;
	[tilespmem:$0x10000] =	vst v63  }
.LBB1_8:
0x6e: {  	_ =	sfence.sel $0x180000  }
0x6f: {  	s2 =	simm.s32 $0x1;
	[bflag:$0x0] =	sbarrier.arrive $0xFFFF  }
0x70: {  	s31 =	simm.s32 $0x2;
	[sflag:s2] =	ssyncpa.u1 $0x1  }
0x71: {  	[sflag:s31] =	ssyncpa.u1 $0x1  }
0x72: {  	p0 =	sne.s32 s1, $0x0;
	_ =	strace $0x9000004A  }
0x73: {  	s0 =	sadd.s32 @!p0 $0x100000, s0;
	[bflag:$0x2] =	sbarrier.arrive $0xFFFF  }
0x74: {  	[sflag:s0] =	ssyncadd.tile.s32 @!p0 $0x1;
	_ =	shalt  }
.Lfunc_end1:
_tile_overlayer_lowered:
.L_overlay_start_2:
0x75: {  	(tag) =	ssettag $0x2  }
0x76: {  	s0 =	rddreg [dreg:$0x0];
	s2 =	stileid.u32  }
0x77: {  	s1 =	rddreg [dreg:$0x1];
	p0 =	sne.s32 s2, $0x0  }
0x78: {  	s3 =	rddreg [dreg:$0x2];
	[bflag:$0x3] =	sbarrier.arrive $0xFFFF;
	s2 =	simm.s32 @!p0 $0x1C01  }
0x79: {  	[timem:s3], [sflag:s2] =	dma.local @!p0 [hbm:s0], s1  }
0x7a: {  	s0 =	simm.s32 @!p0 $0x1  }
0x7b: {  	_ =	swait.ge @!p0 [sflag:s0], s1  }
0x7c: {  	s1 =	ssub.s32 @!p0 $0x0, s1;
	[sflag:s0] =	ssyncset.done @!p0 $0x0  }
0x7d: {  	[sflag:s0] =	ssyncadd.s32 @!p0 s1  }
0x7e: {  	[bflag:$0x3] =	sbarrier.arrive $0xFFFF  }
0x7f: {  	_ =	shalt  }

// kernel: sparse-core-data-format-call.3.cloned.1.call-start
scs
called_computation.3_lowered:
.L_overlay_start_0:
0x0: {  	s2 =	sld [smem:$0x3FD9]  }
0x1: {  	s3 =	sld [smem:$0x3FFE];
	_ =	sdelay $0x1  }
0x2: {  	s1 =	srdreg.scid  }
0x3: {  	s0 =	sand.u32 $0x1, s1  }
0x4: {  	s18 =	sshll.u32 s0, $0xA;
	s2 =	sadd.s32 s3, s2  }
0x5: {  	s2 =	sadd.s32 s2, s18  }
0x6: {  	[smem:$0x3FA6] =	sst s2  }
0x7: {  	_ = 	snop  }
0x8: {  	s2 =	sld [smem:$0x3FD0];
	(tm) =	ssettm $0x1  }
0x9: {  	s19 =	sld [smem:$0x3FFB];
	_ =	sdelay $0x3  }
0xa: {  	_ =	strace s19  }
0xb: {  	s3 =	sld [smem:$0x3FFC];
	_ =	sdelay $0x3  }
0xc: {  	_ =	strace s3  }
0xd: {  	s3 =	sld [smem:$0x3FFD];
	_ =	sdelay $0x3  }
0xe: {  	_ =	strace s3  }
0xf: {  	_ =	strace $0x8FFFFFFF  }
0x10: {  	s20 =	sld [smem:$0x3FDB];
	_ =	sdelay $0x1  }
0x11: {  	s4 =	simm.s32 $_scs_section_size  }
0x12: {  	s5 =	simm.s32 $_size__tile_overlayer_lowered;
	s6 =	simm.s32 $_tile_overlayer_lowered  }
0x13: {  	s23 =	simm.s32 $0x1BFF;
	s22 =	sshll.u32 s6, $0x1;
	s3 =	sadd.s32 s4, s20  }
0x14: {  	s7 =	simm.s32 $0x0;
	s21 =	sshll.u32 s5, $0x1;
	s5 =	sadd.s32 s22, s3  }
0x15: {  	[timem:s7], [sflag:s23] =	dma.local [hbm:s5], s21  }
0x16: {  	_ =	swait.ge [sflag:s23], s21  }
0x17: {  	s4 =	ssub.s32 $0x0, s21;
	[sflag:s23] =	ssyncset.done $0x0  }
0x18: {  	[sflag:s23] =	ssyncadd.s32 s4;
	_ =	sdelay $0x1  }
0x19: {  	s24 =	simm.s32 $0x1B8B  }
0x1a: {  	_ =	swait.ge [sflag:s24], $0x1  }
0x1b: {  	[sflag:s24] =	ssyncset.done $0x0  }
0x1c: {  	s26 =	simm.s32 $0x1B8E;
	s25 =	sld [smem:$0x3FFE];
	[sflag:s24] =	ssyncadd.s32 $0xFFFFFFFF  }
0x1d: {  	s27 =	simm.s32 $execute0_lowered;
	[smem:$0x3FD2] =	sst s26  }
0x1e: {  	s5 =	sshll.u32 s27, $0x1;
	_ =	strace $0x80000046;
	[dreg:$0x1] =	wrdreg $0xFFFFFFFF  }
0x1f: {  	s28 =	simm.s32 $_size_execute0_lowered;
	s3 =	sadd.s32 s3, s5;
	[dreg:$0x0] =	wrdreg $0x0  }
0x20: {  	s5 =	sshll.u32 s28, $0x1;
	[dreg:$0x2] =	wrdreg s3  }
0x21: {  	[dreg:$0x3] =	wrdreg s5  }
0x22: {  	[dreg:$0x4] =	wrdreg $0xC0  }
0x23: {  	_ =	task [dreg:s7], $0x5FFFF  }
0x24: {  	[dreg:$0x1] =	wrdreg $0xFFFFFFFF  }
0x25: {  	[dreg:$0x0] =	wrdreg $0x60  }
0x26: {  	[dreg:$0x2] =	wrdreg s25  }
0x27: {  	[dreg:$0x3] =	wrdreg s2  }
0x28: {  	[dreg:$0x4] =	wrdreg $0x9  }
0x29: {  	_ =	task.clear_ibuf [dreg:s7], $0x5FFFF;
	_ =	strace $0x90000046  }
0x2a: {  	s29 =	simm.s32 $0x9;
	_ =	strace $0x80000048  }
0x2b: {  	_ =	swait.ge [sflag:s29], $0x1  }
0x2c: {  	[sflag:s29] =	ssyncadd.s32 $0xFFFFFFFF  }
0x2d: {  	_ =	strace $0x90000048  }
0x2e: {  	_ =	sfence  }
0x2f: {  	s30 =	sld [smem:$0x0];
	_ =	sdelay $0x2  }
0x30: {  	s31 =	sshll.u32 s1, $0xD;
	s1 =	sshrl.u32 s1, $0x2  }
0x31: {  	s3 =	sand.u32 $0x4000, s31;
	s1 =	sadd.s32 s1, s30  }
0x32: {  	s0 =	sor.u32 s3, s0;
	s1 =	sshll.u32 s1, $0x11  }
0x33: {  	s0 =	sor.u32 s1, s0  }
0x34: {  	s0 =	sadd.s32 $0x8F2B, s0  }
0x35: {  	[sflag:s0] =	ssyncadd.remote.s32 $0x1  }
0x36: {  	_ =	sfence.sel $0xFFFF  }
0x37: {  	[dreg:$0x0] =	wrdreg $0xFFFFFFFF;
	(pc) =	sbr.abs _section_cstart, $3  }
0x38: {  	[dreg:$0x1] =	wrdreg $0xFFFFFFFF  }
0x39: {  	_ =	task.clear_ibuf [dreg:s7], $0x2FFFF;
	_ =	strace $0x9FFFFFFF  }
0x3a: {  	(tm) =	ssettm $0x7FFFFFFF  }
0x3b: {  	_ =	shalt  }
tec
execute0_lowered:
.L_overlay_start_1:
0x0: {  	(tag) =	ssettag $0x1  }
0x1: {  	s0 =	rddreg [dreg:$0x0]  }
0x2: {  	s1 =	srdreg.scid;
	s2 =	rddreg [dreg:$0x1];
	_ =	strace $0x80000047  }
0x3: {  	s5 =	simm.s32 $0x1;
	s7 =	simm.s32 $0x2;
	s15 =	simm.s32 $0x0  }
0x4: {  	s8 =	simm.s32 $0x10000;
	s9 =	simm.s32 $0x0;
	s16 =	simm.s32 $0x0  }
0x5: {  	s18 =	simm.s32 $0x0;
	s17 =	simm.s32 $0x0;
	s1 =	sshll.u32 s1, $0x8  }
0x6: {  	s10 =	simm.s32 $0x0;
	s12 =	simm.s32 $0x0;
	s3 =	sand.u32 $0x100, s1  }
.Ltmp0:
0x7: {  	s13 =	stileid.u32;
	s6 =	ssub.s32 $0x2000, s3;
	(pc) =	sbr.rel .LBB1_1-.Ltmp0, $4  }
0x8: {  	s14 =	simm.s32 $0x0;
	s24 =	simm.s32 $0x0;
	s31 =	sshrl.u32 s6, $0x8  }
0x9: {  	s4 =	sadd.s32 $0x11400, s0;
	s6 =	sshrl.u32 s6, $0x9;
	s0 =	sand.u32 $0x1, s31  }
0xa: {  	[sflag:s5] =	ssyncpa.u1 $0x0;
	s1 =	stileid.u32;
	s6 =	sadd.s32 s6, s0  }
0xb: {  	[sflag:s7] =	ssyncpa.u1 $0x0;
	s11 =	smov.u32 s3;
	s7 =	sadd.s32 $0x1, s6  }
.LBB1_7:
0xc: {  	s0 =	sadd.s32 $0x200, s11  }
0xd: {  	s15 =	sadd.s32 $0x8, s10;
	s19 =	smov.u32 s10;
	p1 =	sgt.s32 s0, $0x1FFF  }
0xe: {  	s19 =	smov.u32 @p1 s15  }
0xf: {  	s20 =	smov.u32 s12;
	s15 =	sadd.s32 $0x8, s12;
	p2 =	sgt.s32 s19, $0x7  }
0x10: {  	s20 =	smov.u32 @p2 s15  }
0x11: {  	s21 =	smov.u32 s13;
	s15 =	sadd.s32 $0x10, s13;
	p3 =	sgt.s32 s20, $0x7  }
0x12: {  	p0 =	slt.u32 s14, $0x2;
	s21 =	smov.u32 @p3 s15  }
0x13: {  	s16 =	smov.u32 s10;
	s0 =	smov.u32 @p1 s3;
	p1 =	sgt.s32 s21, $0xF  }
0x14: {  	s22 =	simm.s32 @!p0 $0x2;
	s21 =	smov.u32 @p1 s1;
	p1 =	sne.s32 s14, s7  }
.Ltmp1:
0x15: {  	s18 =	smov.u32 s12;
	_ =	swait.ge @!p0 [sflag:s22], $0x4000;
	(pc) =	sbr.rel @!p1 .LBB1_8-.Ltmp1, $4  }
0x16: {  	s17 =	smov.u32 s13;
	[sflag:s22] =	ssyncset.done @!p0 $0x0;
	s19 =	simm.s32 @p2 $0x0  }
0x17: {  	s9 =	sadd.s32 $0x4000, s9;
	[sflag:s22] =	ssyncadd.s32 @!p0 $0xFFFFC000;
	s10 =	smov.u32 s19  }
0x18: {  	s20 =	simm.s32 @p3 $0x0;
	s15 =	smov.u32 s11;
	s11 =	smov.u32 s0  }
0x19: {  	s12 =	smov.u32 s20;
	s14 =	sadd.s32 $0x1, s14;
	s13 =	smov.u32 s21  }
.LBB1_1:
0x1a: {  	p0 =	sge.u32 s14, s6  }
0x1b: {  	s31 =	sadd.s32 $0xFFFFFFFF, s14;
	s0 =	sxor.u32 @!p0 $0xFFFFFFFF, s14  }
0x1c: {  	s19 =	sshll.u32 @!p0 s10, $0x7;
	s20 =	sand.u32 @!p0 $0x78, s11;
	s21 =	sshll.u32 @!p0 s11, $0x3  }
0x1d: {  	s22 =	sand.u32 @!p0 $0x1C00, s11;
	s0 =	sshll.u32 @!p0 s0, $0xE;
	s19 =	sand.u32 @!p0 $0x380, s19  }
0x1e: {  	s21 =	sand.u32 @!p0 $0x1C00, s21;
	s19 =	sor.u32 @!p0 s19, s20;
	s20 =	sshll.u32 @!p0 s13, $0x10  }
0x1f: {  	s19 =	sor.u32 @!p0 s21, s19;
	s21 =	sshll.u32 @!p0 s12, $0xD;
	s20 =	sadd.s32 @!p0 s4, s20  }
0x20: {  	s0 =	sand.u32 @!p0 $0x4000, s0;
	s20 =	sadd.s32 @!p0 s21, s20;
	s21 =	sand.u32 @!p0 $0x7, s11  }
0x21: {  	s19 =	sshrl.u32 @!p0 s19, $0x3;
	s20 =	sadd.s32 @!p0 s22, s20;
	s21 =	sshll.u32 @!p0 s21, $0x12  }
0x22: {  	s19 =	sadd.s32 @!p0 s19, s20;
	s20 =	sor.u32 @!p0 $0x800, s21;
	s21 =	simm.s32 @!p0 $0x10000  }
0x23: {  	[tilespmem:s0], [sflag:$0x1] =	stream.strided.gather @!p0 [hbm4b:s19+s20], $0x4000, s21, s20, $0x38;
	[tilespmem:$0x10000] =	vst v63  }
0x24: {  	p0 =	sge.u32 s31, s6  }
.Ltmp2:
0x25: {  	_ = 	snop;
	(pc) =	sbr.rel @p0 .LBB1_7-.Ltmp2, $1  }
0x26: {  	_ =	sdelay $0x3  }
0x27: {  	s0 =	sshll.u32 s9, $0x2;
	_ =	swait.ge [sflag:s5], $0x4000;
	s19 =	sshll.u32 s14, $0xE  }
0x28: {  	p0 =	por $0x0, $0x0;
	s25 =	simm.s32 $0x0;
	s26 =	simm.s32 $0x0  }
0x29: {  	s0 =	sand.u32 $0x10000, s0;
	[sflag:s5] =	ssyncset.done $0x0;
	s22 =	sand.u32 $0x4000, s19  }
0x2a: {  	s0 =	sshrl.u32 s0, $0x2;
	[sflag:s5] =	ssyncadd.s32 $0xFFFFC000;
	s19 =	sor.u32 $0x8000, s22  }
0x2b: {  	s20 =	sor.u32 $0x40, s0;
	s21 =	sor.u32 $0x8410, s0;
	s23 =	sadd.s32 $0x8400, s0  }
.LBB1_3:
0x2c: {  	v1 =	vld [tilespmem:s20+$0xFFFFFFD0]  }
0x2d: {  	v2 =	vld [tilespmem:s20+$0x430]  }
0x2e: {  	s0 =	sshll.u32 s26, $0xB;
	v4 =	vld [tilespmem:s20+$0xFFFFFFE0]  }
0x2f: {  	v7 =	vld [tilespmem:s20+$0xFFFFFFF0];
	v0 =	vmov s0  }
0x30: {  	v8 =	vld [tilespmem:s20+$0x0]  }
0x31: {  	v9 =	vld [tilespmem:s20+$0x10];
	s0 =	sand.u32 $0x300, s24  }
0x32: {  	s27 =	sand.u32 $0x80, s24;
	v10 =	vld [tilespmem:s20+$0x20];
	s0 =	sadd.s32 s0, s22  }
0x33: {  	v11 =	vld [tilespmem:s20+$0x30];
	s0 =	sadd.s32 s27, s0;
	s27 =	simm.s32 $0x1;
	[tilespmem:s21+$0x60] =	vst v2  }
0x34: {  	s27 =	simm.s32 @!p0 $0x0;
	[tilespmem:s21+$0xFFFFFC00] =	vst v1;
	v3 =	vld.idx.msk [tilespmem:v0+s0+$0x400 ss:$0x1], $0xffff;
	s0 =	sshll.u32 s25, $0x2  }
0x35: {  	v6 =	vld [tilespmem:s20+$0x3D0];
	s27 =	sshll.u32 s27, $0x9;
	[tilespmem:s21+$0xFFFFFC10] =	vst v4;
	s0 =	sand.u32 $0xFFFFFC00, s0  }
0x36: {  	v5 =	vld [tilespmem:s20+$0x3E0];
	[tilespmem:s21+$0xFFFFFC20] =	vst v7;
	s0 =	sor.u32 s27, s0  }
0x37: {  	[tilespmem:s21+$0xFFFFFC30] =	vst v8;
	v4 =	vld [tilespmem:s20+$0x400];
	s0 =	sshrl.u32 s0, $0x2  }
0x38: {  	[tilespmem:s21+$0xFFFFFC40] =	vst v9;
	v1 =	vld [tilespmem:s20+$0x410];
	s27 =	sadd.s32 s0, s23  }
0x39: {  	[tilespmem:s27+$0x0] =	vst v3;
	v3 =	vld [tilespmem:s20+$0x3F0]  }
0x3a: {  	s31 =	simm.s32 $0x80;
	s30 =	simm.s32 $0x100;
	[tilespmem:s21+$0xFFFFFC50] =	vst v10;
	v2 =	vld [tilespmem:s20+$0x420]  }
0x3b: {  	s28 =	sadd.s32 $0x80, s20;
	s29 =	smov.u32 s21;
	v7 =	vld [tilespmem:s20+$0xFFFFFFC0];
	[tilespmem:s21+$0xFFFFFC60] =	vst v11;
	s0 =	sand.u32 $0x300, s31  }
.LBB1_4:
0x3c: {  	p1 =	sne.s32 s30, $0x380;
	v8 =	vld [tilespmem:s28+$0xFFFFFFD0];
	s31 =	sand.u32 $0x80, s31;
	s0 =	sadd.s32 s0, s22;
	[tilespmem:s29+$0x0] =	vst v6  }
0x3d: {  	s0 =	sadd.s32 s31, s0;
	v6 =	vld [tilespmem:s28+$0x430];
	[tilespmem:s29+$0x10] =	vst v5;
	s31 =	smov.u32 s30  }
0x3e: {  	v5 =	vld.idx.msk [tilespmem:v0+s0+$0x400 ss:$0x1], $0xffff;
	[tilespmem:s29+$0x20] =	vst v3  }
0x3f: {  	v3 =	vld [tilespmem:s28+$0xFFFFFFE0];
	[tilespmem:s29+$0x30] =	vst v4  }
0x40: {  	v4 =	vld [tilespmem:s28+$0xFFFFFFF0];
	[tilespmem:s29+$0xFFFFFBF0] =	vst v7  }
0x41: {  	v7 =	vld [tilespmem:s28+$0x0];
	[tilespmem:s29+$0x40] =	vst v1  }
0x42: {  	v1 =	vld [tilespmem:s28+$0x10];
	[tilespmem:s29+$0x50] =	vst v2;
	s29 =	sadd.s32 $0x800, s29  }
0x43: {  	s27 =	sadd.s32 $0x800, s27;
	v2 =	vld [tilespmem:s28+$0x20];
	[tilespmem:s29+$0x60] =	vst v6  }
0x44: {  	v9 =	vld [tilespmem:s28+$0x30];
	[tilespmem:s27+$0x0] =	vst v5  }
0x45: {  	[tilespmem:s29+$0xFFFFFC00] =	vst v8;
	v6 =	vld [tilespmem:s28+$0x3D0]  }
0x46: {  	[tilespmem:s29+$0xFFFFFC10] =	vst v3;
	v5 =	vld [tilespmem:s28+$0x3E0]  }
.Ltmp3:
0x47: {  	[tilespmem:s29+$0xFFFFFC20] =	vst v4;
	v3 =	vld [tilespmem:s28+$0x3F0];
	(pc) =	sbr.rel @p1 .LBB1_4-.Ltmp3, $4  }
0x48: {  	[tilespmem:s29+$0xFFFFFC30] =	vst v7;
	v4 =	vld [tilespmem:s28+$0x400]  }
0x49: {  	[tilespmem:s29+$0xFFFFFC40] =	vst v1;
	v1 =	vld [tilespmem:s28+$0x410]  }
0x4a: {  	[tilespmem:s29+$0xFFFFFC50] =	vst v2;
	v2 =	vld [tilespmem:s28+$0x420]  }
0x4b: {  	s30 =	sadd.s32 $0x80, s30;
	s0 =	sand.u32 $0x300, s31;
	v7 =	vld [tilespmem:s28+$0xFFFFFFC0];
	[tilespmem:s29+$0xFFFFFC60] =	vst v9;
	s28 =	sadd.s32 $0x80, s28  }
0x4c: {  	[tilespmem:s29+$0x0] =	vst v6  }
0x4d: {  	[tilespmem:s29+$0x10] =	vst v5  }
0x4e: {  	v49 =	vld [tilespmem:s28+$0x430];
	[tilespmem:s29+$0x20] =	vst v3  }
0x4f: {  	v50 =	vld [tilespmem:s28+$0xFFFFFFD0];
	[tilespmem:s29+$0x30] =	vst v4  }
0x50: {  	v51 =	vld [tilespmem:s28+$0xFFFFFFE0];
	[tilespmem:s29+$0x40] =	vst v1  }
0x51: {  	v52 =	vld [tilespmem:s28+$0xFFFFFFF0];
	[tilespmem:s29+$0x50] =	vst v2  }
0x52: {  	s30 =	sand.u32 $0x80, s31;
	s31 =	sadd.s32 $0x800, s29;
	v53 =	vld [tilespmem:s28+$0x0];
	[tilespmem:s29+$0xFFFFFBF0] =	vst v7  }
0x53: {  	v54 =	vld [tilespmem:s28+$0x10];
	[tilespmem:s31+$0x60] =	vst v49  }
0x54: {  	v55 =	vld [tilespmem:s28+$0x20];
	[tilespmem:s31+$0xFFFFFC00] =	vst v50  }
0x55: {  	v56 =	vld [tilespmem:s28+$0x30];
	[tilespmem:s31+$0xFFFFFC10] =	vst v51  }
0x56: {  	v57 =	vld [tilespmem:s28+$0x3D0];
	[tilespmem:s31+$0xFFFFFC20] =	vst v52  }
0x57: {  	v58 =	vld [tilespmem:s28+$0x3E0];
	[tilespmem:s31+$0xFFFFFC30] =	vst v53  }
0x58: {  	v59 =	vld [tilespmem:s28+$0x3F0];
	[tilespmem:s31+$0xFFFFFC40] =	vst v54  }
0x59: {  	v60 =	vld [tilespmem:s28+$0x400];
	[tilespmem:s31+$0xFFFFFC50] =	vst v55  }
0x5a: {  	v61 =	vld [tilespmem:s28+$0xFFFFFFC0];
	[tilespmem:s31+$0xFFFFFC60] =	vst v56  }
0x5b: {  	s0 =	sadd.s32 s0, s22;
	v62 =	vld [tilespmem:s28+$0x410];
	[tilespmem:s31+$0x0] =	vst v57  }
0x5c: {  	v63 =	vld [tilespmem:s28+$0x420];
	s26 =	sadd.s32 $0x1, s26;
	s0 =	sadd.s32 s30, s0;
	[tilespmem:s31+$0x10] =	vst v58  }
0x5d: {  	p1 =	sne.s32 s26, $0x8;
	v0 =	vld.idx.msk [tilespmem:v0+s0+$0x400 ss:$0x1], $0xffff;
	[tilespmem:s31+$0x20] =	vst v59  }
.Ltmp4:
0x5e: {  	[tilespmem:s31+$0x30] =	vst v60;
	(pc) =	sbr.rel @p1 .LBB1_3-.Ltmp4, $4  }
0x5f: {  	[tilespmem:s31+$0xFFFFFBF0] =	vst v61  }
0x60: {  	[tilespmem:s31+$0x40] =	vst v62  }
0x61: {  	s27 =	sadd.s32 $0x800, s27;
	s20 =	sadd.s32 $0x800, s20;
	[tilespmem:s31+$0x50] =	vst v63  }
0x62: {  	s25 =	sadd.s32 $0x80, s25;
	p0 =	por !p0, !p0;
	s21 =	sadd.s32 $0x80, s21;
	[tilespmem:s27+$0x0] =	vst v0  }
0x63: {  	s0 =	sshll.u32 s18, $0x7;
	s29 =	sand.u32 $0x78, s15  }
0x64: {  	s20 =	sshll.u32 s15, $0x3;
	s17 =	sshll.u32 s17, $0x10;
	s16 =	sshll.u32 s16, $0xD  }
0x65: {  	s30 =	sand.u32 $0x1C00, s15;
	s0 =	sand.u32 $0x380, s0;
	s20 =	sand.u32 $0x1C00, s20  }
.Ltmp5:
0x66: {  	s17 =	sadd.s32 s2, s17;
	s0 =	sor.u32 s0, s29;
	(pc) =	sbr.rel .LBB1_7-.Ltmp5, $4  }
0x67: {  	s31 =	sand.u32 $0x7, s15;
	s16 =	sadd.s32 s16, s17;
	s0 =	sor.u32 s20, s0  }
0x68: {  	s15 =	sshll.u32 s31, $0x12;
	s16 =	sadd.s32 s30, s16;
	s0 =	sshrl.u32 s0, $0x3  }
0x69: {  	s15 =	sor.u32 $0x800, s15;
	s0 =	sadd.s32 s0, s16  }
0x6a: {  	[hbm4b:s0+s15] =	stream.strided.scatter [tilespmem:s19], [sflag:$0x2], $0x4000, s8, s15, $0x38;
	[tilespmem:$0x10000] =	vst v63  }
.LBB1_8:
0x6b: {  	_ =	sfence.sel $0x180000  }
0x6c: {  	s0 =	simm.s32 $0x1;
	[bflag:$0x0] =	sbarrier.arrive $0xFFFF  }
0x6d: {  	s31 =	simm.s32 $0x2;
	[sflag:s0] =	ssyncpa.u1 $0x1  }
0x6e: {  	[sflag:s31] =	ssyncpa.u1 $0x1  }
0x6f: {  	_ =	strace $0x90000047  }
0x70: {  	[bflag:$0x2] =	sbarrier.arrive $0xFFFF  }
0x71: {  	p0 =	sne.s32 s1, $0x0;
	s0 =	rddreg [dreg:$0x2]  }
0x72: {  	s0 =	sadd.s32 @!p0 $0x100000, s0  }
0x73: {  	[sflag:s0] =	ssyncadd.tile.s32 @!p0 $0x1;
	_ =	shalt  }
.Lfunc_end1:
_tile_overlayer_lowered:
.L_overlay_start_2:
0x74: {  	(tag) =	ssettag $0x2  }
0x75: {  	s0 =	rddreg [dreg:$0x0];
	s2 =	stileid.u32  }
0x76: {  	s1 =	rddreg [dreg:$0x1];
	p0 =	sne.s32 s2, $0x0  }
0x77: {  	s3 =	rddreg [dreg:$0x2];
	[bflag:$0x3] =	sbarrier.arrive $0xFFFF;
	s2 =	simm.s32 @!p0 $0x1C01  }
0x78: {  	[timem:s3], [sflag:s2] =	dma.local @!p0 [hbm:s0], s1  }
0x79: {  	s0 =	simm.s32 @!p0 $0x1  }
0x7a: {  	_ =	swait.ge @!p0 [sflag:s0], s1  }
0x7b: {  	s1 =	ssub.s32 @!p0 $0x0, s1;
	[sflag:s0] =	ssyncset.done @!p0 $0x0  }
0x7c: {  	[sflag:s0] =	ssyncadd.s32 @!p0 s1  }
0x7d: {  	[bflag:$0x3] =	sbarrier.arrive $0xFFFF  }
0x7e: {  	_ =	shalt  }

// kernel: sparse-core-data-format-call.cloned.1.call-start
scs
called_computation_lowered:
.L_overlay_start_0:
0x0: {  	s2 =	sld [smem:$0x3FD9]  }
0x1: {  	s3 =	sld [smem:$0x3FFE];
	_ =	sdelay $0x1  }
0x2: {  	s1 =	srdreg.scid  }
0x3: {  	s0 =	sand.u32 $0x1, s1  }
0x4: {  	s18 =	sshll.u32 s0, $0xA;
	s2 =	sadd.s32 s3, s2  }
0x5: {  	s2 =	sadd.s32 s2, s18  }
0x6: {  	[smem:$0x3FA6] =	sst s2  }
0x7: {  	_ = 	snop  }
0x8: {  	s2 =	sld [smem:$0x3FD0];
	(tm) =	ssettm $0x1  }
0x9: {  	s19 =	sld [smem:$0x3FFB];
	_ =	sdelay $0x3  }
0xa: {  	_ =	strace s19  }
0xb: {  	s3 =	sld [smem:$0x3FFC];
	_ =	sdelay $0x3  }
0xc: {  	_ =	strace s3  }
0xd: {  	s3 =	sld [smem:$0x3FFD];
	_ =	sdelay $0x3  }
0xe: {  	_ =	strace s3  }
0xf: {  	_ =	strace $0x8FFFFFFF  }
0x10: {  	s20 =	sld [smem:$0x3FDB];
	_ =	sdelay $0x1  }
0x11: {  	s4 =	simm.s32 $_scs_section_size  }
0x12: {  	s5 =	simm.s32 $_size__tile_overlayer_lowered;
	s6 =	simm.s32 $_tile_overlayer_lowered  }
0x13: {  	s23 =	simm.s32 $0x1BFF;
	s22 =	sshll.u32 s6, $0x1;
	s3 =	sadd.s32 s4, s20  }
0x14: {  	s7 =	simm.s32 $0x0;
	s21 =	sshll.u32 s5, $0x1;
	s5 =	sadd.s32 s22, s3  }
0x15: {  	[timem:s7], [sflag:s23] =	dma.local [hbm:s5], s21  }
0x16: {  	_ =	swait.ge [sflag:s23], s21  }
0x17: {  	s4 =	ssub.s32 $0x0, s21;
	[sflag:s23] =	ssyncset.done $0x0  }
0x18: {  	[sflag:s23] =	ssyncadd.s32 s4;
	_ =	sdelay $0x1  }
0x19: {  	s24 =	simm.s32 $0x1B8B  }
0x1a: {  	_ =	swait.ge [sflag:s24], $0x1  }
0x1b: {  	[sflag:s24] =	ssyncset.done $0x0  }
0x1c: {  	s26 =	simm.s32 $0x1B8E;
	s25 =	sld [smem:$0x3FFE];
	[sflag:s24] =	ssyncadd.s32 $0xFFFFFFFF  }
0x1d: {  	s27 =	simm.s32 $execute0_lowered;
	[smem:$0x3FD2] =	sst s26  }
0x1e: {  	s5 =	sshll.u32 s27, $0x1;
	_ =	strace $0x8000004F;
	[dreg:$0x1] =	wrdreg $0xFFFFFFFF  }
0x1f: {  	s28 =	simm.s32 $_size_execute0_lowered;
	s3 =	sadd.s32 s3, s5;
	[dreg:$0x0] =	wrdreg $0x0  }
0x20: {  	s5 =	sshll.u32 s28, $0x1;
	[dreg:$0x2] =	wrdreg s3  }
0x21: {  	[dreg:$0x3] =	wrdreg s5  }
0x22: {  	[dreg:$0x4] =	wrdreg $0xC0  }
0x23: {  	_ =	task [dreg:s7], $0x5FFFF  }
0x24: {  	[dreg:$0x1] =	wrdreg $0xFFFFFFFF  }
0x25: {  	[dreg:$0x0] =	wrdreg $0x60  }
0x26: {  	[dreg:$0x2] =	wrdreg s2  }
0x27: {  	[dreg:$0x3] =	wrdreg s25  }
0x28: {  	[dreg:$0x4] =	wrdreg $0x9  }
0x29: {  	_ =	task.clear_ibuf [dreg:s7], $0x5FFFF;
	_ =	strace $0x9000004F  }
0x2a: {  	s29 =	simm.s32 $0x9;
	_ =	strace $0x80000051  }
0x2b: {  	_ =	swait.ge [sflag:s29], $0x1  }
0x2c: {  	[sflag:s29] =	ssyncadd.s32 $0xFFFFFFFF  }
0x2d: {  	_ =	strace $0x90000051  }
0x2e: {  	_ =	sfence  }
0x2f: {  	s30 =	sld [smem:$0x0];
	_ =	sdelay $0x2  }
0x30: {  	s31 =	sshll.u32 s1, $0xD;
	s1 =	sshrl.u32 s1, $0x2  }
0x31: {  	s3 =	sand.u32 $0x4000, s31;
	s1 =	sadd.s32 s1, s30  }
0x32: {  	s0 =	sor.u32 s3, s0;
	s1 =	sshll.u32 s1, $0x11  }
0x33: {  	s0 =	sor.u32 s1, s0  }
0x34: {  	s0 =	sadd.s32 $0x8F2B, s0  }
0x35: {  	[sflag:s0] =	ssyncadd.remote.s32 $0x1  }
0x36: {  	_ =	sfence.sel $0xFFFF  }
0x37: {  	[dreg:$0x0] =	wrdreg $0xFFFFFFFF;
	(pc) =	sbr.abs _section_cstart, $3  }
0x38: {  	[dreg:$0x1] =	wrdreg $0xFFFFFFFF  }
0x39: {  	_ =	task.clear_ibuf [dreg:s7], $0x2FFFF;
	_ =	strace $0x9FFFFFFF  }
0x3a: {  	(tm) =	ssettm $0x7FFFFFFF  }
0x3b: {  	_ =	shalt  }
tec
execute0_lowered:
.L_overlay_start_1:
0x0: {  	(tag) =	ssettag $0x1  }
0x1: {  	s2 =	rddreg [dreg:$0x0]  }
0x2: {  	s1 =	rddreg [dreg:$0x1]  }
0x3: {  	s0 =	rddreg [dreg:$0x2]  }
0x4: {  	_ =	strace $0x80000050;
	s4 =	srdreg.scid;
	s6 =	simm.s32 $0x2  }
0x5: {  	s12 =	simm.s32 $0x0;
	p0 =	por $0x0, $0x0;
	s13 =	simm.s32 $0x0  }
0x6: {  	s15 =	simm.s32 $0x0;
	s14 =	simm.s32 $0x0;
	s8 =	simm.s32 $0x0  }
.Ltmp0:
0x7: {  	s9 =	simm.s32 $0x0;
	s10 =	simm.s32 $0x0;
	(pc) =	sbr.rel .LBB1_1-.Ltmp0, $4  }
0x8: {  	s7 =	simm.s32 $0x0;
	s3 =	sadd.s32 $0xA1C00, s1;
	s5 =	sshll.u32 s4, $0x4  }
0x9: {  	s1 =	stileid.u32;
	s4 =	simm.s32 $0x1;
	s5 =	sand.u32 $0x10, s5  }
0xa: {  	s21 =	simm.s32 $0x0;
	[sflag:s4] =	ssyncpa.u1 $0x0;
	s5 =	sor.u32 s1, s5  }
0xb: {  	[sflag:s6] =	ssyncpa.u1 $0x0;
	s6 =	simm.s32 $0x10000;
	s11 =	smov.u32 s5  }
.LBB1_7:
0xc: {  	s16 =	sadd.s32 $0x100, s8  }
0xd: {  	s12 =	sadd.s32 $0x8, s9;
	s17 =	smov.u32 s9;
	p2 =	sgt.s32 s16, $0x1FFF  }
0xe: {  	s17 =	smov.u32 @p2 s12  }
0xf: {  	s18 =	smov.u32 s10;
	s12 =	sadd.s32 $0x8, s10;
	p3 =	sgt.s32 s17, $0x7  }
0x10: {  	s18 =	smov.u32 @p3 s12  }
0x11: {  	s19 =	smov.u32 s11;
	s12 =	sadd.s32 $0x20, s11;
	p4 =	sgt.s32 s18, $0x7  }
0x12: {  	p1 =	slt.u32 s7, $0x2;
	s19 =	smov.u32 @p4 s12  }
0x13: {  	s7 =	sadd.s32 $0x1, s7;
	s16 =	simm.s32 @p2 $0x0;
	p2 =	sgt.s32 s19, $0x7F  }
0x14: {  	s20 =	simm.s32 @!p1 $0x2;
	s19 =	smov.u32 @p2 s5;
	p2 =	sne.s32 s7, $0x82  }
.Ltmp1:
0x15: {  	s13 =	smov.u32 s9;
	_ =	swait.ge @!p1 [sflag:s20], $0x4000;
	(pc) =	sbr.rel @!p2 .LBB1_8-.Ltmp1, $4  }
0x16: {  	s15 =	smov.u32 s10;
	s14 =	smov.u32 s11;
	[sflag:s20] =	ssyncset.done @!p1 $0x0  }
0x17: {  	p0 =	por !p0, !p0;
	s17 =	simm.s32 @p3 $0x0;
	[sflag:s20] =	ssyncadd.s32 @!p1 $0xFFFFC000  }
0x18: {  	s9 =	smov.u32 s17;
	s18 =	simm.s32 @p4 $0x0;
	s12 =	smov.u32 s8  }
0x19: {  	s8 =	smov.u32 s16;
	s10 =	smov.u32 s18;
	s11 =	smov.u32 s19  }
.LBB1_1:
0x1a: {  	p1 =	sgt.u32 s7, $0x7F  }
0x1b: {  	s16 =	sxor.u32 @!p1 $0xFFFFFFFF, s7  }
0x1c: {  	s17 =	sshll.u32 @!p1 s9, $0x7;
	s18 =	sand.u32 @!p1 $0x78, s8;
	s19 =	sshll.u32 @!p1 s8, $0x3  }
0x1d: {  	s20 =	sand.u32 @!p1 $0x1C00, s8;
	s16 =	sshll.u32 @!p1 s16, $0xE;
	s17 =	sand.u32 @!p1 $0x380, s17  }
0x1e: {  	s19 =	sand.u32 @!p1 $0x1C00, s19;
	s17 =	sor.u32 @!p1 s17, s18;
	s18 =	sshll.u32 @!p1 s11, $0x10  }
0x1f: {  	s17 =	sor.u32 @!p1 s19, s17;
	s19 =	sshll.u32 @!p1 s10, $0xD;
	s18 =	sadd.s32 @!p1 s2, s18  }
0x20: {  	s16 =	sand.u32 @!p1 $0x4000, s16;
	s18 =	sadd.s32 @!p1 s19, s18;
	s19 =	sand.u32 @!p1 $0x7, s8  }
0x21: {  	s17 =	sshrl.u32 @!p1 s17, $0x3;
	s18 =	sadd.s32 @!p1 s20, s18;
	s19 =	sshll.u32 @!p1 s19, $0x12  }
0x22: {  	s17 =	sadd.s32 @!p1 s17, s18;
	s18 =	sor.u32 @!p1 $0x800, s19;
	s19 =	simm.s32 @!p1 $0x10000  }
0x23: {  	[tilespmem:s16], [sflag:$0x1] =	stream.strided.gather @!p1 [hbm4b:s17+s18], $0x4000, s19, s18, $0x38;
	[tilespmem:$0x10000] =	vst v63  }
0x24: {  	p1 =	seq.s32 s7, $0x0  }
0x25: {  	p2 =	seq.s32 @!p1 s7, $0x81  }
0x26: {  	p1 =	por p1, p2  }
.Ltmp2:
0x27: {  	_ = 	snop;
	(pc) =	sbr.rel @p1 .LBB1_7-.Ltmp2, $1  }
0x28: {  	_ =	sdelay $0x3  }
0x29: {  	s16 =	simm.s32 $0x1  }
0x2a: {  	_ =	swait.ge [sflag:s4], $0x4000;
	s31 =	sshll.u32 s7, $0xE;
	p1 =	por $0x0, $0x0  }
0x2b: {  	s22 =	simm.s32 $0x0;
	s23 =	simm.s32 $0x0;
	s16 =	simm.s32 @!p0 $0x0  }
0x2c: {  	[sflag:s4] =	ssyncset.done $0x0;
	s19 =	sand.u32 $0x4000, s31;
	s16 =	sshll.u32 s16, $0x10  }
0x2d: {  	[sflag:s4] =	ssyncadd.s32 $0xFFFFC000;
	s20 =	sshrl.u32 s16, $0x2;
	s16 =	sor.u32 $0x8000, s19  }
0x2e: {  	s17 =	sor.u32 $0x40, s20;
	s18 =	sor.u32 $0x8410, s20;
	s20 =	sadd.s32 $0x8400, s20  }
.LBB1_3:
0x2f: {  	v1 =	vld [tilespmem:s17+$0xFFFFFFD0]  }
0x30: {  	v2 =	vld [tilespmem:s17+$0x430]  }
0x31: {  	s24 =	sshll.u32 s23, $0xB;
	v4 =	vld [tilespmem:s17+$0xFFFFFFE0]  }
0x32: {  	v7 =	vld [tilespmem:s17+$0xFFFFFFF0];
	v0 =	vmov s24  }
0x33: {  	v8 =	vld [tilespmem:s17+$0x0]  }
0x34: {  	s30 =	sand.u32 $0x300, s21;
	v9 =	vld [tilespmem:s17+$0x10]  }
0x35: {  	s25 =	sand.u32 $0x80, s21;
	v10 =	vld [tilespmem:s17+$0x20];
	s24 =	sadd.s32 s30, s19  }
0x36: {  	v11 =	vld [tilespmem:s17+$0x30];
	s24 =	sadd.s32 s25, s24;
	s25 =	simm.s32 $0x1;
	[tilespmem:s18+$0x60] =	vst v2  }
0x37: {  	s31 =	sshll.u32 s22, $0x2;
	s25 =	simm.s32 @!p1 $0x0;
	[tilespmem:s18+$0xFFFFFC00] =	vst v1;
	v3 =	vld.idx.msk [tilespmem:v0+s24+$0x400 ss:$0x1], $0xffff  }
0x38: {  	v6 =	vld [tilespmem:s17+$0x3D0];
	s25 =	sshll.u32 s25, $0x9;
	[tilespmem:s18+$0xFFFFFC10] =	vst v4;
	s24 =	sand.u32 $0xFFFFFC00, s31  }
0x39: {  	v5 =	vld [tilespmem:s17+$0x3E0];
	[tilespmem:s18+$0xFFFFFC20] =	vst v7;
	s24 =	sor.u32 s25, s24  }
0x3a: {  	[tilespmem:s18+$0xFFFFFC30] =	vst v8;
	v4 =	vld [tilespmem:s17+$0x400];
	s24 =	sshrl.u32 s24, $0x2  }
0x3b: {  	[tilespmem:s18+$0xFFFFFC40] =	vst v9;
	v1 =	vld [tilespmem:s17+$0x410];
	s24 =	sadd.s32 s24, s20  }
0x3c: {  	[tilespmem:s24+$0x0] =	vst v3;
	v3 =	vld [tilespmem:s17+$0x3F0]  }
0x3d: {  	s28 =	simm.s32 $0x80;
	s27 =	simm.s32 $0x100;
	[tilespmem:s18+$0xFFFFFC50] =	vst v10;
	v2 =	vld [tilespmem:s17+$0x420]  }
0x3e: {  	s26 =	smov.u32 s18;
	s29 =	sand.u32 $0x300, s28;
	v7 =	vld [tilespmem:s17+$0xFFFFFFC0];
	[tilespmem:s18+$0xFFFFFC60] =	vst v11;
	s25 =	sadd.s32 $0x80, s17  }
.LBB1_4:
0x3f: {  	p2 =	sne.s32 s27, $0x380;
	v8 =	vld [tilespmem:s25+$0xFFFFFFD0];
	s28 =	sand.u32 $0x80, s28;
	s29 =	sadd.s32 s29, s19;
	[tilespmem:s26+$0x0] =	vst v6  }
0x40: {  	s29 =	sadd.s32 s28, s29;
	v6 =	vld [tilespmem:s25+$0x430];
	[tilespmem:s26+$0x10] =	vst v5;
	s28 =	smov.u32 s27  }
0x41: {  	v5 =	vld.idx.msk [tilespmem:v0+s29+$0x400 ss:$0x1], $0xffff;
	[tilespmem:s26+$0x20] =	vst v3  }
0x42: {  	v3 =	vld [tilespmem:s25+$0xFFFFFFE0];
	[tilespmem:s26+$0x30] =	vst v4  }
0x43: {  	v4 =	vld [tilespmem:s25+$0xFFFFFFF0];
	[tilespmem:s26+$0xFFFFFBF0] =	vst v7  }
0x44: {  	v7 =	vld [tilespmem:s25+$0x0];
	[tilespmem:s26+$0x40] =	vst v1  }
0x45: {  	v1 =	vld [tilespmem:s25+$0x10];
	[tilespmem:s26+$0x50] =	vst v2;
	s26 =	sadd.s32 $0x800, s26  }
0x46: {  	s24 =	sadd.s32 $0x800, s24;
	v2 =	vld [tilespmem:s25+$0x20];
	[tilespmem:s26+$0x60] =	vst v6  }
0x47: {  	v9 =	vld [tilespmem:s25+$0x30];
	[tilespmem:s24+$0x0] =	vst v5  }
0x48: {  	[tilespmem:s26+$0xFFFFFC00] =	vst v8;
	v6 =	vld [tilespmem:s25+$0x3D0]  }
0x49: {  	[tilespmem:s26+$0xFFFFFC10] =	vst v3;
	v5 =	vld [tilespmem:s25+$0x3E0]  }
.Ltmp3:
0x4a: {  	[tilespmem:s26+$0xFFFFFC20] =	vst v4;
	v3 =	vld [tilespmem:s25+$0x3F0];
	(pc) =	sbr.rel @p2 .LBB1_4-.Ltmp3, $4  }
0x4b: {  	[tilespmem:s26+$0xFFFFFC30] =	vst v7;
	v4 =	vld [tilespmem:s25+$0x400]  }
0x4c: {  	[tilespmem:s26+$0xFFFFFC40] =	vst v1;
	v1 =	vld [tilespmem:s25+$0x410]  }
0x4d: {  	[tilespmem:s26+$0xFFFFFC50] =	vst v2;
	v2 =	vld [tilespmem:s25+$0x420]  }
0x4e: {  	s27 =	sadd.s32 $0x80, s27;
	s29 =	sand.u32 $0x300, s28;
	v7 =	vld [tilespmem:s25+$0xFFFFFFC0];
	[tilespmem:s26+$0xFFFFFC60] =	vst v9;
	s25 =	sadd.s32 $0x80, s25  }
0x4f: {  	[tilespmem:s26+$0x0] =	vst v6  }
0x50: {  	[tilespmem:s26+$0x10] =	vst v5  }
0x51: {  	v49 =	vld [tilespmem:s25+$0x430];
	[tilespmem:s26+$0x20] =	vst v3  }
0x52: {  	v50 =	vld [tilespmem:s25+$0xFFFFFFD0];
	[tilespmem:s26+$0x30] =	vst v4  }
0x53: {  	v51 =	vld [tilespmem:s25+$0xFFFFFFE0];
	[tilespmem:s26+$0x40] =	vst v1  }
0x54: {  	v52 =	vld [tilespmem:s25+$0xFFFFFFF0];
	[tilespmem:s26+$0x50] =	vst v2  }
0x55: {  	s31 =	sadd.s32 $0x800, s26;
	v53 =	vld [tilespmem:s25+$0x0];
	[tilespmem:s26+$0xFFFFFBF0] =	vst v7  }
0x56: {  	v54 =	vld [tilespmem:s25+$0x10];
	[tilespmem:s31+$0x60] =	vst v49  }
0x57: {  	v55 =	vld [tilespmem:s25+$0x20];
	[tilespmem:s31+$0xFFFFFC00] =	vst v50  }
0x58: {  	v56 =	vld [tilespmem:s25+$0x30];
	[tilespmem:s31+$0xFFFFFC10] =	vst v51  }
0x59: {  	v57 =	vld [tilespmem:s25+$0x3D0];
	[tilespmem:s31+$0xFFFFFC20] =	vst v52  }
0x5a: {  	v58 =	vld [tilespmem:s25+$0x3E0];
	[tilespmem:s31+$0xFFFFFC30] =	vst v53  }
0x5b: {  	v59 =	vld [tilespmem:s25+$0x3F0];
	[tilespmem:s31+$0xFFFFFC40] =	vst v54  }
0x5c: {  	v60 =	vld [tilespmem:s25+$0x400];
	[tilespmem:s31+$0xFFFFFC50] =	vst v55  }
0x5d: {  	v61 =	vld [tilespmem:s25+$0xFFFFFFC0];
	[tilespmem:s31+$0xFFFFFC60] =	vst v56  }
0x5e: {  	s27 =	sand.u32 $0x80, s28;
	s30 =	sadd.s32 s29, s19;
	v62 =	vld [tilespmem:s25+$0x410];
	[tilespmem:s31+$0x0] =	vst v57  }
0x5f: {  	v63 =	vld [tilespmem:s25+$0x420];
	s23 =	sadd.s32 $0x1, s23;
	s27 =	sadd.s32 s27, s30;
	[tilespmem:s31+$0x10] =	vst v58  }
0x60: {  	p2 =	sne.s32 s23, $0x8;
	v0 =	vld.idx.msk [tilespmem:v0+s27+$0x400 ss:$0x1], $0xffff;
	[tilespmem:s31+$0x20] =	vst v59  }
.Ltmp4:
0x61: {  	[tilespmem:s31+$0x30] =	vst v60;
	(pc) =	sbr.rel @p2 .LBB1_3-.Ltmp4, $4  }
0x62: {  	[tilespmem:s31+$0xFFFFFBF0] =	vst v61  }
0x63: {  	[tilespmem:s31+$0x40] =	vst v62  }
0x64: {  	s24 =	sadd.s32 $0x800, s24;
	s17 =	sadd.s32 $0x800, s17;
	[tilespmem:s31+$0x50] =	vst v63  }
0x65: {  	s22 =	sadd.s32 $0x80, s22;
	p1 =	por !p1, !p1;
	s18 =	sadd.s32 $0x80, s18;
	[tilespmem:s24+$0x0] =	vst v0  }
0x66: {  	s15 =	sshll.u32 s15, $0x7;
	s17 =	sand.u32 $0x78, s12  }
0x67: {  	s18 =	sshll.u32 s12, $0x3;
	s14 =	sshll.u32 s14, $0x10;
	s13 =	sshll.u32 s13, $0xD  }
0x68: {  	s29 =	sand.u32 $0x1C00, s12;
	s15 =	sand.u32 $0x380, s15;
	s18 =	sand.u32 $0x1C00, s18  }
.Ltmp5:
0x69: {  	s14 =	sadd.s32 s3, s14;
	s15 =	sor.u32 s15, s17;
	(pc) =	sbr.rel .LBB1_7-.Ltmp5, $4  }
0x6a: {  	s30 =	sand.u32 $0x7, s12;
	s13 =	sadd.s32 s13, s14;
	s15 =	sor.u32 s18, s15  }
0x6b: {  	s12 =	sshll.u32 s30, $0x12;
	s13 =	sadd.s32 s29, s13;
	s31 =	sshrl.u32 s15, $0x3  }
0x6c: {  	s12 =	sor.u32 $0x800, s12;
	s13 =	sadd.s32 s31, s13  }
0x6d: {  	[hbm4b:s13+s12] =	stream.strided.scatter [tilespmem:s16], [sflag:$0x2], $0x4000, s6, s12, $0x38;
	[tilespmem:$0x10000] =	vst v63  }
.LBB1_8:
0x6e: {  	_ =	sfence.sel $0x180000  }
0x6f: {  	s2 =	simm.s32 $0x1;
	[bflag:$0x0] =	sbarrier.arrive $0xFFFF  }
0x70: {  	s31 =	simm.s32 $0x2;
	[sflag:s2] =	ssyncpa.u1 $0x1  }
0x71: {  	[sflag:s31] =	ssyncpa.u1 $0x1  }
0x72: {  	p0 =	sne.s32 s1, $0x0;
	_ =	strace $0x90000050  }
0x73: {  	s0 =	sadd.s32 @!p0 $0x100000, s0;
	[bflag:$0x2] =	sbarrier.arrive $0xFFFF  }
0x74: {  	[sflag:s0] =	ssyncadd.tile.s32 @!p0 $0x1;
	_ =	shalt  }
.Lfunc_end1:
_tile_overlayer_lowered:
.L_overlay_start_2:
0x75: {  	(tag) =	ssettag $0x2  }
0x76: {  	s0 =	rddreg [dreg:$0x0];
	s2 =	stileid.u32  }
0x77: {  	s1 =	rddreg [dreg:$0x1];
	p0 =	sne.s32 s2, $0x0  }
0x78: {  	s3 =	rddreg [dreg:$0x2];
	[bflag:$0x3] =	sbarrier.arrive $0xFFFF;
	s2 =	simm.s32 @!p0 $0x1C01  }
0x79: {  	[timem:s3], [sflag:s2] =	dma.local @!p0 [hbm:s0], s1  }
0x7a: {  	s0 =	simm.s32 @!p0 $0x1  }
0x7b: {  	_ =	swait.ge @!p0 [sflag:s0], s1  }
0x7c: {  	s1 =	ssub.s32 @!p0 $0x0, s1;
	[sflag:s0] =	ssyncset.done @!p0 $0x0  }
0x7d: {  	[sflag:s0] =	ssyncadd.s32 @!p0 s1  }
0x7e: {  	[bflag:$0x3] =	sbarrier.arrive $0xFFFF  }
0x7f: {  	_ =	shalt  }

</sc_bundles>
